<compile_context>
chip_gen: v7x
topology: tpu7x:2x2x1
jax: 0.10.2.dev20260603
libtpu: 0.0.44.dev20260713+nightly
codegen_flags: <defaults>
</compile_context>

<pallas_src>
import functools

import jax
import jax.numpy as jnp
from jax import lax
from jax.experimental import pallas as pl
from jax.experimental.pallas import tpu as pltpu
from jax.experimental.pallas import tpu_sc as plsc

NC = 2
NS = 16
NW = NC * NS
LANES = 16


def _mesh():
  return plsc.VectorSubcoreMesh(
      core_axis_name="c", subcore_axis_name="s", num_cores=NC, num_subcores=NS
  )


def _make_deg(E, NPAD):
  EPW = E // NW
  ROWS = NPAD // NS

  @functools.partial(
      pl.kernel,
      out_type=jax.ShapeDtypeStruct((NC, NPAD), jnp.float32),
      mesh=_mesh(),
      compiler_params=pltpu.CompilerParams(needs_layout_passes=False),
      scratch_types=[
          pltpu.VMEM((EPW,), jnp.int32),
          pltpu.VMEM((NPAD,), jnp.float32),
          pltpu.VMEM((ROWS,), jnp.float32),
          pltpu.VMEM((ROWS,), jnp.float32),
          pltpu.VMEM_SHARED((NS, NPAD), jnp.float32),
      ],
  )
  def deg_kernel(col_hbm, out_hbm, colv, hist, acc, tmp, shared):
    cid = lax.axis_index("c")
    sid = lax.axis_index("s")
    wid = sid * NC + cid
    pltpu.sync_copy(col_hbm.at[pl.ds(wid * EPW, EPW)], colv)

    zeros16 = jnp.zeros((LANES,), jnp.float32)

    def zero_body(i, _):
      hist[pl.ds(i * LANES, LANES)] = zeros16
      return ()

    lax.fori_loop(0, NPAD // LANES, zero_body, (), unroll=8)

    def hist_body(i, _):
      idx = colv[pl.ds(i * LANES, LANES)]
      cnt, last = plsc.scan_count(idx)
      plsc.addupdate_scatter(hist, [idx], cnt.astype(jnp.float32), mask=last)
      return ()

    lax.fori_loop(0, EPW // LANES, hist_body, (), unroll=4)

    pltpu.sync_copy(hist, shared.at[sid])
    plsc.subcore_barrier()

    base = sid * ROWS
    pltpu.sync_copy(shared.at[0, pl.ds(base, ROWS)], acc)

    def red_body(k, _):
      pltpu.sync_copy(shared.at[k, pl.ds(base, ROWS)], tmp)

      def add_body(i, _):
        s = pl.ds(i * LANES, LANES)
        acc[s] = acc[s] + tmp[s]
        return ()

      lax.fori_loop(0, ROWS // LANES, add_body, (), unroll=8)
      return ()

    lax.fori_loop(1, NS, red_body, ())
    pltpu.sync_copy(acc, out_hbm.at[cid, pl.ds(base, ROWS)])

  return deg_kernel


def _make_prop(E, NPAD, D, NCHUNK, CH):
  ROWS = NPAD // NS

  @functools.partial(
      pl.kernel,
      out_type=jax.ShapeDtypeStruct((NC, NPAD, D), jnp.float32),
      mesh=_mesh(),
      compiler_params=pltpu.CompilerParams(
          needs_layout_passes=False, use_tc_tiling_on_sc=False
      ),
      scratch_types=[
          pltpu.VMEM((NCHUNK, CH), jnp.int32),
          pltpu.VMEM((NCHUNK, CH), jnp.int32),
          pltpu.VMEM((16, CH, D), jnp.float32),
          pltpu.VMEM_SHARED((NPAD, D), jnp.float32),
          pltpu.SemaphoreType.DMA,
          pltpu.SemaphoreType.DMA,
      ],
  )
  def prop_kernel(rowr_hbm, colr_hbm, y_hbm, zeros_hbm, out_hbm,
                  rowv, colv, buf, acc, gsem, ssem):
    cid = lax.axis_index("c")
    sid = lax.axis_index("s")
    wid = sid * NC + cid
    base = sid * ROWS

    pltpu.sync_copy(zeros_hbm.at[pl.ds(base, ROWS)], acc.at[pl.ds(base, ROWS)])
    pltpu.sync_copy(rowr_hbm.at[wid], rowv)
    pltpu.sync_copy(colr_hbm.at[wid], colv)
    plsc.subcore_barrier()

    NBUF = 16
    for p in range(NBUF - 1):
      pltpu.async_copy(y_hbm.at[rowv.at[p]], buf.at[p], gsem)

    def step(j, _):
      slot = lax.rem(j, NBUF)
      pslot = lax.rem(j + NBUF - 1, NBUF)

      @pl.when(j >= 1)
      def _():
        pltpu.make_async_copy(buf.at[pslot], acc.at[colv.at[j - 1]],
                              ssem).wait()

      @pl.when(j + NBUF - 1 < NCHUNK)
      def _():
        pltpu.async_copy(y_hbm.at[rowv.at[j + NBUF - 1]], buf.at[pslot], gsem)

      pltpu.make_async_copy(y_hbm.at[rowv.at[j]], buf.at[slot], gsem).wait()
      pltpu.async_copy(buf.at[slot], acc.at[colv.at[j]], ssem, add=True)
      return ()

    lax.fori_loop(0, NCHUNK, step, (), unroll=4)
    last = NCHUNK - 1
    pltpu.make_async_copy(buf.at[lax.rem(last, NBUF)], acc.at[colv.at[last]],
                          ssem).wait()

    plsc.subcore_barrier()
    pltpu.sync_copy(acc.at[pl.ds(base, ROWS)],
                    out_hbm.at[cid, pl.ds(base, ROWS)])

  return prop_kernel


def _mm_scale_body(x_ref, w_ref, p_ref, dis_ref, y_ref):
  deg = p_ref[:, 0:1] + p_ref[:, 1:2] + 1.0
  dis = lax.rsqrt(deg)
  dis_ref[...] = dis
  xw = jnp.dot(x_ref[...], w_ref[...], preferred_element_type=jnp.float32)
  y_ref[...] = xw * dis


def _mid_body(t_ref, y1_ref, dis_ref, w2_ref, b1_ref, y2_ref):
  dis = dis_ref[...]
  t = jnp.sum(t_ref[...], axis=0) + y1_ref[...]
  h = jnp.maximum(t * dis + b1_ref[...], 0.0)
  y2_ref[...] = jnp.dot(h, w2_ref[...], preferred_element_type=jnp.float32) * dis


def _final_body(t_ref, y2_ref, dis_ref, b2_ref, z_ref):
  z_ref[...] = ((jnp.sum(t_ref[...], axis=0) + y2_ref[...]) * dis_ref[...]
                + b2_ref[...])


def kernel(x, ei, W1, b1, W2, b2):
  N, F = x.shape
  E = ei.shape[1]
  H = W1.shape[1]
  EM = W2.shape[1]

  assert E % (NW * 8) == 0
  EPW = E // NW
  CH = next(c for c in range(128, 0, -1) if EPW % c == 0)
  NCHUNK = EPW // CH
  ROWS = -(-N // NS)
  ROWS = -(ROWS // -LANES) * LANES
  NPAD = NS * ROWS

  BR = 400
  assert N % BR == 0
  GN = N // BR

  rowr = ei[0].reshape(NW, NCHUNK, CH)
  colr = ei[1].reshape(NW, NCHUNK, CH)
  zeros_h = jnp.zeros((NPAD, H), jnp.float32)
  zeros_e = jnp.zeros((NPAD, EM), jnp.float32)

  deg_fn = _make_deg(E, NPAD)
  prop_h = _make_prop(E, NPAD, H, NCHUNK, CH)
  prop_e = _make_prop(E, NPAD, EM, NCHUNK, CH)

  P = deg_fn(ei[1])
  Pt = P.T[:N]
  dis, y1 = pl.pallas_call(
      _mm_scale_body,
      grid=(GN,),
      in_specs=[
          pl.BlockSpec((BR, F), lambda i: (i, 0)),
          pl.BlockSpec((F, H), lambda i: (0, 0)),
          pl.BlockSpec((BR, NC), lambda i: (i, 0)),
      ],
      out_specs=[
          pl.BlockSpec((BR, 1), lambda i: (i, 0)),
          pl.BlockSpec((BR, H), lambda i: (i, 0)),
      ],
      out_shape=[
          jax.ShapeDtypeStruct((N, 1), jnp.float32),
          jax.ShapeDtypeStruct((N, H), jnp.float32),
      ],
  )(x, W1, Pt)

  T1 = prop_h(rowr, colr, y1, zeros_h)

  y2 = pl.pallas_call(
      _mid_body,
      grid=(GN,),
      in_specs=[
          pl.BlockSpec((NC, BR, H), lambda i: (0, i, 0)),
          pl.BlockSpec((BR, H), lambda i: (i, 0)),
          pl.BlockSpec((BR, 1), lambda i: (i, 0)),
          pl.BlockSpec((H, EM), lambda i: (0, 0)),
          pl.BlockSpec((1, H), lambda i: (0, 0)),
      ],
      out_specs=pl.BlockSpec((BR, EM), lambda i: (i, 0)),
      out_shape=jax.ShapeDtypeStruct((N, EM), jnp.float32),
  )(T1, y1, dis, W2, b1.reshape(1, H))

  T2 = prop_e(rowr, colr, y2, zeros_e)

  z = pl.pallas_call(
      _final_body,
      grid=(GN,),
      in_specs=[
          pl.BlockSpec((NC, BR, EM), lambda i: (0, i, 0)),
          pl.BlockSpec((BR, EM), lambda i: (i, 0)),
          pl.BlockSpec((BR, 1), lambda i: (i, 0)),
          pl.BlockSpec((1, EM), lambda i: (0, 0)),
      ],
      out_specs=pl.BlockSpec((BR, EM), lambda i: (i, 0)),
      out_shape=jax.ShapeDtypeStruct((N, EM), jnp.float32),
  )(T2, y2, dis, b2.reshape(1, EM))

  return z

# --- scband reference (transcript-rebuilt; emitter-appended) ---
"""Pipeline reference for scband-gae-63273458204921 (READ-ONLY COPY).

The authoritative reference and input builder live on the scoring server;
editing this copy changes nothing except your own understanding.
"""

import jax, jax.numpy as jnp
import numpy as np

N_NODES = 10000
N_EDGES = 320000
FEAT_DIM = 128
HIDDEN_DIM = 32
EMBED_DIM = 16


def gcn_conv(x, edge_index, W, b, num_nodes):
    # GCNConv with add_self_loops=True, symmetric normalization (PyG semantics)
    row = edge_index[0]
    col = edge_index[1]
    loop = jnp.arange(num_nodes, dtype=row.dtype)
    row = jnp.concatenate([row, loop])
    col = jnp.concatenate([col, loop])
    ew = jnp.ones(row.shape[0], dtype=x.dtype)
    deg = jnp.zeros((num_nodes,), dtype=x.dtype).at[col].add(ew)
    deg_inv_sqrt = deg ** -0.5
    deg_inv_sqrt = jnp.where(jnp.isinf(deg_inv_sqrt), 0.0, deg_inv_sqrt)
    norm = deg_inv_sqrt[row] * ew * deg_inv_sqrt[col]
    xw = x @ W
    msg = xw[row] * norm[:, None]
    out = jnp.zeros((num_nodes, xw.shape[1]), dtype=x.dtype).at[col].add(msg)
    return out + b


def setup_inputs(seed: int = 0) -> dict:
    key = jax.random.key(seed)
    k1, k2, k3, k4 = jax.random.split(key, 4)
    x = jax.random.normal(k1, (N_NODES, FEAT_DIM), dtype=jnp.float32)
    ei = jax.random.randint(k2, (2, N_EDGES), 0, N_NODES, dtype=jnp.int32)
    W1 = jax.random.normal(k3, (FEAT_DIM, HIDDEN_DIM), dtype=jnp.float32) * (1.0 / np.sqrt(FEAT_DIM))
    b1 = jnp.zeros((HIDDEN_DIM,), dtype=jnp.float32)
    W2 = jax.random.normal(k4, (HIDDEN_DIM, EMBED_DIM), dtype=jnp.float32) * (1.0 / np.sqrt(HIDDEN_DIM))
    b2 = jnp.zeros((EMBED_DIM,), dtype=jnp.float32)
    return {"x": x, "ei": ei, "W1": W1, "b1": b1, "W2": W2, "b2": b2}


def reference(x, ei, W1, b1, W2, b2):
    # GAE.forward: c1 -> relu -> dropout(eval=identity) -> c2 -> dropout(eval=identity)
    h = gcn_conv(x, ei, W1, b1, N_NODES)
    h = jax.nn.relu(h)
    z = gcn_conv(h, ei, W2, b2, N_NODES)
    return z

if __name__ == "__main__":
    import jax
    _d = setup_inputs()
    print(jax.jit(kernel)(*tuple(_d.values())))

</pallas_src>

<mosaic_0001>
#map = affine_map<(d0, d1) -> (0, 0, 0)>
#map1 = affine_map<(d0, d1) -> (0, 0)>
module attributes {stable_mosaic.version = 14 : i64} {
  func.func @prop_kernel(%arg0: i32, %arg1: i32, %arg2: memref<32x80x125xi32, #tpu.memory_space<hbm>>, %arg3: memref<32x80x125xi32, #tpu.memory_space<hbm>>, %arg4: memref<10000x32xf32, #tpu.memory_space<hbm>>, %arg5: memref<10240x32xf32, #tpu.memory_space<hbm>>, %arg6: memref<2x10240x32xf32, #tpu.memory_space<hbm>>, %arg7: memref<80x125xi32, #tpu.memory_space<vmem>>, %arg8: memref<80x125xi32, #tpu.memory_space<vmem>>, %arg9: memref<16x125x32xf32, #tpu.memory_space<vmem>>, %arg10: memref<10240x32xf32, #tpu.memory_space<vmem_shared>>, %arg11: memref<!tpu.dma_semaphore, #tpu.memory_space<semaphore_mem>>, %arg12: memref<!tpu.dma_semaphore, #tpu.memory_space<semaphore_mem>>) attributes {dimension_semantics = [#tpu.dimension_semantics<core_parallel>, #tpu.dimension_semantics<subcore_parallel>], iteration_bounds = array<i64: 2, 16>, scalar_prefetch = 0 : i64, scratch_operands = 6 : i64, tpu.core_type = #tpu.core_type<sc_vector_subcore>, window_params = [{transform_indices = #map}, {transform_indices = #map}, {transform_indices = #map1}, {transform_indices = #map1}, {transform_indices = #map}]} {
    %mul3A = arith.constant 2 : i32
    %mul3A_0 = arith.muli %arg1, %mul3A : i32
    %add3A = arith.addi %mul3A_0, %arg0 : i32
    %mul3A_1 = arith.constant 640 : i32
    %mul3A_2 = arith.muli %arg1, %mul3A_1 : i32
    "tpu.region"() ({
      %run_scoped3A = tpu.sem_alloc : memref<!tpu.dma_semaphore, #tpu.memory_space<semaphore_mem>>
      %dma_start3A_199 = arith.constant 0 : i32
      %dma_start3A_200 = tpu.memref_slice %arg10[%mul3A_2, %dma_start3A_199] : memref<10240x32xf32, #tpu.memory_space<vmem_shared>> -> memref<640x32xf32, #tpu.memory_space<vmem_shared>>
      %dma_start3A_201 = arith.constant 0 : i32
      %dma_start3A_202 = tpu.memref_slice %arg5[%mul3A_2, %dma_start3A_201] : memref<10240x32xf32, #tpu.memory_space<hbm>> -> memref<640x32xf32, #tpu.memory_space<hbm>>
      tpu.enqueue_dma source(%dma_start3A_202 : memref<640x32xf32, #tpu.memory_space<hbm>>) target(%dma_start3A_200 : memref<640x32xf32, #tpu.memory_space<vmem_shared>>) target_semaphore(%run_scoped3A : memref<!tpu.dma_semaphore, #tpu.memory_space<semaphore_mem>>)
      %dma_wait3A_203 = arith.constant 0 : i32
      %dma_wait3A_204 = tpu.memref_slice %arg10[%mul3A_2, %dma_wait3A_203] : memref<10240x32xf32, #tpu.memory_space<vmem_shared>> -> memref<640x32xf32, #tpu.memory_space<vmem_shared>>
      %dma_wait3A_205 = arith.constant 0 : i32
      %dma_wait3A_206 = tpu.memref_slice %arg5[%mul3A_2, %dma_wait3A_205] : memref<10240x32xf32, #tpu.memory_space<hbm>> -> memref<640x32xf32, #tpu.memory_space<hbm>>
      tpu.wait_dma2 semaphore(%run_scoped3A : memref<!tpu.dma_semaphore, #tpu.memory_space<semaphore_mem>>) src(%dma_wait3A_206 : memref<640x32xf32, #tpu.memory_space<hbm>>) dst(%dma_wait3A_204 : memref<640x32xf32, #tpu.memory_space<vmem_shared>>)
      tpu.yield
    }) : () -> ()
    "tpu.region"() ({
      %run_scoped3A = tpu.sem_alloc : memref<!tpu.dma_semaphore, #tpu.memory_space<semaphore_mem>>
      %dma_start3A_199 = arith.constant 0 : i32
      %dma_start3A_200 = arith.constant 0 : i32
      %dma_start3A_201 = tpu.memref_slice %arg2[%add3A, %dma_start3A_199, %dma_start3A_200] : memref<32x80x125xi32, #tpu.memory_space<hbm>> -> memref<1x80x125xi32, #tpu.memory_space<hbm>>
      %dma_start3A_202 = tpu.memref_squeeze %dma_start3A_201 : memref<1x80x125xi32, #tpu.memory_space<hbm>> -> memref<80x125xi32, #tpu.memory_space<hbm>>
      %dma_start3A_203 = arith.constant 0 : i32
      %dma_start3A_204 = arith.constant 0 : i32
      %dma_start3A_205 = tpu.memref_slice %arg2[%add3A, %dma_start3A_203, %dma_start3A_204] : memref<32x80x125xi32, #tpu.memory_space<hbm>> -> memref<1x80x125xi32, #tpu.memory_space<hbm>>
      %dma_start3A_206 = tpu.memref_squeeze %dma_start3A_205 : memref<1x80x125xi32, #tpu.memory_space<hbm>> -> memref<80x125xi32, #tpu.memory_space<hbm>>
      tpu.enqueue_dma source(%dma_start3A_206 : memref<80x125xi32, #tpu.memory_space<hbm>>) target(%arg7 : memref<80x125xi32, #tpu.memory_space<vmem>>) target_semaphore(%run_scoped3A : memref<!tpu.dma_semaphore, #tpu.memory_space<semaphore_mem>>)
      %dma_wait3A_207 = arith.constant 0 : i32
      %dma_wait3A_208 = arith.constant 0 : i32
      %dma_wait3A_209 = tpu.memref_slice %arg2[%add3A, %dma_wait3A_207, %dma_wait3A_208] : memref<32x80x125xi32, #tpu.memory_space<hbm>> -> memref<1x80x125xi32, #tpu.memory_space<hbm>>
      %dma_wait3A_210 = tpu.memref_squeeze %dma_wait3A_209 : memref<1x80x125xi32, #tpu.memory_space<hbm>> -> memref<80x125xi32, #tpu.memory_space<hbm>>
      %dma_wait3A_211 = arith.constant 0 : i32
      %dma_wait3A_212 = arith.constant 0 : i32
      %dma_wait3A_213 = tpu.memref_slice %arg2[%add3A, %dma_wait3A_211, %dma_wait3A_212] : memref<32x80x125xi32, #tpu.memory_space<hbm>> -> memref<1x80x125xi32, #tpu.memory_space<hbm>>
      %dma_wait3A_214 = tpu.memref_squeeze %dma_wait3A_213 : memref<1x80x125xi32, #tpu.memory_space<hbm>> -> memref<80x125xi32, #tpu.memory_space<hbm>>
      tpu.wait_dma2 semaphore(%run_scoped3A : memref<!tpu.dma_semaphore, #tpu.memory_space<semaphore_mem>>) src(%dma_wait3A_214 : memref<80x125xi32, #tpu.memory_space<hbm>>) dst(%arg7 : memref<80x125xi32, #tpu.memory_space<vmem>>)
      tpu.yield
    }) : () -> ()
    "tpu.region"() ({
      %run_scoped3A = tpu.sem_alloc : memref<!tpu.dma_semaphore, #tpu.memory_space<semaphore_mem>>
      %dma_start3A_199 = arith.constant 0 : i32
      %dma_start3A_200 = arith.constant 0 : i32
      %dma_start3A_201 = tpu.memref_slice %arg3[%add3A, %dma_start3A_199, %dma_start3A_200] : memref<32x80x125xi32, #tpu.memory_space<hbm>> -> memref<1x80x125xi32, #tpu.memory_space<hbm>>
      %dma_start3A_202 = tpu.memref_squeeze %dma_start3A_201 : memref<1x80x125xi32, #tpu.memory_space<hbm>> -> memref<80x125xi32, #tpu.memory_space<hbm>>
      %dma_start3A_203 = arith.constant 0 : i32
      %dma_start3A_204 = arith.constant 0 : i32
      %dma_start3A_205 = tpu.memref_slice %arg3[%add3A, %dma_start3A_203, %dma_start3A_204] : memref<32x80x125xi32, #tpu.memory_space<hbm>> -> memref<1x80x125xi32, #tpu.memory_space<hbm>>
      %dma_start3A_206 = tpu.memref_squeeze %dma_start3A_205 : memref<1x80x125xi32, #tpu.memory_space<hbm>> -> memref<80x125xi32, #tpu.memory_space<hbm>>
      tpu.enqueue_dma source(%dma_start3A_206 : memref<80x125xi32, #tpu.memory_space<hbm>>) target(%arg8 : memref<80x125xi32, #tpu.memory_space<vmem>>) target_semaphore(%run_scoped3A : memref<!tpu.dma_semaphore, #tpu.memory_space<semaphore_mem>>)
      %dma_wait3A_207 = arith.constant 0 : i32
      %dma_wait3A_208 = arith.constant 0 : i32
      %dma_wait3A_209 = tpu.memref_slice %arg3[%add3A, %dma_wait3A_207, %dma_wait3A_208] : memref<32x80x125xi32, #tpu.memory_space<hbm>> -> memref<1x80x125xi32, #tpu.memory_space<hbm>>
      %dma_wait3A_210 = tpu.memref_squeeze %dma_wait3A_209 : memref<1x80x125xi32, #tpu.memory_space<hbm>> -> memref<80x125xi32, #tpu.memory_space<hbm>>
      %dma_wait3A_211 = arith.constant 0 : i32
      %dma_wait3A_212 = arith.constant 0 : i32
      %dma_wait3A_213 = tpu.memref_slice %arg3[%add3A, %dma_wait3A_211, %dma_wait3A_212] : memref<32x80x125xi32, #tpu.memory_space<hbm>> -> memref<1x80x125xi32, #tpu.memory_space<hbm>>
      %dma_wait3A_214 = tpu.memref_squeeze %dma_wait3A_213 : memref<1x80x125xi32, #tpu.memory_space<hbm>> -> memref<80x125xi32, #tpu.memory_space<hbm>>
      tpu.wait_dma2 semaphore(%run_scoped3A : memref<!tpu.dma_semaphore, #tpu.memory_space<semaphore_mem>>) src(%dma_wait3A_214 : memref<80x125xi32, #tpu.memory_space<hbm>>) dst(%arg8 : memref<80x125xi32, #tpu.memory_space<vmem>>)
      tpu.yield
    }) : () -> ()
    %barrier3A = arith.constant 0 : index
    tpu.barrier barrier_id(%barrier3A)
    %dma_start3A = arith.constant 0 : i32
    %dma_start3A_3 = arith.constant 0 : i32
    %dma_start3A_4 = arith.constant 0 : i32
    %dma_start3A_5 = arith.constant 0 : i32
    %dma_start3A_6 = tpu.memref_slice %arg9[%dma_start3A_3, %dma_start3A_4, %dma_start3A_5] : memref<16x125x32xf32, #tpu.memory_space<vmem>> -> memref<1x125x32xf32, #tpu.memory_space<vmem>>
    %dma_start3A_7 = tpu.memref_squeeze %dma_start3A_6 : memref<1x125x32xf32, #tpu.memory_space<vmem>> -> memref<125x32xf32, #tpu.memory_space<vmem>>
    %dma_start3A_8 = arith.constant 0 : i32
    %dma_start3A_9 = tpu.memref_slice %arg7[%dma_start3A, %dma_start3A_8] : memref<80x125xi32, #tpu.memory_space<vmem>> -> memref<1x125xi32, #tpu.memory_space<vmem>>
    %dma_start3A_10 = tpu.memref_squeeze %dma_start3A_9 : memref<1x125xi32, #tpu.memory_space<vmem>> -> memref<125xi32, #tpu.memory_space<vmem>>
    %dma_start3A_11 = arith.constant 0 : i32
    %dma_start3A_12 = arith.constant 0 : i32
    %dma_start3A_13 = tpu.memref_slice %arg4[%dma_start3A_11, %dma_start3A_12] : memref<10000x32xf32, #tpu.memory_space<hbm>> -> memref<10000x32xf32, #tpu.memory_space<hbm>>
    tpu.enqueue_indirect_dma source(%dma_start3A_13 : memref<10000x32xf32, #tpu.memory_space<hbm>>) target(%dma_start3A_7 : memref<125x32xf32, #tpu.memory_space<vmem>>) offsets(%dma_start3A_10 : memref<125xi32, #tpu.memory_space<vmem>>) semaphore(%arg11 : memref<!tpu.dma_semaphore, #tpu.memory_space<semaphore_mem>>)
    %dma_start3A_14 = arith.constant 1 : i32
    %dma_start3A_15 = arith.constant 1 : i32
    %dma_start3A_16 = arith.constant 0 : i32
    %dma_start3A_17 = arith.constant 0 : i32
    %dma_start3A_18 = tpu.memref_slice %arg9[%dma_start3A_15, %dma_start3A_16, %dma_start3A_17] : memref<16x125x32xf32, #tpu.memory_space<vmem>> -> memref<1x125x32xf32, #tpu.memory_space<vmem>>
    %dma_start3A_19 = tpu.memref_squeeze %dma_start3A_18 : memref<1x125x32xf32, #tpu.memory_space<vmem>> -> memref<125x32xf32, #tpu.memory_space<vmem>>
    %dma_start3A_20 = arith.constant 0 : i32
    %dma_start3A_21 = tpu.memref_slice %arg7[%dma_start3A_14, %dma_start3A_20] : memref<80x125xi32, #tpu.memory_space<vmem>> -> memref<1x125xi32, #tpu.memory_space<vmem>>
    %dma_start3A_22 = tpu.memref_squeeze %dma_start3A_21 : memref<1x125xi32, #tpu.memory_space<vmem>> -> memref<125xi32, #tpu.memory_space<vmem>>
    %dma_start3A_23 = arith.constant 0 : i32
    %dma_start3A_24 = arith.constant 0 : i32
    %dma_start3A_25 = tpu.memref_slice %arg4[%dma_start3A_23, %dma_start3A_24] : memref<10000x32xf32, #tpu.memory_space<hbm>> -> memref<10000x32xf32, #tpu.memory_space<hbm>>
    tpu.enqueue_indirect_dma source(%dma_start3A_25 : memref<10000x32xf32, #tpu.memory_space<hbm>>) target(%dma_start3A_19 : memref<125x32xf32, #tpu.memory_space<vmem>>) offsets(%dma_start3A_22 : memref<125xi32, #tpu.memory_space<vmem>>) semaphore(%arg11 : memref<!tpu.dma_semaphore, #tpu.memory_space<semaphore_mem>>)
    %dma_start3A_26 = arith.constant 2 : i32
    %dma_start3A_27 = arith.constant 2 : i32
    %dma_start3A_28 = arith.constant 0 : i32
    %dma_start3A_29 = arith.constant 0 : i32
    %dma_start3A_30 = tpu.memref_slice %arg9[%dma_start3A_27, %dma_start3A_28, %dma_start3A_29] : memref<16x125x32xf32, #tpu.memory_space<vmem>> -> memref<1x125x32xf32, #tpu.memory_space<vmem>>
    %dma_start3A_31 = tpu.memref_squeeze %dma_start3A_30 : memref<1x125x32xf32, #tpu.memory_space<vmem>> -> memref<125x32xf32, #tpu.memory_space<vmem>>
    %dma_start3A_32 = arith.constant 0 : i32
    %dma_start3A_33 = tpu.memref_slice %arg7[%dma_start3A_26, %dma_start3A_32] : memref<80x125xi32, #tpu.memory_space<vmem>> -> memref<1x125xi32, #tpu.memory_space<vmem>>
    %dma_start3A_34 = tpu.memref_squeeze %dma_start3A_33 : memref<1x125xi32, #tpu.memory_space<vmem>> -> memref<125xi32, #tpu.memory_space<vmem>>
    %dma_start3A_35 = arith.constant 0 : i32
    %dma_start3A_36 = arith.constant 0 : i32
    %dma_start3A_37 = tpu.memref_slice %arg4[%dma_start3A_35, %dma_start3A_36] : memref<10000x32xf32, #tpu.memory_space<hbm>> -> memref<10000x32xf32, #tpu.memory_space<hbm>>
    tpu.enqueue_indirect_dma source(%dma_start3A_37 : memref<10000x32xf32, #tpu.memory_space<hbm>>) target(%dma_start3A_31 : memref<125x32xf32, #tpu.memory_space<vmem>>) offsets(%dma_start3A_34 : memref<125xi32, #tpu.memory_space<vmem>>) semaphore(%arg11 : memref<!tpu.dma_semaphore, #tpu.memory_space<semaphore_mem>>)
    %dma_start3A_38 = arith.constant 3 : i32
    %dma_start3A_39 = arith.constant 3 : i32
    %dma_start3A_40 = arith.constant 0 : i32
    %dma_start3A_41 = arith.constant 0 : i32
    %dma_start3A_42 = tpu.memref_slice %arg9[%dma_start3A_39, %dma_start3A_40, %dma_start3A_41] : memref<16x125x32xf32, #tpu.memory_space<vmem>> -> memref<1x125x32xf32, #tpu.memory_space<vmem>>
    %dma_start3A_43 = tpu.memref_squeeze %dma_start3A_42 : memref<1x125x32xf32, #tpu.memory_space<vmem>> -> memref<125x32xf32, #tpu.memory_space<vmem>>
    %dma_start3A_44 = arith.constant 0 : i32
    %dma_start3A_45 = tpu.memref_slice %arg7[%dma_start3A_38, %dma_start3A_44] : memref<80x125xi32, #tpu.memory_space<vmem>> -> memref<1x125xi32, #tpu.memory_space<vmem>>
    %dma_start3A_46 = tpu.memref_squeeze %dma_start3A_45 : memref<1x125xi32, #tpu.memory_space<vmem>> -> memref<125xi32, #tpu.memory_space<vmem>>
    %dma_start3A_47 = arith.constant 0 : i32
    %dma_start3A_48 = arith.constant 0 : i32
    %dma_start3A_49 = tpu.memref_slice %arg4[%dma_start3A_47, %dma_start3A_48] : memref<10000x32xf32, #tpu.memory_space<hbm>> -> memref<10000x32xf32, #tpu.memory_space<hbm>>
    tpu.enqueue_indirect_dma source(%dma_start3A_49 : memref<10000x32xf32, #tpu.memory_space<hbm>>) target(%dma_start3A_43 : memref<125x32xf32, #tpu.memory_space<vmem>>) offsets(%dma_start3A_46 : memref<125xi32, #tpu.memory_space<vmem>>) semaphore(%arg11 : memref<!tpu.dma_semaphore, #tpu.memory_space<semaphore_mem>>)
    %dma_start3A_50 = arith.constant 4 : i32
    %dma_start3A_51 = arith.constant 4 : i32
    %dma_start3A_52 = arith.constant 0 : i32
    %dma_start3A_53 = arith.constant 0 : i32
    %dma_start3A_54 = tpu.memref_slice %arg9[%dma_start3A_51, %dma_start3A_52, %dma_start3A_53] : memref<16x125x32xf32, #tpu.memory_space<vmem>> -> memref<1x125x32xf32, #tpu.memory_space<vmem>>
    %dma_start3A_55 = tpu.memref_squeeze %dma_start3A_54 : memref<1x125x32xf32, #tpu.memory_space<vmem>> -> memref<125x32xf32, #tpu.memory_space<vmem>>
    %dma_start3A_56 = arith.constant 0 : i32
    %dma_start3A_57 = tpu.memref_slice %arg7[%dma_start3A_50, %dma_start3A_56] : memref<80x125xi32, #tpu.memory_space<vmem>> -> memref<1x125xi32, #tpu.memory_space<vmem>>
    %dma_start3A_58 = tpu.memref_squeeze %dma_start3A_57 : memref<1x125xi32, #tpu.memory_space<vmem>> -> memref<125xi32, #tpu.memory_space<vmem>>
    %dma_start3A_59 = arith.constant 0 : i32
    %dma_start3A_60 = arith.constant 0 : i32
    %dma_start3A_61 = tpu.memref_slice %arg4[%dma_start3A_59, %dma_start3A_60] : memref<10000x32xf32, #tpu.memory_space<hbm>> -> memref<10000x32xf32, #tpu.memory_space<hbm>>
    tpu.enqueue_indirect_dma source(%dma_start3A_61 : memref<10000x32xf32, #tpu.memory_space<hbm>>) target(%dma_start3A_55 : memref<125x32xf32, #tpu.memory_space<vmem>>) offsets(%dma_start3A_58 : memref<125xi32, #tpu.memory_space<vmem>>) semaphore(%arg11 : memref<!tpu.dma_semaphore, #tpu.memory_space<semaphore_mem>>)
    %dma_start3A_62 = arith.constant 5 : i32
    %dma_start3A_63 = arith.constant 5 : i32
    %dma_start3A_64 = arith.constant 0 : i32
    %dma_start3A_65 = arith.constant 0 : i32
    %dma_start3A_66 = tpu.memref_slice %arg9[%dma_start3A_63, %dma_start3A_64, %dma_start3A_65] : memref<16x125x32xf32, #tpu.memory_space<vmem>> -> memref<1x125x32xf32, #tpu.memory_space<vmem>>
    %dma_start3A_67 = tpu.memref_squeeze %dma_start3A_66 : memref<1x125x32xf32, #tpu.memory_space<vmem>> -> memref<125x32xf32, #tpu.memory_space<vmem>>
    %dma_start3A_68 = arith.constant 0 : i32
    %dma_start3A_69 = tpu.memref_slice %arg7[%dma_start3A_62, %dma_start3A_68] : memref<80x125xi32, #tpu.memory_space<vmem>> -> memref<1x125xi32, #tpu.memory_space<vmem>>
    %dma_start3A_70 = tpu.memref_squeeze %dma_start3A_69 : memref<1x125xi32, #tpu.memory_space<vmem>> -> memref<125xi32, #tpu.memory_space<vmem>>
    %dma_start3A_71 = arith.constant 0 : i32
    %dma_start3A_72 = arith.constant 0 : i32
    %dma_start3A_73 = tpu.memref_slice %arg4[%dma_start3A_71, %dma_start3A_72] : memref<10000x32xf32, #tpu.memory_space<hbm>> -> memref<10000x32xf32, #tpu.memory_space<hbm>>
    tpu.enqueue_indirect_dma source(%dma_start3A_73 : memref<10000x32xf32, #tpu.memory_space<hbm>>) target(%dma_start3A_67 : memref<125x32xf32, #tpu.memory_space<vmem>>) offsets(%dma_start3A_70 : memref<125xi32, #tpu.memory_space<vmem>>) semaphore(%arg11 : memref<!tpu.dma_semaphore, #tpu.memory_space<semaphore_mem>>)
    %dma_start3A_74 = arith.constant 6 : i32
    %dma_start3A_75 = arith.constant 6 : i32
    %dma_start3A_76 = arith.constant 0 : i32
    %dma_start3A_77 = arith.constant 0 : i32
    %dma_start3A_78 = tpu.memref_slice %arg9[%dma_start3A_75, %dma_start3A_76, %dma_start3A_77] : memref<16x125x32xf32, #tpu.memory_space<vmem>> -> memref<1x125x32xf32, #tpu.memory_space<vmem>>
    %dma_start3A_79 = tpu.memref_squeeze %dma_start3A_78 : memref<1x125x32xf32, #tpu.memory_space<vmem>> -> memref<125x32xf32, #tpu.memory_space<vmem>>
    %dma_start3A_80 = arith.constant 0 : i32
    %dma_start3A_81 = tpu.memref_slice %arg7[%dma_start3A_74, %dma_start3A_80] : memref<80x125xi32, #tpu.memory_space<vmem>> -> memref<1x125xi32, #tpu.memory_space<vmem>>
    %dma_start3A_82 = tpu.memref_squeeze %dma_start3A_81 : memref<1x125xi32, #tpu.memory_space<vmem>> -> memref<125xi32, #tpu.memory_space<vmem>>
    %dma_start3A_83 = arith.constant 0 : i32
    %dma_start3A_84 = arith.constant 0 : i32
    %dma_start3A_85 = tpu.memref_slice %arg4[%dma_start3A_83, %dma_start3A_84] : memref<10000x32xf32, #tpu.memory_space<hbm>> -> memref<10000x32xf32, #tpu.memory_space<hbm>>
    tpu.enqueue_indirect_dma source(%dma_start3A_85 : memref<10000x32xf32, #tpu.memory_space<hbm>>) target(%dma_start3A_79 : memref<125x32xf32, #tpu.memory_space<vmem>>) offsets(%dma_start3A_82 : memref<125xi32, #tpu.memory_space<vmem>>) semaphore(%arg11 : memref<!tpu.dma_semaphore, #tpu.memory_space<semaphore_mem>>)
    %dma_start3A_86 = arith.constant 7 : i32
    %dma_start3A_87 = arith.constant 7 : i32
    %dma_start3A_88 = arith.constant 0 : i32
    %dma_start3A_89 = arith.constant 0 : i32
    %dma_start3A_90 = tpu.memref_slice %arg9[%dma_start3A_87, %dma_start3A_88, %dma_start3A_89] : memref<16x125x32xf32, #tpu.memory_space<vmem>> -> memref<1x125x32xf32, #tpu.memory_space<vmem>>
    %dma_start3A_91 = tpu.memref_squeeze %dma_start3A_90 : memref<1x125x32xf32, #tpu.memory_space<vmem>> -> memref<125x32xf32, #tpu.memory_space<vmem>>
    %dma_start3A_92 = arith.constant 0 : i32
    %dma_start3A_93 = tpu.memref_slice %arg7[%dma_start3A_86, %dma_start3A_92] : memref<80x125xi32, #tpu.memory_space<vmem>> -> memref<1x125xi32, #tpu.memory_space<vmem>>
    %dma_start3A_94 = tpu.memref_squeeze %dma_start3A_93 : memref<1x125xi32, #tpu.memory_space<vmem>> -> memref<125xi32, #tpu.memory_space<vmem>>
    %dma_start3A_95 = arith.constant 0 : i32
    %dma_start3A_96 = arith.constant 0 : i32
    %dma_start3A_97 = tpu.memref_slice %arg4[%dma_start3A_95, %dma_start3A_96] : memref<10000x32xf32, #tpu.memory_space<hbm>> -> memref<10000x32xf32, #tpu.memory_space<hbm>>
    tpu.enqueue_indirect_dma source(%dma_start3A_97 : memref<10000x32xf32, #tpu.memory_space<hbm>>) target(%dma_start3A_91 : memref<125x32xf32, #tpu.memory_space<vmem>>) offsets(%dma_start3A_94 : memref<125xi32, #tpu.memory_space<vmem>>) semaphore(%arg11 : memref<!tpu.dma_semaphore, #tpu.memory_space<semaphore_mem>>)
    %dma_start3A_98 = arith.constant 8 : i32
    %dma_start3A_99 = arith.constant 8 : i32
    %dma_start3A_100 = arith.constant 0 : i32
    %dma_start3A_101 = arith.constant 0 : i32
    %dma_start3A_102 = tpu.memref_slice %arg9[%dma_start3A_99, %dma_start3A_100, %dma_start3A_101] : memref<16x125x32xf32, #tpu.memory_space<vmem>> -> memref<1x125x32xf32, #tpu.memory_space<vmem>>
    %dma_start3A_103 = tpu.memref_squeeze %dma_start3A_102 : memref<1x125x32xf32, #tpu.memory_space<vmem>> -> memref<125x32xf32, #tpu.memory_space<vmem>>
    %dma_start3A_104 = arith.constant 0 : i32
    %dma_start3A_105 = tpu.memref_slice %arg7[%dma_start3A_98, %dma_start3A_104] : memref<80x125xi32, #tpu.memory_space<vmem>> -> memref<1x125xi32, #tpu.memory_space<vmem>>
    %dma_start3A_106 = tpu.memref_squeeze %dma_start3A_105 : memref<1x125xi32, #tpu.memory_space<vmem>> -> memref<125xi32, #tpu.memory_space<vmem>>
    %dma_start3A_107 = arith.constant 0 : i32
    %dma_start3A_108 = arith.constant 0 : i32
    %dma_start3A_109 = tpu.memref_slice %arg4[%dma_start3A_107, %dma_start3A_108] : memref<10000x32xf32, #tpu.memory_space<hbm>> -> memref<10000x32xf32, #tpu.memory_space<hbm>>
    tpu.enqueue_indirect_dma source(%dma_start3A_109 : memref<10000x32xf32, #tpu.memory_space<hbm>>) target(%dma_start3A_103 : memref<125x32xf32, #tpu.memory_space<vmem>>) offsets(%dma_start3A_106 : memref<125xi32, #tpu.memory_space<vmem>>) semaphore(%arg11 : memref<!tpu.dma_semaphore, #tpu.memory_space<semaphore_mem>>)
    %dma_start3A_110 = arith.constant 9 : i32
    %dma_start3A_111 = arith.constant 9 : i32
    %dma_start3A_112 = arith.constant 0 : i32
    %dma_start3A_113 = arith.constant 0 : i32
    %dma_start3A_114 = tpu.memref_slice %arg9[%dma_start3A_111, %dma_start3A_112, %dma_start3A_113] : memref<16x125x32xf32, #tpu.memory_space<vmem>> -> memref<1x125x32xf32, #tpu.memory_space<vmem>>
    %dma_start3A_115 = tpu.memref_squeeze %dma_start3A_114 : memref<1x125x32xf32, #tpu.memory_space<vmem>> -> memref<125x32xf32, #tpu.memory_space<vmem>>
    %dma_start3A_116 = arith.constant 0 : i32
    %dma_start3A_117 = tpu.memref_slice %arg7[%dma_start3A_110, %dma_start3A_116] : memref<80x125xi32, #tpu.memory_space<vmem>> -> memref<1x125xi32, #tpu.memory_space<vmem>>
    %dma_start3A_118 = tpu.memref_squeeze %dma_start3A_117 : memref<1x125xi32, #tpu.memory_space<vmem>> -> memref<125xi32, #tpu.memory_space<vmem>>
    %dma_start3A_119 = arith.constant 0 : i32
    %dma_start3A_120 = arith.constant 0 : i32
    %dma_start3A_121 = tpu.memref_slice %arg4[%dma_start3A_119, %dma_start3A_120] : memref<10000x32xf32, #tpu.memory_space<hbm>> -> memref<10000x32xf32, #tpu.memory_space<hbm>>
    tpu.enqueue_indirect_dma source(%dma_start3A_121 : memref<10000x32xf32, #tpu.memory_space<hbm>>) target(%dma_start3A_115 : memref<125x32xf32, #tpu.memory_space<vmem>>) offsets(%dma_start3A_118 : memref<125xi32, #tpu.memory_space<vmem>>) semaphore(%arg11 : memref<!tpu.dma_semaphore, #tpu.memory_space<semaphore_mem>>)
    %dma_start3A_122 = arith.constant 10 : i32
    %dma_start3A_123 = arith.constant 10 : i32
    %dma_start3A_124 = arith.constant 0 : i32
    %dma_start3A_125 = arith.constant 0 : i32
    %dma_start3A_126 = tpu.memref_slice %arg9[%dma_start3A_123, %dma_start3A_124, %dma_start3A_125] : memref<16x125x32xf32, #tpu.memory_space<vmem>> -> memref<1x125x32xf32, #tpu.memory_space<vmem>>
    %dma_start3A_127 = tpu.memref_squeeze %dma_start3A_126 : memref<1x125x32xf32, #tpu.memory_space<vmem>> -> memref<125x32xf32, #tpu.memory_space<vmem>>
    %dma_start3A_128 = arith.constant 0 : i32
    %dma_start3A_129 = tpu.memref_slice %arg7[%dma_start3A_122, %dma_start3A_128] : memref<80x125xi32, #tpu.memory_space<vmem>> -> memref<1x125xi32, #tpu.memory_space<vmem>>
    %dma_start3A_130 = tpu.memref_squeeze %dma_start3A_129 : memref<1x125xi32, #tpu.memory_space<vmem>> -> memref<125xi32, #tpu.memory_space<vmem>>
    %dma_start3A_131 = arith.constant 0 : i32
    %dma_start3A_132 = arith.constant 0 : i32
    %dma_start3A_133 = tpu.memref_slice %arg4[%dma_start3A_131, %dma_start3A_132] : memref<10000x32xf32, #tpu.memory_space<hbm>> -> memref<10000x32xf32, #tpu.memory_space<hbm>>
    tpu.enqueue_indirect_dma source(%dma_start3A_133 : memref<10000x32xf32, #tpu.memory_space<hbm>>) target(%dma_start3A_127 : memref<125x32xf32, #tpu.memory_space<vmem>>) offsets(%dma_start3A_130 : memref<125xi32, #tpu.memory_space<vmem>>) semaphore(%arg11 : memref<!tpu.dma_semaphore, #tpu.memory_space<semaphore_mem>>)
    %dma_start3A_134 = arith.constant 11 : i32
    %dma_start3A_135 = arith.constant 11 : i32
    %dma_start3A_136 = arith.constant 0 : i32
    %dma_start3A_137 = arith.constant 0 : i32
    %dma_start3A_138 = tpu.memref_slice %arg9[%dma_start3A_135, %dma_start3A_136, %dma_start3A_137] : memref<16x125x32xf32, #tpu.memory_space<vmem>> -> memref<1x125x32xf32, #tpu.memory_space<vmem>>
    %dma_start3A_139 = tpu.memref_squeeze %dma_start3A_138 : memref<1x125x32xf32, #tpu.memory_space<vmem>> -> memref<125x32xf32, #tpu.memory_space<vmem>>
    %dma_start3A_140 = arith.constant 0 : i32
    %dma_start3A_141 = tpu.memref_slice %arg7[%dma_start3A_134, %dma_start3A_140] : memref<80x125xi32, #tpu.memory_space<vmem>> -> memref<1x125xi32, #tpu.memory_space<vmem>>
    %dma_start3A_142 = tpu.memref_squeeze %dma_start3A_141 : memref<1x125xi32, #tpu.memory_space<vmem>> -> memref<125xi32, #tpu.memory_space<vmem>>
    %dma_start3A_143 = arith.constant 0 : i32
    %dma_start3A_144 = arith.constant 0 : i32
    %dma_start3A_145 = tpu.memref_slice %arg4[%dma_start3A_143, %dma_start3A_144] : memref<10000x32xf32, #tpu.memory_space<hbm>> -> memref<10000x32xf32, #tpu.memory_space<hbm>>
    tpu.enqueue_indirect_dma source(%dma_start3A_145 : memref<10000x32xf32, #tpu.memory_space<hbm>>) target(%dma_start3A_139 : memref<125x32xf32, #tpu.memory_space<vmem>>) offsets(%dma_start3A_142 : memref<125xi32, #tpu.memory_space<vmem>>) semaphore(%arg11 : memref<!tpu.dma_semaphore, #tpu.memory_space<semaphore_mem>>)
    %dma_start3A_146 = arith.constant 12 : i32
    %dma_start3A_147 = arith.constant 12 : i32
    %dma_start3A_148 = arith.constant 0 : i32
    %dma_start3A_149 = arith.constant 0 : i32
    %dma_start3A_150 = tpu.memref_slice %arg9[%dma_start3A_147, %dma_start3A_148, %dma_start3A_149] : memref<16x125x32xf32, #tpu.memory_space<vmem>> -> memref<1x125x32xf32, #tpu.memory_space<vmem>>
    %dma_start3A_151 = tpu.memref_squeeze %dma_start3A_150 : memref<1x125x32xf32, #tpu.memory_space<vmem>> -> memref<125x32xf32, #tpu.memory_space<vmem>>
    %dma_start3A_152 = arith.constant 0 : i32
    %dma_start3A_153 = tpu.memref_slice %arg7[%dma_start3A_146, %dma_start3A_152] : memref<80x125xi32, #tpu.memory_space<vmem>> -> memref<1x125xi32, #tpu.memory_space<vmem>>
    %dma_start3A_154 = tpu.memref_squeeze %dma_start3A_153 : memref<1x125xi32, #tpu.memory_space<vmem>> -> memref<125xi32, #tpu.memory_space<vmem>>
    %dma_start3A_155 = arith.constant 0 : i32
    %dma_start3A_156 = arith.constant 0 : i32
    %dma_start3A_157 = tpu.memref_slice %arg4[%dma_start3A_155, %dma_start3A_156] : memref<10000x32xf32, #tpu.memory_space<hbm>> -> memref<10000x32xf32, #tpu.memory_space<hbm>>
    tpu.enqueue_indirect_dma source(%dma_start3A_157 : memref<10000x32xf32, #tpu.memory_space<hbm>>) target(%dma_start3A_151 : memref<125x32xf32, #tpu.memory_space<vmem>>) offsets(%dma_start3A_154 : memref<125xi32, #tpu.memory_space<vmem>>) semaphore(%arg11 : memref<!tpu.dma_semaphore, #tpu.memory_space<semaphore_mem>>)
    %dma_start3A_158 = arith.constant 13 : i32
    %dma_start3A_159 = arith.constant 13 : i32
    %dma_start3A_160 = arith.constant 0 : i32
    %dma_start3A_161 = arith.constant 0 : i32
    %dma_start3A_162 = tpu.memref_slice %arg9[%dma_start3A_159, %dma_start3A_160, %dma_start3A_161] : memref<16x125x32xf32, #tpu.memory_space<vmem>> -> memref<1x125x32xf32, #tpu.memory_space<vmem>>
    %dma_start3A_163 = tpu.memref_squeeze %dma_start3A_162 : memref<1x125x32xf32, #tpu.memory_space<vmem>> -> memref<125x32xf32, #tpu.memory_space<vmem>>
    %dma_start3A_164 = arith.constant 0 : i32
    %dma_start3A_165 = tpu.memref_slice %arg7[%dma_start3A_158, %dma_start3A_164] : memref<80x125xi32, #tpu.memory_space<vmem>> -> memref<1x125xi32, #tpu.memory_space<vmem>>
    %dma_start3A_166 = tpu.memref_squeeze %dma_start3A_165 : memref<1x125xi32, #tpu.memory_space<vmem>> -> memref<125xi32, #tpu.memory_space<vmem>>
    %dma_start3A_167 = arith.constant 0 : i32
    %dma_start3A_168 = arith.constant 0 : i32
    %dma_start3A_169 = tpu.memref_slice %arg4[%dma_start3A_167, %dma_start3A_168] : memref<10000x32xf32, #tpu.memory_space<hbm>> -> memref<10000x32xf32, #tpu.memory_space<hbm>>
    tpu.enqueue_indirect_dma source(%dma_start3A_169 : memref<10000x32xf32, #tpu.memory_space<hbm>>) target(%dma_start3A_163 : memref<125x32xf32, #tpu.memory_space<vmem>>) offsets(%dma_start3A_166 : memref<125xi32, #tpu.memory_space<vmem>>) semaphore(%arg11 : memref<!tpu.dma_semaphore, #tpu.memory_space<semaphore_mem>>)
    %dma_start3A_170 = arith.constant 14 : i32
    %dma_start3A_171 = arith.constant 14 : i32
    %dma_start3A_172 = arith.constant 0 : i32
    %dma_start3A_173 = arith.constant 0 : i32
    %dma_start3A_174 = tpu.memref_slice %arg9[%dma_start3A_171, %dma_start3A_172, %dma_start3A_173] : memref<16x125x32xf32, #tpu.memory_space<vmem>> -> memref<1x125x32xf32, #tpu.memory_space<vmem>>
    %dma_start3A_175 = tpu.memref_squeeze %dma_start3A_174 : memref<1x125x32xf32, #tpu.memory_space<vmem>> -> memref<125x32xf32, #tpu.memory_space<vmem>>
    %dma_start3A_176 = arith.constant 0 : i32
    %dma_start3A_177 = tpu.memref_slice %arg7[%dma_start3A_170, %dma_start3A_176] : memref<80x125xi32, #tpu.memory_space<vmem>> -> memref<1x125xi32, #tpu.memory_space<vmem>>
    %dma_start3A_178 = tpu.memref_squeeze %dma_start3A_177 : memref<1x125xi32, #tpu.memory_space<vmem>> -> memref<125xi32, #tpu.memory_space<vmem>>
    %dma_start3A_179 = arith.constant 0 : i32
    %dma_start3A_180 = arith.constant 0 : i32
    %dma_start3A_181 = tpu.memref_slice %arg4[%dma_start3A_179, %dma_start3A_180] : memref<10000x32xf32, #tpu.memory_space<hbm>> -> memref<10000x32xf32, #tpu.memory_space<hbm>>
    tpu.enqueue_indirect_dma source(%dma_start3A_181 : memref<10000x32xf32, #tpu.memory_space<hbm>>) target(%dma_start3A_175 : memref<125x32xf32, #tpu.memory_space<vmem>>) offsets(%dma_start3A_178 : memref<125xi32, #tpu.memory_space<vmem>>) semaphore(%arg11 : memref<!tpu.dma_semaphore, #tpu.memory_space<semaphore_mem>>)
    %scan3A = arith.constant 0 : i32
    %scan3A_182 = arith.constant 80 : i32
    %scan3A_183 = arith.addi %scan3A, %scan3A_182 : i32
    %scan3A_184 = arith.constant 4 : i32
    scf.for %scan3A_199 = %scan3A to %scan3A_183 step %scan3A_184  : i32 {
      %rem3A_200 = arith.constant 16 : i32
      %rem3A_201 = arith.remsi %scan3A_199, %rem3A_200 : i32
      %add3A_202 = arith.constant 16 : i32
      %add3A_203 = arith.addi %scan3A_199, %add3A_202 : i32
      %sub3A = arith.constant 1 : i32
      %sub3A_204 = arith.subi %add3A_203, %sub3A : i32
      %rem3A_205 = arith.constant 16 : i32
      %rem3A_206 = arith.remsi %sub3A_204, %rem3A_205 : i32
      %ge3A = arith.constant 1 : i32
      %ge3A_207 = arith.cmpi sge, %scan3A_199, %ge3A : i32
      %convert_element_type3A = arith.extui %ge3A_207 : i1 to i32
      %cond3A = arith.constant 0 : i32
      %cond3A_208 = arith.cmpi ne, %convert_element_type3A, %cond3A : i32
      scf.if %cond3A_208 {
        %sub3A_369 = arith.constant 1 : i32
        %sub3A_370 = arith.subi %scan3A_199, %sub3A_369 : i32
        %dma_wait3A_371 = arith.constant 0 : i32
        %dma_wait3A_372 = arith.constant 0 : i32
        %dma_wait3A_373 = tpu.memref_slice %arg9[%rem3A_206, %dma_wait3A_371, %dma_wait3A_372] : memref<16x125x32xf32, #tpu.memory_space<vmem>> -> memref<1x125x32xf32, #tpu.memory_space<vmem>>
        %dma_wait3A_374 = tpu.memref_squeeze %dma_wait3A_373 : memref<1x125x32xf32, #tpu.memory_space<vmem>> -> memref<125x32xf32, #tpu.memory_space<vmem>>
        %dma_wait3A_375 = arith.constant 0 : i32
        %dma_wait3A_376 = tpu.memref_slice %arg8[%sub3A_370, %dma_wait3A_375] : memref<80x125xi32, #tpu.memory_space<vmem>> -> memref<1x125xi32, #tpu.memory_space<vmem>>
        %dma_wait3A_377 = tpu.memref_squeeze %dma_wait3A_376 : memref<1x125xi32, #tpu.memory_space<vmem>> -> memref<125xi32, #tpu.memory_space<vmem>>
        %dma_wait3A_378 = arith.constant 0 : i32
        %dma_wait3A_379 = arith.constant 0 : i32
        %dma_wait3A_380 = tpu.memref_slice %arg10[%dma_wait3A_378, %dma_wait3A_379] : memref<10240x32xf32, #tpu.memory_space<vmem_shared>> -> memref<10240x32xf32, #tpu.memory_space<vmem_shared>>
        tpu.wait_indirect_dma semaphore(%arg12 : memref<!tpu.dma_semaphore, #tpu.memory_space<semaphore_mem>>) src(%dma_wait3A_374 : memref<125x32xf32, #tpu.memory_space<vmem>>) dst(%dma_wait3A_380 : memref<10240x32xf32, #tpu.memory_space<vmem_shared>>)
      } else {
      }
      %add3A_209 = arith.constant 16 : i32
      %add3A_210 = arith.addi %scan3A_199, %add3A_209 : i32
      %sub3A_211 = arith.constant 1 : i32
      %sub3A_212 = arith.subi %add3A_210, %sub3A_211 : i32
      %lt3A = arith.constant 80 : i32
      %lt3A_213 = arith.cmpi slt, %sub3A_212, %lt3A : i32
      %convert_element_type3A_214 = arith.extui %lt3A_213 : i1 to i32
      %cond3A_215 = arith.constant 0 : i32
      %cond3A_216 = arith.cmpi ne, %convert_element_type3A_214, %cond3A_215 : i32
      scf.if %cond3A_216 {
        %add3A_369 = arith.constant 16 : i32
        %add3A_370 = arith.addi %scan3A_199, %add3A_369 : i32
        %sub3A_371 = arith.constant 1 : i32
        %sub3A_372 = arith.subi %add3A_370, %sub3A_371 : i32
        %dma_start3A_373 = arith.constant 0 : i32
        %dma_start3A_374 = arith.constant 0 : i32
        %dma_start3A_375 = tpu.memref_slice %arg9[%rem3A_206, %dma_start3A_373, %dma_start3A_374] : memref<16x125x32xf32, #tpu.memory_space<vmem>> -> memref<1x125x32xf32, #tpu.memory_space<vmem>>
        %dma_start3A_376 = tpu.memref_squeeze %dma_start3A_375 : memref<1x125x32xf32, #tpu.memory_space<vmem>> -> memref<125x32xf32, #tpu.memory_space<vmem>>
        %dma_start3A_377 = arith.constant 0 : i32
        %dma_start3A_378 = tpu.memref_slice %arg7[%sub3A_372, %dma_start3A_377] : memref<80x125xi32, #tpu.memory_space<vmem>> -> memref<1x125xi32, #tpu.memory_space<vmem>>
        %dma_start3A_379 = tpu.memref_squeeze %dma_start3A_378 : memref<1x125xi32, #tpu.memory_space<vmem>> -> memref<125xi32, #tpu.memory_space<vmem>>
        %dma_start3A_380 = arith.constant 0 : i32
        %dma_start3A_381 = arith.constant 0 : i32
        %dma_start3A_382 = tpu.memref_slice %arg4[%dma_start3A_380, %dma_start3A_381] : memref<10000x32xf32, #tpu.memory_space<hbm>> -> memref<10000x32xf32, #tpu.memory_space<hbm>>
        tpu.enqueue_indirect_dma source(%dma_start3A_382 : memref<10000x32xf32, #tpu.memory_space<hbm>>) target(%dma_start3A_376 : memref<125x32xf32, #tpu.memory_space<vmem>>) offsets(%dma_start3A_379 : memref<125xi32, #tpu.memory_space<vmem>>) semaphore(%arg11 : memref<!tpu.dma_semaphore, #tpu.memory_space<semaphore_mem>>)
      } else {
      }
      %dma_wait3A_217 = arith.constant 0 : i32
      %dma_wait3A_218 = arith.constant 0 : i32
      %dma_wait3A_219 = tpu.memref_slice %arg9[%rem3A_201, %dma_wait3A_217, %dma_wait3A_218] : memref<16x125x32xf32, #tpu.memory_space<vmem>> -> memref<1x125x32xf32, #tpu.memory_space<vmem>>
      %dma_wait3A_220 = tpu.memref_squeeze %dma_wait3A_219 : memref<1x125x32xf32, #tpu.memory_space<vmem>> -> memref<125x32xf32, #tpu.memory_space<vmem>>
      %dma_wait3A_221 = arith.constant 0 : i32
      %dma_wait3A_222 = tpu.memref_slice %arg7[%scan3A_199, %dma_wait3A_221] : memref<80x125xi32, #tpu.memory_space<vmem>> -> memref<1x125xi32, #tpu.memory_space<vmem>>
      %dma_wait3A_223 = tpu.memref_squeeze %dma_wait3A_222 : memref<1x125xi32, #tpu.memory_space<vmem>> -> memref<125xi32, #tpu.memory_space<vmem>>
      %dma_wait3A_224 = arith.constant 0 : i32
      %dma_wait3A_225 = arith.constant 0 : i32
      %dma_wait3A_226 = tpu.memref_slice %arg4[%dma_wait3A_224, %dma_wait3A_225] : memref<10000x32xf32, #tpu.memory_space<hbm>> -> memref<10000x32xf32, #tpu.memory_space<hbm>>
      tpu.wait_indirect_dma semaphore(%arg11 : memref<!tpu.dma_semaphore, #tpu.memory_space<semaphore_mem>>) src(%dma_wait3A_226 : memref<10000x32xf32, #tpu.memory_space<hbm>>) dst(%dma_wait3A_220 : memref<125x32xf32, #tpu.memory_space<vmem>>)
      %dma_start3A_227 = arith.constant 0 : i32
      %dma_start3A_228 = arith.constant 0 : i32
      %dma_start3A_229 = tpu.memref_slice %arg9[%rem3A_201, %dma_start3A_227, %dma_start3A_228] : memref<16x125x32xf32, #tpu.memory_space<vmem>> -> memref<1x125x32xf32, #tpu.memory_space<vmem>>
      %dma_start3A_230 = tpu.memref_squeeze %dma_start3A_229 : memref<1x125x32xf32, #tpu.memory_space<vmem>> -> memref<125x32xf32, #tpu.memory_space<vmem>>
      %dma_start3A_231 = arith.constant 0 : i32
      %dma_start3A_232 = tpu.memref_slice %arg8[%scan3A_199, %dma_start3A_231] : memref<80x125xi32, #tpu.memory_space<vmem>> -> memref<1x125xi32, #tpu.memory_space<vmem>>
      %dma_start3A_233 = tpu.memref_squeeze %dma_start3A_232 : memref<1x125xi32, #tpu.memory_space<vmem>> -> memref<125xi32, #tpu.memory_space<vmem>>
      %dma_start3A_234 = arith.constant 0 : i32
      %dma_start3A_235 = arith.constant 0 : i32
      %dma_start3A_236 = tpu.memref_slice %arg10[%dma_start3A_234, %dma_start3A_235] : memref<10240x32xf32, #tpu.memory_space<vmem_shared>> -> memref<10240x32xf32, #tpu.memory_space<vmem_shared>>
      tpu.enqueue_indirect_dma source(%dma_start3A_230 : memref<125x32xf32, #tpu.memory_space<vmem>>) target(%dma_start3A_236 : memref<10240x32xf32, #tpu.memory_space<vmem_shared>>) offsets(%dma_start3A_233 : memref<125xi32, #tpu.memory_space<vmem>>) semaphore(%arg12 : memref<!tpu.dma_semaphore, #tpu.memory_space<semaphore_mem>>) {add = true}
      %scan3A_237 = arith.constant 1 : i32
      %scan3A_238 = arith.addi %scan3A_199, %scan3A_237 : i32
      %rem3A_239 = arith.constant 16 : i32
      %rem3A_240 = arith.remsi %scan3A_238, %rem3A_239 : i32
      %add3A_241 = arith.constant 16 : i32
      %add3A_242 = arith.addi %scan3A_238, %add3A_241 : i32
      %sub3A_243 = arith.constant 1 : i32
      %sub3A_244 = arith.subi %add3A_242, %sub3A_243 : i32
      %rem3A_245 = arith.constant 16 : i32
      %rem3A_246 = arith.remsi %sub3A_244, %rem3A_245 : i32
      %ge3A_247 = arith.constant 1 : i32
      %ge3A_248 = arith.cmpi sge, %scan3A_238, %ge3A_247 : i32
      %convert_element_type3A_249 = arith.extui %ge3A_248 : i1 to i32
      %cond3A_250 = arith.constant 0 : i32
      %cond3A_251 = arith.cmpi ne, %convert_element_type3A_249, %cond3A_250 : i32
      scf.if %cond3A_251 {
        %sub3A_369 = arith.constant 1 : i32
        %sub3A_370 = arith.subi %scan3A_238, %sub3A_369 : i32
        %dma_wait3A_371 = arith.constant 0 : i32
        %dma_wait3A_372 = arith.constant 0 : i32
        %dma_wait3A_373 = tpu.memref_slice %arg9[%rem3A_246, %dma_wait3A_371, %dma_wait3A_372] : memref<16x125x32xf32, #tpu.memory_space<vmem>> -> memref<1x125x32xf32, #tpu.memory_space<vmem>>
        %dma_wait3A_374 = tpu.memref_squeeze %dma_wait3A_373 : memref<1x125x32xf32, #tpu.memory_space<vmem>> -> memref<125x32xf32, #tpu.memory_space<vmem>>
        %dma_wait3A_375 = arith.constant 0 : i32
        %dma_wait3A_376 = tpu.memref_slice %arg8[%sub3A_370, %dma_wait3A_375] : memref<80x125xi32, #tpu.memory_space<vmem>> -> memref<1x125xi32, #tpu.memory_space<vmem>>
        %dma_wait3A_377 = tpu.memref_squeeze %dma_wait3A_376 : memref<1x125xi32, #tpu.memory_space<vmem>> -> memref<125xi32, #tpu.memory_space<vmem>>
        %dma_wait3A_378 = arith.constant 0 : i32
        %dma_wait3A_379 = arith.constant 0 : i32
        %dma_wait3A_380 = tpu.memref_slice %arg10[%dma_wait3A_378, %dma_wait3A_379] : memref<10240x32xf32, #tpu.memory_space<vmem_shared>> -> memref<10240x32xf32, #tpu.memory_space<vmem_shared>>
        tpu.wait_indirect_dma semaphore(%arg12 : memref<!tpu.dma_semaphore, #tpu.memory_space<semaphore_mem>>) src(%dma_wait3A_374 : memref<125x32xf32, #tpu.memory_space<vmem>>) dst(%dma_wait3A_380 : memref<10240x32xf32, #tpu.memory_space<vmem_shared>>)
      } else {
      }
      %add3A_252 = arith.constant 16 : i32
      %add3A_253 = arith.addi %scan3A_238, %add3A_252 : i32
      %sub3A_254 = arith.constant 1 : i32
      %sub3A_255 = arith.subi %add3A_253, %sub3A_254 : i32
      %lt3A_256 = arith.constant 80 : i32
      %lt3A_257 = arith.cmpi slt, %sub3A_255, %lt3A_256 : i32
      %convert_element_type3A_258 = arith.extui %lt3A_257 : i1 to i32
      %cond3A_259 = arith.constant 0 : i32
      %cond3A_260 = arith.cmpi ne, %convert_element_type3A_258, %cond3A_259 : i32
      scf.if %cond3A_260 {
        %add3A_369 = arith.constant 16 : i32
        %add3A_370 = arith.addi %scan3A_238, %add3A_369 : i32
        %sub3A_371 = arith.constant 1 : i32
        %sub3A_372 = arith.subi %add3A_370, %sub3A_371 : i32
        %dma_start3A_373 = arith.constant 0 : i32
        %dma_start3A_374 = arith.constant 0 : i32
        %dma_start3A_375 = tpu.memref_slice %arg9[%rem3A_246, %dma_start3A_373, %dma_start3A_374] : memref<16x125x32xf32, #tpu.memory_space<vmem>> -> memref<1x125x32xf32, #tpu.memory_space<vmem>>
        %dma_start3A_376 = tpu.memref_squeeze %dma_start3A_375 : memref<1x125x32xf32, #tpu.memory_space<vmem>> -> memref<125x32xf32, #tpu.memory_space<vmem>>
        %dma_start3A_377 = arith.constant 0 : i32
        %dma_start3A_378 = tpu.memref_slice %arg7[%sub3A_372, %dma_start3A_377] : memref<80x125xi32, #tpu.memory_space<vmem>> -> memref<1x125xi32, #tpu.memory_space<vmem>>
        %dma_start3A_379 = tpu.memref_squeeze %dma_start3A_378 : memref<1x125xi32, #tpu.memory_space<vmem>> -> memref<125xi32, #tpu.memory_space<vmem>>
        %dma_start3A_380 = arith.constant 0 : i32
        %dma_start3A_381 = arith.constant 0 : i32
        %dma_start3A_382 = tpu.memref_slice %arg4[%dma_start3A_380, %dma_start3A_381] : memref<10000x32xf32, #tpu.memory_space<hbm>> -> memref<10000x32xf32, #tpu.memory_space<hbm>>
        tpu.enqueue_indirect_dma source(%dma_start3A_382 : memref<10000x32xf32, #tpu.memory_space<hbm>>) target(%dma_start3A_376 : memref<125x32xf32, #tpu.memory_space<vmem>>) offsets(%dma_start3A_379 : memref<125xi32, #tpu.memory_space<vmem>>) semaphore(%arg11 : memref<!tpu.dma_semaphore, #tpu.memory_space<semaphore_mem>>)
      } else {
      }
      %dma_wait3A_261 = arith.constant 0 : i32
      %dma_wait3A_262 = arith.constant 0 : i32
      %dma_wait3A_263 = tpu.memref_slice %arg9[%rem3A_240, %dma_wait3A_261, %dma_wait3A_262] : memref<16x125x32xf32, #tpu.memory_space<vmem>> -> memref<1x125x32xf32, #tpu.memory_space<vmem>>
      %dma_wait3A_264 = tpu.memref_squeeze %dma_wait3A_263 : memref<1x125x32xf32, #tpu.memory_space<vmem>> -> memref<125x32xf32, #tpu.memory_space<vmem>>
      %dma_wait3A_265 = arith.constant 0 : i32
      %dma_wait3A_266 = tpu.memref_slice %arg7[%scan3A_238, %dma_wait3A_265] : memref<80x125xi32, #tpu.memory_space<vmem>> -> memref<1x125xi32, #tpu.memory_space<vmem>>
      %dma_wait3A_267 = tpu.memref_squeeze %dma_wait3A_266 : memref<1x125xi32, #tpu.memory_space<vmem>> -> memref<125xi32, #tpu.memory_space<vmem>>
      %dma_wait3A_268 = arith.constant 0 : i32
      %dma_wait3A_269 = arith.constant 0 : i32
      %dma_wait3A_270 = tpu.memref_slice %arg4[%dma_wait3A_268, %dma_wait3A_269] : memref<10000x32xf32, #tpu.memory_space<hbm>> -> memref<10000x32xf32, #tpu.memory_space<hbm>>
      tpu.wait_indirect_dma semaphore(%arg11 : memref<!tpu.dma_semaphore, #tpu.memory_space<semaphore_mem>>) src(%dma_wait3A_270 : memref<10000x32xf32, #tpu.memory_space<hbm>>) dst(%dma_wait3A_264 : memref<125x32xf32, #tpu.memory_space<vmem>>)
      %dma_start3A_271 = arith.constant 0 : i32
      %dma_start3A_272 = arith.constant 0 : i32
      %dma_start3A_273 = tpu.memref_slice %arg9[%rem3A_240, %dma_start3A_271, %dma_start3A_272] : memref<16x125x32xf32, #tpu.memory_space<vmem>> -> memref<1x125x32xf32, #tpu.memory_space<vmem>>
      %dma_start3A_274 = tpu.memref_squeeze %dma_start3A_273 : memref<1x125x32xf32, #tpu.memory_space<vmem>> -> memref<125x32xf32, #tpu.memory_space<vmem>>
      %dma_start3A_275 = arith.constant 0 : i32
      %dma_start3A_276 = tpu.memref_slice %arg8[%scan3A_238, %dma_start3A_275] : memref<80x125xi32, #tpu.memory_space<vmem>> -> memref<1x125xi32, #tpu.memory_space<vmem>>
      %dma_start3A_277 = tpu.memref_squeeze %dma_start3A_276 : memref<1x125xi32, #tpu.memory_space<vmem>> -> memref<125xi32, #tpu.memory_space<vmem>>
      %dma_start3A_278 = arith.constant 0 : i32
      %dma_start3A_279 = arith.constant 0 : i32
      %dma_start3A_280 = tpu.memref_slice %arg10[%dma_start3A_278, %dma_start3A_279] : memref<10240x32xf32, #tpu.memory_space<vmem_shared>> -> memref<10240x32xf32, #tpu.memory_space<vmem_shared>>
      tpu.enqueue_indirect_dma source(%dma_start3A_274 : memref<125x32xf32, #tpu.memory_space<vmem>>) target(%dma_start3A_280 : memref<10240x32xf32, #tpu.memory_space<vmem_shared>>) offsets(%dma_start3A_277 : memref<125xi32, #tpu.memory_space<vmem>>) semaphore(%arg12 : memref<!tpu.dma_semaphore, #tpu.memory_space<semaphore_mem>>) {add = true}
      %scan3A_281 = arith.constant 2 : i32
      %scan3A_282 = arith.addi %scan3A_199, %scan3A_281 : i32
      %rem3A_283 = arith.constant 16 : i32
      %rem3A_284 = arith.remsi %scan3A_282, %rem3A_283 : i32
      %add3A_285 = arith.constant 16 : i32
      %add3A_286 = arith.addi %scan3A_282, %add3A_285 : i32
      %sub3A_287 = arith.constant 1 : i32
      %sub3A_288 = arith.subi %add3A_286, %sub3A_287 : i32
      %rem3A_289 = arith.constant 16 : i32
      %rem3A_290 = arith.remsi %sub3A_288, %rem3A_289 : i32
      %ge3A_291 = arith.constant 1 : i32
      %ge3A_292 = arith.cmpi sge, %scan3A_282, %ge3A_291 : i32
      %convert_element_type3A_293 = arith.extui %ge3A_292 : i1 to i32
      %cond3A_294 = arith.constant 0 : i32
      %cond3A_295 = arith.cmpi ne, %convert_element_type3A_293, %cond3A_294 : i32
      scf.if %cond3A_295 {
        %sub3A_369 = arith.constant 1 : i32
        %sub3A_370 = arith.subi %scan3A_282, %sub3A_369 : i32
        %dma_wait3A_371 = arith.constant 0 : i32
        %dma_wait3A_372 = arith.constant 0 : i32
        %dma_wait3A_373 = tpu.memref_slice %arg9[%rem3A_290, %dma_wait3A_371, %dma_wait3A_372] : memref<16x125x32xf32, #tpu.memory_space<vmem>> -> memref<1x125x32xf32, #tpu.memory_space<vmem>>
        %dma_wait3A_374 = tpu.memref_squeeze %dma_wait3A_373 : memref<1x125x32xf32, #tpu.memory_space<vmem>> -> memref<125x32xf32, #tpu.memory_space<vmem>>
        %dma_wait3A_375 = arith.constant 0 : i32
        %dma_wait3A_376 = tpu.memref_slice %arg8[%sub3A_370, %dma_wait3A_375] : memref<80x125xi32, #tpu.memory_space<vmem>> -> memref<1x125xi32, #tpu.memory_space<vmem>>
        %dma_wait3A_377 = tpu.memref_squeeze %dma_wait3A_376 : memref<1x125xi32, #tpu.memory_space<vmem>> -> memref<125xi32, #tpu.memory_space<vmem>>
        %dma_wait3A_378 = arith.constant 0 : i32
        %dma_wait3A_379 = arith.constant 0 : i32
        %dma_wait3A_380 = tpu.memref_slice %arg10[%dma_wait3A_378, %dma_wait3A_379] : memref<10240x32xf32, #tpu.memory_space<vmem_shared>> -> memref<10240x32xf32, #tpu.memory_space<vmem_shared>>
        tpu.wait_indirect_dma semaphore(%arg12 : memref<!tpu.dma_semaphore, #tpu.memory_space<semaphore_mem>>) src(%dma_wait3A_374 : memref<125x32xf32, #tpu.memory_space<vmem>>) dst(%dma_wait3A_380 : memref<10240x32xf32, #tpu.memory_space<vmem_shared>>)
      } else {
      }
      %add3A_296 = arith.constant 16 : i32
      %add3A_297 = arith.addi %scan3A_282, %add3A_296 : i32
      %sub3A_298 = arith.constant 1 : i32
      %sub3A_299 = arith.subi %add3A_297, %sub3A_298 : i32
      %lt3A_300 = arith.constant 80 : i32
      %lt3A_301 = arith.cmpi slt, %sub3A_299, %lt3A_300 : i32
      %convert_element_type3A_302 = arith.extui %lt3A_301 : i1 to i32
      %cond3A_303 = arith.constant 0 : i32
      %cond3A_304 = arith.cmpi ne, %convert_element_type3A_302, %cond3A_303 : i32
      scf.if %cond3A_304 {
        %add3A_369 = arith.constant 16 : i32
        %add3A_370 = arith.addi %scan3A_282, %add3A_369 : i32
        %sub3A_371 = arith.constant 1 : i32
        %sub3A_372 = arith.subi %add3A_370, %sub3A_371 : i32
        %dma_start3A_373 = arith.constant 0 : i32
        %dma_start3A_374 = arith.constant 0 : i32
        %dma_start3A_375 = tpu.memref_slice %arg9[%rem3A_290, %dma_start3A_373, %dma_start3A_374] : memref<16x125x32xf32, #tpu.memory_space<vmem>> -> memref<1x125x32xf32, #tpu.memory_space<vmem>>
        %dma_start3A_376 = tpu.memref_squeeze %dma_start3A_375 : memref<1x125x32xf32, #tpu.memory_space<vmem>> -> memref<125x32xf32, #tpu.memory_space<vmem>>
        %dma_start3A_377 = arith.constant 0 : i32
        %dma_start3A_378 = tpu.memref_slice %arg7[%sub3A_372, %dma_start3A_377] : memref<80x125xi32, #tpu.memory_space<vmem>> -> memref<1x125xi32, #tpu.memory_space<vmem>>
        %dma_start3A_379 = tpu.memref_squeeze %dma_start3A_378 : memref<1x125xi32, #tpu.memory_space<vmem>> -> memref<125xi32, #tpu.memory_space<vmem>>
        %dma_start3A_380 = arith.constant 0 : i32
        %dma_start3A_381 = arith.constant 0 : i32
        %dma_start3A_382 = tpu.memref_slice %arg4[%dma_start3A_380, %dma_start3A_381] : memref<10000x32xf32, #tpu.memory_space<hbm>> -> memref<10000x32xf32, #tpu.memory_space<hbm>>
        tpu.enqueue_indirect_dma source(%dma_start3A_382 : memref<10000x32xf32, #tpu.memory_space<hbm>>) target(%dma_start3A_376 : memref<125x32xf32, #tpu.memory_space<vmem>>) offsets(%dma_start3A_379 : memref<125xi32, #tpu.memory_space<vmem>>) semaphore(%arg11 : memref<!tpu.dma_semaphore, #tpu.memory_space<semaphore_mem>>)
      } else {
      }
      %dma_wait3A_305 = arith.constant 0 : i32
      %dma_wait3A_306 = arith.constant 0 : i32
      %dma_wait3A_307 = tpu.memref_slice %arg9[%rem3A_284, %dma_wait3A_305, %dma_wait3A_306] : memref<16x125x32xf32, #tpu.memory_space<vmem>> -> memref<1x125x32xf32, #tpu.memory_space<vmem>>
      %dma_wait3A_308 = tpu.memref_squeeze %dma_wait3A_307 : memref<1x125x32xf32, #tpu.memory_space<vmem>> -> memref<125x32xf32, #tpu.memory_space<vmem>>
      %dma_wait3A_309 = arith.constant 0 : i32
      %dma_wait3A_310 = tpu.memref_slice %arg7[%scan3A_282, %dma_wait3A_309] : memref<80x125xi32, #tpu.memory_space<vmem>> -> memref<1x125xi32, #tpu.memory_space<vmem>>
      %dma_wait3A_311 = tpu.memref_squeeze %dma_wait3A_310 : memref<1x125xi32, #tpu.memory_space<vmem>> -> memref<125xi32, #tpu.memory_space<vmem>>
      %dma_wait3A_312 = arith.constant 0 : i32
      %dma_wait3A_313 = arith.constant 0 : i32
      %dma_wait3A_314 = tpu.memref_slice %arg4[%dma_wait3A_312, %dma_wait3A_313] : memref<10000x32xf32, #tpu.memory_space<hbm>> -> memref<10000x32xf32, #tpu.memory_space<hbm>>
      tpu.wait_indirect_dma semaphore(%arg11 : memref<!tpu.dma_semaphore, #tpu.memory_space<semaphore_mem>>) src(%dma_wait3A_314 : memref<10000x32xf32, #tpu.memory_space<hbm>>) dst(%dma_wait3A_308 : memref<125x32xf32, #tpu.memory_space<vmem>>)
      %dma_start3A_315 = arith.constant 0 : i32
      %dma_start3A_316 = arith.constant 0 : i32
      %dma_start3A_317 = tpu.memref_slice %arg9[%rem3A_284, %dma_start3A_315, %dma_start3A_316] : memref<16x125x32xf32, #tpu.memory_space<vmem>> -> memref<1x125x32xf32, #tpu.memory_space<vmem>>
      %dma_start3A_318 = tpu.memref_squeeze %dma_start3A_317 : memref<1x125x32xf32, #tpu.memory_space<vmem>> -> memref<125x32xf32, #tpu.memory_space<vmem>>
      %dma_start3A_319 = arith.constant 0 : i32
      %dma_start3A_320 = tpu.memref_slice %arg8[%scan3A_282, %dma_start3A_319] : memref<80x125xi32, #tpu.memory_space<vmem>> -> memref<1x125xi32, #tpu.memory_space<vmem>>
      %dma_start3A_321 = tpu.memref_squeeze %dma_start3A_320 : memref<1x125xi32, #tpu.memory_space<vmem>> -> memref<125xi32, #tpu.memory_space<vmem>>
      %dma_start3A_322 = arith.constant 0 : i32
      %dma_start3A_323 = arith.constant 0 : i32
      %dma_start3A_324 = tpu.memref_slice %arg10[%dma_start3A_322, %dma_start3A_323] : memref<10240x32xf32, #tpu.memory_space<vmem_shared>> -> memref<10240x32xf32, #tpu.memory_space<vmem_shared>>
      tpu.enqueue_indirect_dma source(%dma_start3A_318 : memref<125x32xf32, #tpu.memory_space<vmem>>) target(%dma_start3A_324 : memref<10240x32xf32, #tpu.memory_space<vmem_shared>>) offsets(%dma_start3A_321 : memref<125xi32, #tpu.memory_space<vmem>>) semaphore(%arg12 : memref<!tpu.dma_semaphore, #tpu.memory_space<semaphore_mem>>) {add = true}
      %scan3A_325 = arith.constant 3 : i32
      %scan3A_326 = arith.addi %scan3A_199, %scan3A_325 : i32
      %rem3A_327 = arith.constant 16 : i32
      %rem3A_328 = arith.remsi %scan3A_326, %rem3A_327 : i32
      %add3A_329 = arith.constant 16 : i32
      %add3A_330 = arith.addi %scan3A_326, %add3A_329 : i32
      %sub3A_331 = arith.constant 1 : i32
      %sub3A_332 = arith.subi %add3A_330, %sub3A_331 : i32
      %rem3A_333 = arith.constant 16 : i32
      %rem3A_334 = arith.remsi %sub3A_332, %rem3A_333 : i32
      %ge3A_335 = arith.constant 1 : i32
      %ge3A_336 = arith.cmpi sge, %scan3A_326, %ge3A_335 : i32
      %convert_element_type3A_337 = arith.extui %ge3A_336 : i1 to i32
      %cond3A_338 = arith.constant 0 : i32
      %cond3A_339 = arith.cmpi ne, %convert_element_type3A_337, %cond3A_338 : i32
      scf.if %cond3A_339 {
        %sub3A_369 = arith.constant 1 : i32
        %sub3A_370 = arith.subi %scan3A_326, %sub3A_369 : i32
        %dma_wait3A_371 = arith.constant 0 : i32
        %dma_wait3A_372 = arith.constant 0 : i32
        %dma_wait3A_373 = tpu.memref_slice %arg9[%rem3A_334, %dma_wait3A_371, %dma_wait3A_372] : memref<16x125x32xf32, #tpu.memory_space<vmem>> -> memref<1x125x32xf32, #tpu.memory_space<vmem>>
        %dma_wait3A_374 = tpu.memref_squeeze %dma_wait3A_373 : memref<1x125x32xf32, #tpu.memory_space<vmem>> -> memref<125x32xf32, #tpu.memory_space<vmem>>
        %dma_wait3A_375 = arith.constant 0 : i32
        %dma_wait3A_376 = tpu.memref_slice %arg8[%sub3A_370, %dma_wait3A_375] : memref<80x125xi32, #tpu.memory_space<vmem>> -> memref<1x125xi32, #tpu.memory_space<vmem>>
        %dma_wait3A_377 = tpu.memref_squeeze %dma_wait3A_376 : memref<1x125xi32, #tpu.memory_space<vmem>> -> memref<125xi32, #tpu.memory_space<vmem>>
        %dma_wait3A_378 = arith.constant 0 : i32
        %dma_wait3A_379 = arith.constant 0 : i32
        %dma_wait3A_380 = tpu.memref_slice %arg10[%dma_wait3A_378, %dma_wait3A_379] : memref<10240x32xf32, #tpu.memory_space<vmem_shared>> -> memref<10240x32xf32, #tpu.memory_space<vmem_shared>>
        tpu.wait_indirect_dma semaphore(%arg12 : memref<!tpu.dma_semaphore, #tpu.memory_space<semaphore_mem>>) src(%dma_wait3A_374 : memref<125x32xf32, #tpu.memory_space<vmem>>) dst(%dma_wait3A_380 : memref<10240x32xf32, #tpu.memory_space<vmem_shared>>)
      } else {
      }
      %add3A_340 = arith.constant 16 : i32
      %add3A_341 = arith.addi %scan3A_326, %add3A_340 : i32
      %sub3A_342 = arith.constant 1 : i32
      %sub3A_343 = arith.subi %add3A_341, %sub3A_342 : i32
      %lt3A_344 = arith.constant 80 : i32
      %lt3A_345 = arith.cmpi slt, %sub3A_343, %lt3A_344 : i32
      %convert_element_type3A_346 = arith.extui %lt3A_345 : i1 to i32
      %cond3A_347 = arith.constant 0 : i32
      %cond3A_348 = arith.cmpi ne, %convert_element_type3A_346, %cond3A_347 : i32
      scf.if %cond3A_348 {
        %add3A_369 = arith.constant 16 : i32
        %add3A_370 = arith.addi %scan3A_326, %add3A_369 : i32
        %sub3A_371 = arith.constant 1 : i32
        %sub3A_372 = arith.subi %add3A_370, %sub3A_371 : i32
        %dma_start3A_373 = arith.constant 0 : i32
        %dma_start3A_374 = arith.constant 0 : i32
        %dma_start3A_375 = tpu.memref_slice %arg9[%rem3A_334, %dma_start3A_373, %dma_start3A_374] : memref<16x125x32xf32, #tpu.memory_space<vmem>> -> memref<1x125x32xf32, #tpu.memory_space<vmem>>
        %dma_start3A_376 = tpu.memref_squeeze %dma_start3A_375 : memref<1x125x32xf32, #tpu.memory_space<vmem>> -> memref<125x32xf32, #tpu.memory_space<vmem>>
        %dma_start3A_377 = arith.constant 0 : i32
        %dma_start3A_378 = tpu.memref_slice %arg7[%sub3A_372, %dma_start3A_377] : memref<80x125xi32, #tpu.memory_space<vmem>> -> memref<1x125xi32, #tpu.memory_space<vmem>>
        %dma_start3A_379 = tpu.memref_squeeze %dma_start3A_378 : memref<1x125xi32, #tpu.memory_space<vmem>> -> memref<125xi32, #tpu.memory_space<vmem>>
        %dma_start3A_380 = arith.constant 0 : i32
        %dma_start3A_381 = arith.constant 0 : i32
        %dma_start3A_382 = tpu.memref_slice %arg4[%dma_start3A_380, %dma_start3A_381] : memref<10000x32xf32, #tpu.memory_space<hbm>> -> memref<10000x32xf32, #tpu.memory_space<hbm>>
        tpu.enqueue_indirect_dma source(%dma_start3A_382 : memref<10000x32xf32, #tpu.memory_space<hbm>>) target(%dma_start3A_376 : memref<125x32xf32, #tpu.memory_space<vmem>>) offsets(%dma_start3A_379 : memref<125xi32, #tpu.memory_space<vmem>>) semaphore(%arg11 : memref<!tpu.dma_semaphore, #tpu.memory_space<semaphore_mem>>)
      } else {
      }
      %dma_wait3A_349 = arith.constant 0 : i32
      %dma_wait3A_350 = arith.constant 0 : i32
      %dma_wait3A_351 = tpu.memref_slice %arg9[%rem3A_328, %dma_wait3A_349, %dma_wait3A_350] : memref<16x125x32xf32, #tpu.memory_space<vmem>> -> memref<1x125x32xf32, #tpu.memory_space<vmem>>
      %dma_wait3A_352 = tpu.memref_squeeze %dma_wait3A_351 : memref<1x125x32xf32, #tpu.memory_space<vmem>> -> memref<125x32xf32, #tpu.memory_space<vmem>>
      %dma_wait3A_353 = arith.constant 0 : i32
      %dma_wait3A_354 = tpu.memref_slice %arg7[%scan3A_326, %dma_wait3A_353] : memref<80x125xi32, #tpu.memory_space<vmem>> -> memref<1x125xi32, #tpu.memory_space<vmem>>
      %dma_wait3A_355 = tpu.memref_squeeze %dma_wait3A_354 : memref<1x125xi32, #tpu.memory_space<vmem>> -> memref<125xi32, #tpu.memory_space<vmem>>
      %dma_wait3A_356 = arith.constant 0 : i32
      %dma_wait3A_357 = arith.constant 0 : i32
      %dma_wait3A_358 = tpu.memref_slice %arg4[%dma_wait3A_356, %dma_wait3A_357] : memref<10000x32xf32, #tpu.memory_space<hbm>> -> memref<10000x32xf32, #tpu.memory_space<hbm>>
      tpu.wait_indirect_dma semaphore(%arg11 : memref<!tpu.dma_semaphore, #tpu.memory_space<semaphore_mem>>) src(%dma_wait3A_358 : memref<10000x32xf32, #tpu.memory_space<hbm>>) dst(%dma_wait3A_352 : memref<125x32xf32, #tpu.memory_space<vmem>>)
      %dma_start3A_359 = arith.constant 0 : i32
      %dma_start3A_360 = arith.constant 0 : i32
      %dma_start3A_361 = tpu.memref_slice %arg9[%rem3A_328, %dma_start3A_359, %dma_start3A_360] : memref<16x125x32xf32, #tpu.memory_space<vmem>> -> memref<1x125x32xf32, #tpu.memory_space<vmem>>
      %dma_start3A_362 = tpu.memref_squeeze %dma_start3A_361 : memref<1x125x32xf32, #tpu.memory_space<vmem>> -> memref<125x32xf32, #tpu.memory_space<vmem>>
      %dma_start3A_363 = arith.constant 0 : i32
      %dma_start3A_364 = tpu.memref_slice %arg8[%scan3A_326, %dma_start3A_363] : memref<80x125xi32, #tpu.memory_space<vmem>> -> memref<1x125xi32, #tpu.memory_space<vmem>>
      %dma_start3A_365 = tpu.memref_squeeze %dma_start3A_364 : memref<1x125xi32, #tpu.memory_space<vmem>> -> memref<125xi32, #tpu.memory_space<vmem>>
      %dma_start3A_366 = arith.constant 0 : i32
      %dma_start3A_367 = arith.constant 0 : i32
      %dma_start3A_368 = tpu.memref_slice %arg10[%dma_start3A_366, %dma_start3A_367] : memref<10240x32xf32, #tpu.memory_space<vmem_shared>> -> memref<10240x32xf32, #tpu.memory_space<vmem_shared>>
      tpu.enqueue_indirect_dma source(%dma_start3A_362 : memref<125x32xf32, #tpu.memory_space<vmem>>) target(%dma_start3A_368 : memref<10240x32xf32, #tpu.memory_space<vmem_shared>>) offsets(%dma_start3A_365 : memref<125xi32, #tpu.memory_space<vmem>>) semaphore(%arg12 : memref<!tpu.dma_semaphore, #tpu.memory_space<semaphore_mem>>) {add = true}
    }
    %scan3A_185 = arith.constant 80 : i32
    %rem3A = arith.constant 79 : i32
    %rem3A_186 = arith.constant 16 : i32
    %rem3A_187 = arith.remsi %rem3A, %rem3A_186 : i32
    %dma_wait3A = arith.constant 79 : i32
    %dma_wait3A_188 = arith.constant 0 : i32
    %dma_wait3A_189 = arith.constant 0 : i32
    %dma_wait3A_190 = tpu.memref_slice %arg9[%rem3A_187, %dma_wait3A_188, %dma_wait3A_189] : memref<16x125x32xf32, #tpu.memory_space<vmem>> -> memref<1x125x32xf32, #tpu.memory_space<vmem>>
    %dma_wait3A_191 = tpu.memref_squeeze %dma_wait3A_190 : memref<1x125x32xf32, #tpu.memory_space<vmem>> -> memref<125x32xf32, #tpu.memory_space<vmem>>
    %dma_wait3A_192 = arith.constant 0 : i32
    %dma_wait3A_193 = tpu.memref_slice %arg8[%dma_wait3A, %dma_wait3A_192] : memref<80x125xi32, #tpu.memory_space<vmem>> -> memref<1x125xi32, #tpu.memory_space<vmem>>
    %dma_wait3A_194 = tpu.memref_squeeze %dma_wait3A_193 : memref<1x125xi32, #tpu.memory_space<vmem>> -> memref<125xi32, #tpu.memory_space<vmem>>
    %dma_wait3A_195 = arith.constant 0 : i32
    %dma_wait3A_196 = arith.constant 0 : i32
    %dma_wait3A_197 = tpu.memref_slice %arg10[%dma_wait3A_195, %dma_wait3A_196] : memref<10240x32xf32, #tpu.memory_space<vmem_shared>> -> memref<10240x32xf32, #tpu.memory_space<vmem_shared>>
    tpu.wait_indirect_dma semaphore(%arg12 : memref<!tpu.dma_semaphore, #tpu.memory_space<semaphore_mem>>) src(%dma_wait3A_191 : memref<125x32xf32, #tpu.memory_space<vmem>>) dst(%dma_wait3A_197 : memref<10240x32xf32, #tpu.memory_space<vmem_shared>>)
    %barrier3A_198 = arith.constant 0 : index
    tpu.barrier barrier_id(%barrier3A_198)
    "tpu.region"() ({
      %run_scoped3A = tpu.sem_alloc : memref<!tpu.dma_semaphore, #tpu.memory_space<semaphore_mem>>
      %dma_start3A_199 = arith.constant 0 : i32
      %dma_start3A_200 = tpu.memref_slice %arg6[%arg0, %mul3A_2, %dma_start3A_199] : memref<2x10240x32xf32, #tpu.memory_space<hbm>> -> memref<1x640x32xf32, #tpu.memory_space<hbm>>
      %dma_start3A_201 = tpu.memref_squeeze %dma_start3A_200 : memref<1x640x32xf32, #tpu.memory_space<hbm>> -> memref<640x32xf32, #tpu.memory_space<hbm>>
      %dma_start3A_202 = arith.constant 0 : i32
      %dma_start3A_203 = tpu.memref_slice %arg10[%mul3A_2, %dma_start3A_202] : memref<10240x32xf32, #tpu.memory_space<vmem_shared>> -> memref<640x32xf32, #tpu.memory_space<vmem_shared>>
      tpu.enqueue_dma source(%dma_start3A_203 : memref<640x32xf32, #tpu.memory_space<vmem_shared>>) target(%dma_start3A_201 : memref<640x32xf32, #tpu.memory_space<hbm>>) target_semaphore(%run_scoped3A : memref<!tpu.dma_semaphore, #tpu.memory_space<semaphore_mem>>)
      %dma_wait3A_204 = arith.constant 0 : i32
      %dma_wait3A_205 = tpu.memref_slice %arg6[%arg0, %mul3A_2, %dma_wait3A_204] : memref<2x10240x32xf32, #tpu.memory_space<hbm>> -> memref<1x640x32xf32, #tpu.memory_space<hbm>>
      %dma_wait3A_206 = tpu.memref_squeeze %dma_wait3A_205 : memref<1x640x32xf32, #tpu.memory_space<hbm>> -> memref<640x32xf32, #tpu.memory_space<hbm>>
      %dma_wait3A_207 = arith.constant 0 : i32
      %dma_wait3A_208 = tpu.memref_slice %arg10[%mul3A_2, %dma_wait3A_207] : memref<10240x32xf32, #tpu.memory_space<vmem_shared>> -> memref<640x32xf32, #tpu.memory_space<vmem_shared>>
      tpu.wait_dma2 semaphore(%run_scoped3A : memref<!tpu.dma_semaphore, #tpu.memory_space<semaphore_mem>>) src(%dma_wait3A_208 : memref<640x32xf32, #tpu.memory_space<vmem_shared>>) dst(%dma_wait3A_206 : memref<640x32xf32, #tpu.memory_space<hbm>>)
      tpu.yield
    }) : () -> ()
    return
  }
}

#map = affine_map<(d0, d1) -> (0)>
#map1 = affine_map<(d0, d1) -> (0, 0)>
module attributes {stable_mosaic.version = 14 : i64} {
  func.func @deg_kernel(%arg0: i32, %arg1: i32, %arg2: memref<320000xi32, #tpu.memory_space<hbm>>, %arg3: memref<2x10240xf32, #tpu.memory_space<hbm>>, %arg4: memref<10000xi32, #tpu.memory_space<vmem>>, %arg5: memref<10240xf32, #tpu.memory_space<vmem>>, %arg6: memref<640xf32, #tpu.memory_space<vmem>>, %arg7: memref<640xf32, #tpu.memory_space<vmem>>, %arg8: memref<16x10240xf32, #tpu.memory_space<vmem_shared>>) attributes {dimension_semantics = [#tpu.dimension_semantics<core_parallel>, #tpu.dimension_semantics<subcore_parallel>], iteration_bounds = array<i64: 2, 16>, scalar_prefetch = 0 : i64, scratch_operands = 5 : i64, tpu.core_type = #tpu.core_type<sc_vector_subcore>, window_params = [{transform_indices = #map}, {transform_indices = #map1}]} {
    %mul3A = arith.constant 2 : i32
    %mul3A_0 = arith.muli %arg1, %mul3A : i32
    %add3A = arith.addi %mul3A_0, %arg0 : i32
    %mul3A_1 = arith.constant 10000 : i32
    %mul3A_2 = arith.muli %add3A, %mul3A_1 : i32
    "tpu.region"() ({
      %run_scoped3A_28 = tpu.sem_alloc : memref<!tpu.dma_semaphore, #tpu.memory_space<semaphore_mem>>
      %dma_start3A = tpu.memref_slice %arg2[%mul3A_2] : memref<320000xi32, #tpu.memory_space<hbm>> -> memref<10000xi32, #tpu.memory_space<hbm>>
      %dma_start3A_29 = tpu.memref_slice %arg2[%mul3A_2] : memref<320000xi32, #tpu.memory_space<hbm>> -> memref<10000xi32, #tpu.memory_space<hbm>>
      tpu.enqueue_dma source(%dma_start3A_29 : memref<10000xi32, #tpu.memory_space<hbm>>) target(%arg4 : memref<10000xi32, #tpu.memory_space<vmem>>) target_semaphore(%run_scoped3A_28 : memref<!tpu.dma_semaphore, #tpu.memory_space<semaphore_mem>>)
      %dma_wait3A = tpu.memref_slice %arg2[%mul3A_2] : memref<320000xi32, #tpu.memory_space<hbm>> -> memref<10000xi32, #tpu.memory_space<hbm>>
      %dma_wait3A_30 = tpu.memref_slice %arg2[%mul3A_2] : memref<320000xi32, #tpu.memory_space<hbm>> -> memref<10000xi32, #tpu.memory_space<hbm>>
      tpu.wait_dma2 semaphore(%run_scoped3A_28 : memref<!tpu.dma_semaphore, #tpu.memory_space<semaphore_mem>>) src(%dma_wait3A_30 : memref<10000xi32, #tpu.memory_space<hbm>>) dst(%arg4 : memref<10000xi32, #tpu.memory_space<vmem>>)
      tpu.yield
    }) : () -> ()
    %broadcast_in_dim3A = arith.constant 0.000000e+00 : f32
    %broadcast_in_dim3A_3 = vector.broadcast %broadcast_in_dim3A : f32 to vector<16xf32>
    %scan3A = arith.constant 0 : i32
    %scan3A_4 = arith.constant 640 : i32
    %scan3A_5 = arith.addi %scan3A, %scan3A_4 : i32
    %scan3A_6 = arith.constant 8 : i32
    scf.for %scan3A_28 = %scan3A to %scan3A_5 step %scan3A_6  : i32 {
      %mul3A_29 = arith.constant 16 : i32
      %mul3A_30 = arith.muli %scan3A_28, %mul3A_29 : i32
      %swap3A = arith.index_cast %mul3A_30 : i32 to index
      %swap3A_31 = tpu.vector_load %arg5[%swap3A] {strides = array<i32>} : memref<10240xf32, #tpu.memory_space<vmem>>, vector<16xf32>,
      tpu.vector_store %arg5[%swap3A], %broadcast_in_dim3A_3 {strides = array<i32>} : memref<10240xf32, #tpu.memory_space<vmem>>, vector<16xf32>,
      %scan3A_32 = arith.constant 1 : i32
      %scan3A_33 = arith.addi %scan3A_28, %scan3A_32 : i32
      %mul3A_34 = arith.constant 16 : i32
      %mul3A_35 = arith.muli %scan3A_33, %mul3A_34 : i32
      %swap3A_36 = arith.index_cast %mul3A_35 : i32 to index
      %swap3A_37 = tpu.vector_load %arg5[%swap3A_36] {strides = array<i32>} : memref<10240xf32, #tpu.memory_space<vmem>>, vector<16xf32>,
      tpu.vector_store %arg5[%swap3A_36], %broadcast_in_dim3A_3 {strides = array<i32>} : memref<10240xf32, #tpu.memory_space<vmem>>, vector<16xf32>,
      %scan3A_38 = arith.constant 2 : i32
      %scan3A_39 = arith.addi %scan3A_28, %scan3A_38 : i32
      %mul3A_40 = arith.constant 16 : i32
      %mul3A_41 = arith.muli %scan3A_39, %mul3A_40 : i32
      %swap3A_42 = arith.index_cast %mul3A_41 : i32 to index
      %swap3A_43 = tpu.vector_load %arg5[%swap3A_42] {strides = array<i32>} : memref<10240xf32, #tpu.memory_space<vmem>>, vector<16xf32>,
      tpu.vector_store %arg5[%swap3A_42], %broadcast_in_dim3A_3 {strides = array<i32>} : memref<10240xf32, #tpu.memory_space<vmem>>, vector<16xf32>,
      %scan3A_44 = arith.constant 3 : i32
      %scan3A_45 = arith.addi %scan3A_28, %scan3A_44 : i32
      %mul3A_46 = arith.constant 16 : i32
      %mul3A_47 = arith.muli %scan3A_45, %mul3A_46 : i32
      %swap3A_48 = arith.index_cast %mul3A_47 : i32 to index
      %swap3A_49 = tpu.vector_load %arg5[%swap3A_48] {strides = array<i32>} : memref<10240xf32, #tpu.memory_space<vmem>>, vector<16xf32>,
      tpu.vector_store %arg5[%swap3A_48], %broadcast_in_dim3A_3 {strides = array<i32>} : memref<10240xf32, #tpu.memory_space<vmem>>, vector<16xf32>,
      %scan3A_50 = arith.constant 4 : i32
      %scan3A_51 = arith.addi %scan3A_28, %scan3A_50 : i32
      %mul3A_52 = arith.constant 16 : i32
      %mul3A_53 = arith.muli %scan3A_51, %mul3A_52 : i32
      %swap3A_54 = arith.index_cast %mul3A_53 : i32 to index
      %swap3A_55 = tpu.vector_load %arg5[%swap3A_54] {strides = array<i32>} : memref<10240xf32, #tpu.memory_space<vmem>>, vector<16xf32>,
      tpu.vector_store %arg5[%swap3A_54], %broadcast_in_dim3A_3 {strides = array<i32>} : memref<10240xf32, #tpu.memory_space<vmem>>, vector<16xf32>,
      %scan3A_56 = arith.constant 5 : i32
      %scan3A_57 = arith.addi %scan3A_28, %scan3A_56 : i32
      %mul3A_58 = arith.constant 16 : i32
      %mul3A_59 = arith.muli %scan3A_57, %mul3A_58 : i32
      %swap3A_60 = arith.index_cast %mul3A_59 : i32 to index
      %swap3A_61 = tpu.vector_load %arg5[%swap3A_60] {strides = array<i32>} : memref<10240xf32, #tpu.memory_space<vmem>>, vector<16xf32>,
      tpu.vector_store %arg5[%swap3A_60], %broadcast_in_dim3A_3 {strides = array<i32>} : memref<10240xf32, #tpu.memory_space<vmem>>, vector<16xf32>,
      %scan3A_62 = arith.constant 6 : i32
      %scan3A_63 = arith.addi %scan3A_28, %scan3A_62 : i32
      %mul3A_64 = arith.constant 16 : i32
      %mul3A_65 = arith.muli %scan3A_63, %mul3A_64 : i32
      %swap3A_66 = arith.index_cast %mul3A_65 : i32 to index
      %swap3A_67 = tpu.vector_load %arg5[%swap3A_66] {strides = array<i32>} : memref<10240xf32, #tpu.memory_space<vmem>>, vector<16xf32>,
      tpu.vector_store %arg5[%swap3A_66], %broadcast_in_dim3A_3 {strides = array<i32>} : memref<10240xf32, #tpu.memory_space<vmem>>, vector<16xf32>,
      %scan3A_68 = arith.constant 7 : i32
      %scan3A_69 = arith.addi %scan3A_28, %scan3A_68 : i32
      %mul3A_70 = arith.constant 16 : i32
      %mul3A_71 = arith.muli %scan3A_69, %mul3A_70 : i32
      %swap3A_72 = arith.index_cast %mul3A_71 : i32 to index
      %swap3A_73 = tpu.vector_load %arg5[%swap3A_72] {strides = array<i32>} : memref<10240xf32, #tpu.memory_space<vmem>>, vector<16xf32>,
      tpu.vector_store %arg5[%swap3A_72], %broadcast_in_dim3A_3 {strides = array<i32>} : memref<10240xf32, #tpu.memory_space<vmem>>, vector<16xf32>,
    }
    %scan3A_7 = arith.constant 640 : i32
    %scan3A_8 = arith.constant 0 : i32
    %scan3A_9 = arith.constant 624 : i32
    %scan3A_10 = arith.addi %scan3A_8, %scan3A_9 : i32
    %scan3A_11 = arith.constant 4 : i32
    scf.for %scan3A_28 = %scan3A_8 to %scan3A_10 step %scan3A_11  : i32 {
      %mul3A_29 = arith.constant 16 : i32
      %mul3A_30 = arith.muli %scan3A_28, %mul3A_29 : i32
      %get3A_31 = arith.index_cast %mul3A_30 : i32 to index
      %get3A_32 = tpu.vector_load %arg4[%get3A_31] {strides = array<i32>} : memref<10000xi32, #tpu.memory_space<vmem>>, vector<16xi32>,
      %broadcast_in_dim3A_33 = arith.constant true
      %broadcast_in_dim3A_34 = vector.broadcast %broadcast_in_dim3A_33 : i1 to vector<16xi1>
      %unique3A_35, %unique3A_36 = tpu.scan_count mask(%broadcast_in_dim3A_34 : vector<16xi1>) value(%get3A_32 : vector<16xi32>) : vector<16xi1>, vector<16xi32>
      %convert_element_type3A_37 = arith.sitofp %unique3A_36 : vector<16xi32> to vector<16xf32>
      tpu.vector_store_idx %arg5[%get3A_32], %convert_element_type3A_37 masked %unique3A_35 {add = true} : memref<10240xf32, #tpu.memory_space<vmem>>[vector<16xi32>], vector<16xf32>, vector<16xi1>
      %scan3A_38 = arith.constant 1 : i32
      %scan3A_39 = arith.addi %scan3A_28, %scan3A_38 : i32
      %mul3A_40 = arith.constant 16 : i32
      %mul3A_41 = arith.muli %scan3A_39, %mul3A_40 : i32
      %get3A_42 = arith.index_cast %mul3A_41 : i32 to index
      %get3A_43 = tpu.vector_load %arg4[%get3A_42] {strides = array<i32>} : memref<10000xi32, #tpu.memory_space<vmem>>, vector<16xi32>,
      %broadcast_in_dim3A_44 = arith.constant true
      %broadcast_in_dim3A_45 = vector.broadcast %broadcast_in_dim3A_44 : i1 to vector<16xi1>
      %unique3A_46, %unique3A_47 = tpu.scan_count mask(%broadcast_in_dim3A_45 : vector<16xi1>) value(%get3A_43 : vector<16xi32>) : vector<16xi1>, vector<16xi32>
      %convert_element_type3A_48 = arith.sitofp %unique3A_47 : vector<16xi32> to vector<16xf32>
      tpu.vector_store_idx %arg5[%get3A_43], %convert_element_type3A_48 masked %unique3A_46 {add = true} : memref<10240xf32, #tpu.memory_space<vmem>>[vector<16xi32>], vector<16xf32>, vector<16xi1>
      %scan3A_49 = arith.constant 2 : i32
      %scan3A_50 = arith.addi %scan3A_28, %scan3A_49 : i32
      %mul3A_51 = arith.constant 16 : i32
      %mul3A_52 = arith.muli %scan3A_50, %mul3A_51 : i32
      %get3A_53 = arith.index_cast %mul3A_52 : i32 to index
      %get3A_54 = tpu.vector_load %arg4[%get3A_53] {strides = array<i32>} : memref<10000xi32, #tpu.memory_space<vmem>>, vector<16xi32>,
      %broadcast_in_dim3A_55 = arith.constant true
      %broadcast_in_dim3A_56 = vector.broadcast %broadcast_in_dim3A_55 : i1 to vector<16xi1>
      %unique3A_57, %unique3A_58 = tpu.scan_count mask(%broadcast_in_dim3A_56 : vector<16xi1>) value(%get3A_54 : vector<16xi32>) : vector<16xi1>, vector<16xi32>
      %convert_element_type3A_59 = arith.sitofp %unique3A_58 : vector<16xi32> to vector<16xf32>
      tpu.vector_store_idx %arg5[%get3A_54], %convert_element_type3A_59 masked %unique3A_57 {add = true} : memref<10240xf32, #tpu.memory_space<vmem>>[vector<16xi32>], vector<16xf32>, vector<16xi1>
      %scan3A_60 = arith.constant 3 : i32
      %scan3A_61 = arith.addi %scan3A_28, %scan3A_60 : i32
      %mul3A_62 = arith.constant 16 : i32
      %mul3A_63 = arith.muli %scan3A_61, %mul3A_62 : i32
      %get3A_64 = arith.index_cast %mul3A_63 : i32 to index
      %get3A_65 = tpu.vector_load %arg4[%get3A_64] {strides = array<i32>} : memref<10000xi32, #tpu.memory_space<vmem>>, vector<16xi32>,
      %broadcast_in_dim3A_66 = arith.constant true
      %broadcast_in_dim3A_67 = vector.broadcast %broadcast_in_dim3A_66 : i1 to vector<16xi1>
      %unique3A_68, %unique3A_69 = tpu.scan_count mask(%broadcast_in_dim3A_67 : vector<16xi1>) value(%get3A_65 : vector<16xi32>) : vector<16xi1>, vector<16xi32>
      %convert_element_type3A_70 = arith.sitofp %unique3A_69 : vector<16xi32> to vector<16xf32>
      tpu.vector_store_idx %arg5[%get3A_65], %convert_element_type3A_70 masked %unique3A_68 {add = true} : memref<10240xf32, #tpu.memory_space<vmem>>[vector<16xi32>], vector<16xf32>, vector<16xi1>
    }
    %scan3A_12 = arith.constant 624 : i32
    %scan3A_13 = arith.addi %scan3A_8, %scan3A_12 : i32
    %mul3A_14 = arith.constant 16 : i32
    %mul3A_15 = arith.muli %scan3A_13, %mul3A_14 : i32
    %get3A = arith.index_cast %mul3A_15 : i32 to index
    %get3A_16 = tpu.vector_load %arg4[%get3A] {strides = array<i32>} : memref<10000xi32, #tpu.memory_space<vmem>>, vector<16xi32>,
    %broadcast_in_dim3A_17 = arith.constant true
    %broadcast_in_dim3A_18 = vector.broadcast %broadcast_in_dim3A_17 : i1 to vector<16xi1>
    %unique3A, %unique3A_19 = tpu.scan_count mask(%broadcast_in_dim3A_18 : vector<16xi1>) value(%get3A_16 : vector<16xi32>) : vector<16xi1>, vector<16xi32>
    %convert_element_type3A = arith.sitofp %unique3A_19 : vector<16xi32> to vector<16xf32>
    tpu.vector_store_idx %arg5[%get3A_16], %convert_element_type3A masked %unique3A {add = true} : memref<10240xf32, #tpu.memory_space<vmem>>[vector<16xi32>], vector<16xf32>, vector<16xi1>
    %scan3A_20 = arith.constant 625 : i32
    "tpu.region"() ({
      %run_scoped3A_28 = tpu.sem_alloc : memref<!tpu.dma_semaphore, #tpu.memory_space<semaphore_mem>>
      %dma_start3A = arith.constant 0 : i32
      %dma_start3A_29 = tpu.memref_slice %arg8[%arg1, %dma_start3A] : memref<16x10240xf32, #tpu.memory_space<vmem_shared>> -> memref<1x10240xf32, #tpu.memory_space<vmem_shared>>
      %dma_start3A_30 = tpu.memref_squeeze %dma_start3A_29 : memref<1x10240xf32, #tpu.memory_space<vmem_shared>> -> memref<10240xf32, #tpu.memory_space<vmem_shared>>
      %dma_start3A_31 = arith.constant 0 : i32
      %dma_start3A_32 = tpu.memref_slice %arg8[%arg1, %dma_start3A_31] : memref<16x10240xf32, #tpu.memory_space<vmem_shared>> -> memref<1x10240xf32, #tpu.memory_space<vmem_shared>>
      %dma_start3A_33 = tpu.memref_squeeze %dma_start3A_32 : memref<1x10240xf32, #tpu.memory_space<vmem_shared>> -> memref<10240xf32, #tpu.memory_space<vmem_shared>>
      tpu.enqueue_dma source(%arg5 : memref<10240xf32, #tpu.memory_space<vmem>>) target(%dma_start3A_33 : memref<10240xf32, #tpu.memory_space<vmem_shared>>) target_semaphore(%run_scoped3A_28 : memref<!tpu.dma_semaphore, #tpu.memory_space<semaphore_mem>>)
      %dma_wait3A = arith.constant 0 : i32
      %dma_wait3A_34 = tpu.memref_slice %arg8[%arg1, %dma_wait3A] : memref<16x10240xf32, #tpu.memory_space<vmem_shared>> -> memref<1x10240xf32, #tpu.memory_space<vmem_shared>>
      %dma_wait3A_35 = tpu.memref_squeeze %dma_wait3A_34 : memref<1x10240xf32, #tpu.memory_space<vmem_shared>> -> memref<10240xf32, #tpu.memory_space<vmem_shared>>
      %dma_wait3A_36 = arith.constant 0 : i32
      %dma_wait3A_37 = tpu.memref_slice %arg8[%arg1, %dma_wait3A_36] : memref<16x10240xf32, #tpu.memory_space<vmem_shared>> -> memref<1x10240xf32, #tpu.memory_space<vmem_shared>>
      %dma_wait3A_38 = tpu.memref_squeeze %dma_wait3A_37 : memref<1x10240xf32, #tpu.memory_space<vmem_shared>> -> memref<10240xf32, #tpu.memory_space<vmem_shared>>
      tpu.wait_dma2 semaphore(%run_scoped3A_28 : memref<!tpu.dma_semaphore, #tpu.memory_space<semaphore_mem>>) src(%arg5 : memref<10240xf32, #tpu.memory_space<vmem>>) dst(%dma_wait3A_38 : memref<10240xf32, #tpu.memory_space<vmem_shared>>)
      tpu.yield
    }) : () -> ()
    %barrier3A = arith.constant 0 : index
    tpu.barrier barrier_id(%barrier3A)
    %mul3A_21 = arith.constant 640 : i32
    %mul3A_22 = arith.muli %arg1, %mul3A_21 : i32
    %run_scoped3A = arith.constant 0 : i32
    "tpu.region"() ({
      %run_scoped3A_28 = tpu.sem_alloc : memref<!tpu.dma_semaphore, #tpu.memory_space<semaphore_mem>>
      %dma_start3A = tpu.memref_slice %arg8[%run_scoped3A, %mul3A_22] : memref<16x10240xf32, #tpu.memory_space<vmem_shared>> -> memref<1x640xf32, #tpu.memory_space<vmem_shared>>
      %dma_start3A_29 = tpu.memref_squeeze %dma_start3A : memref<1x640xf32, #tpu.memory_space<vmem_shared>> -> memref<640xf32, #tpu.memory_space<vmem_shared>>
      %dma_start3A_30 = tpu.memref_slice %arg8[%run_scoped3A, %mul3A_22] : memref<16x10240xf32, #tpu.memory_space<vmem_shared>> -> memref<1x640xf32, #tpu.memory_space<vmem_shared>>
      %dma_start3A_31 = tpu.memref_squeeze %dma_start3A_30 : memref<1x640xf32, #tpu.memory_space<vmem_shared>> -> memref<640xf32, #tpu.memory_space<vmem_shared>>
      tpu.enqueue_dma source(%dma_start3A_31 : memref<640xf32, #tpu.memory_space<vmem_shared>>) target(%arg6 : memref<640xf32, #tpu.memory_space<vmem>>) target_semaphore(%run_scoped3A_28 : memref<!tpu.dma_semaphore, #tpu.memory_space<semaphore_mem>>)
      %dma_wait3A = tpu.memref_slice %arg8[%run_scoped3A, %mul3A_22] : memref<16x10240xf32, #tpu.memory_space<vmem_shared>> -> memref<1x640xf32, #tpu.memory_space<vmem_shared>>
      %dma_wait3A_32 = tpu.memref_squeeze %dma_wait3A : memref<1x640xf32, #tpu.memory_space<vmem_shared>> -> memref<640xf32, #tpu.memory_space<vmem_shared>>
      %dma_wait3A_33 = tpu.memref_slice %arg8[%run_scoped3A, %mul3A_22] : memref<16x10240xf32, #tpu.memory_space<vmem_shared>> -> memref<1x640xf32, #tpu.memory_space<vmem_shared>>
      %dma_wait3A_34 = tpu.memref_squeeze %dma_wait3A_33 : memref<1x640xf32, #tpu.memory_space<vmem_shared>> -> memref<640xf32, #tpu.memory_space<vmem_shared>>
      tpu.wait_dma2 semaphore(%run_scoped3A_28 : memref<!tpu.dma_semaphore, #tpu.memory_space<semaphore_mem>>) src(%dma_wait3A_34 : memref<640xf32, #tpu.memory_space<vmem_shared>>) dst(%arg6 : memref<640xf32, #tpu.memory_space<vmem>>)
      tpu.yield
    }) : () -> ()
    %scan3A_23 = arith.constant 1 : i32
    %scan3A_24 = arith.constant 15 : i32
    %scan3A_25 = arith.addi %scan3A_23, %scan3A_24 : i32
    %scan3A_26 = arith.constant 1 : i32
    scf.for %scan3A_28 = %scan3A_23 to %scan3A_25 step %scan3A_26  : i32 {
      "tpu.region"() ({
        %run_scoped3A_34 = tpu.sem_alloc : memref<!tpu.dma_semaphore, #tpu.memory_space<semaphore_mem>>
        %dma_start3A = tpu.memref_slice %arg8[%scan3A_28, %mul3A_22] : memref<16x10240xf32, #tpu.memory_space<vmem_shared>> -> memref<1x640xf32, #tpu.memory_space<vmem_shared>>
        %dma_start3A_35 = tpu.memref_squeeze %dma_start3A : memref<1x640xf32, #tpu.memory_space<vmem_shared>> -> memref<640xf32, #tpu.memory_space<vmem_shared>>
        %dma_start3A_36 = tpu.memref_slice %arg8[%scan3A_28, %mul3A_22] : memref<16x10240xf32, #tpu.memory_space<vmem_shared>> -> memref<1x640xf32, #tpu.memory_space<vmem_shared>>
        %dma_start3A_37 = tpu.memref_squeeze %dma_start3A_36 : memref<1x640xf32, #tpu.memory_space<vmem_shared>> -> memref<640xf32, #tpu.memory_space<vmem_shared>>
        tpu.enqueue_dma source(%dma_start3A_37 : memref<640xf32, #tpu.memory_space<vmem_shared>>) target(%arg7 : memref<640xf32, #tpu.memory_space<vmem>>) target_semaphore(%run_scoped3A_34 : memref<!tpu.dma_semaphore, #tpu.memory_space<semaphore_mem>>)
        %dma_wait3A = tpu.memref_slice %arg8[%scan3A_28, %mul3A_22] : memref<16x10240xf32, #tpu.memory_space<vmem_shared>> -> memref<1x640xf32, #tpu.memory_space<vmem_shared>>
        %dma_wait3A_38 = tpu.memref_squeeze %dma_wait3A : memref<1x640xf32, #tpu.memory_space<vmem_shared>> -> memref<640xf32, #tpu.memory_space<vmem_shared>>
        %dma_wait3A_39 = tpu.memref_slice %arg8[%scan3A_28, %mul3A_22] : memref<16x10240xf32, #tpu.memory_space<vmem_shared>> -> memref<1x640xf32, #tpu.memory_space<vmem_shared>>
        %dma_wait3A_40 = tpu.memref_squeeze %dma_wait3A_39 : memref<1x640xf32, #tpu.memory_space<vmem_shared>> -> memref<640xf32, #tpu.memory_space<vmem_shared>>
        tpu.wait_dma2 semaphore(%run_scoped3A_34 : memref<!tpu.dma_semaphore, #tpu.memory_space<semaphore_mem>>) src(%dma_wait3A_40 : memref<640xf32, #tpu.memory_space<vmem_shared>>) dst(%arg7 : memref<640xf32, #tpu.memory_space<vmem>>)
        tpu.yield
      }) : () -> ()
      %scan3A_29 = arith.constant 0 : i32
      %scan3A_30 = arith.constant 40 : i32
      %scan3A_31 = arith.addi %scan3A_29, %scan3A_30 : i32
      %scan3A_32 = arith.constant 8 : i32
      scf.for %scan3A_34 = %scan3A_29 to %scan3A_31 step %scan3A_32  : i32 {
        %mul3A_35 = arith.constant 16 : i32
        %mul3A_36 = arith.muli %scan3A_34, %mul3A_35 : i32
        %get3A_37 = arith.index_cast %mul3A_36 : i32 to index
        %get3A_38 = tpu.vector_load %arg6[%get3A_37] {strides = array<i32>} : memref<640xf32, #tpu.memory_space<vmem>>, vector<16xf32>,
        %get3A_39 = arith.index_cast %mul3A_36 : i32 to index
        %get3A_40 = tpu.vector_load %arg7[%get3A_39] {strides = array<i32>} : memref<640xf32, #tpu.memory_space<vmem>>, vector<16xf32>,
        %add3A_41 = arith.addf %get3A_38, %get3A_40 : vector<16xf32>
        %swap3A = arith.index_cast %mul3A_36 : i32 to index
        %swap3A_42 = tpu.vector_load %arg6[%swap3A] {strides = array<i32>} : memref<640xf32, #tpu.memory_space<vmem>>, vector<16xf32>,
        tpu.vector_store %arg6[%swap3A], %add3A_41 {strides = array<i32>} : memref<640xf32, #tpu.memory_space<vmem>>, vector<16xf32>,
        %scan3A_43 = arith.constant 1 : i32
        %scan3A_44 = arith.addi %scan3A_34, %scan3A_43 : i32
        %mul3A_45 = arith.constant 16 : i32
        %mul3A_46 = arith.muli %scan3A_44, %mul3A_45 : i32
        %get3A_47 = arith.index_cast %mul3A_46 : i32 to index
        %get3A_48 = tpu.vector_load %arg6[%get3A_47] {strides = array<i32>} : memref<640xf32, #tpu.memory_space<vmem>>, vector<16xf32>,
        %get3A_49 = arith.index_cast %mul3A_46 : i32 to index
        %get3A_50 = tpu.vector_load %arg7[%get3A_49] {strides = array<i32>} : memref<640xf32, #tpu.memory_space<vmem>>, vector<16xf32>,
        %add3A_51 = arith.addf %get3A_48, %get3A_50 : vector<16xf32>
        %swap3A_52 = arith.index_cast %mul3A_46 : i32 to index
        %swap3A_53 = tpu.vector_load %arg6[%swap3A_52] {strides = array<i32>} : memref<640xf32, #tpu.memory_space<vmem>>, vector<16xf32>,
        tpu.vector_store %arg6[%swap3A_52], %add3A_51 {strides = array<i32>} : memref<640xf32, #tpu.memory_space<vmem>>, vector<16xf32>,
        %scan3A_54 = arith.constant 2 : i32
        %scan3A_55 = arith.addi %scan3A_34, %scan3A_54 : i32
        %mul3A_56 = arith.constant 16 : i32
        %mul3A_57 = arith.muli %scan3A_55, %mul3A_56 : i32
        %get3A_58 = arith.index_cast %mul3A_57 : i32 to index
        %get3A_59 = tpu.vector_load %arg6[%get3A_58] {strides = array<i32>} : memref<640xf32, #tpu.memory_space<vmem>>, vector<16xf32>,
        %get3A_60 = arith.index_cast %mul3A_57 : i32 to index
        %get3A_61 = tpu.vector_load %arg7[%get3A_60] {strides = array<i32>} : memref<640xf32, #tpu.memory_space<vmem>>, vector<16xf32>,
        %add3A_62 = arith.addf %get3A_59, %get3A_61 : vector<16xf32>
        %swap3A_63 = arith.index_cast %mul3A_57 : i32 to index
        %swap3A_64 = tpu.vector_load %arg6[%swap3A_63] {strides = array<i32>} : memref<640xf32, #tpu.memory_space<vmem>>, vector<16xf32>,
        tpu.vector_store %arg6[%swap3A_63], %add3A_62 {strides = array<i32>} : memref<640xf32, #tpu.memory_space<vmem>>, vector<16xf32>,
        %scan3A_65 = arith.constant 3 : i32
        %scan3A_66 = arith.addi %scan3A_34, %scan3A_65 : i32
        %mul3A_67 = arith.constant 16 : i32
        %mul3A_68 = arith.muli %scan3A_66, %mul3A_67 : i32
        %get3A_69 = arith.index_cast %mul3A_68 : i32 to index
        %get3A_70 = tpu.vector_load %arg6[%get3A_69] {strides = array<i32>} : memref<640xf32, #tpu.memory_space<vmem>>, vector<16xf32>,
        %get3A_71 = arith.index_cast %mul3A_68 : i32 to index
        %get3A_72 = tpu.vector_load %arg7[%get3A_71] {strides = array<i32>} : memref<640xf32, #tpu.memory_space<vmem>>, vector<16xf32>,
        %add3A_73 = arith.addf %get3A_70, %get3A_72 : vector<16xf32>
        %swap3A_74 = arith.index_cast %mul3A_68 : i32 to index
        %swap3A_75 = tpu.vector_load %arg6[%swap3A_74] {strides = array<i32>} : memref<640xf32, #tpu.memory_space<vmem>>, vector<16xf32>,
        tpu.vector_store %arg6[%swap3A_74], %add3A_73 {strides = array<i32>} : memref<640xf32, #tpu.memory_space<vmem>>, vector<16xf32>,
        %scan3A_76 = arith.constant 4 : i32
        %scan3A_77 = arith.addi %scan3A_34, %scan3A_76 : i32
        %mul3A_78 = arith.constant 16 : i32
        %mul3A_79 = arith.muli %scan3A_77, %mul3A_78 : i32
        %get3A_80 = arith.index_cast %mul3A_79 : i32 to index
        %get3A_81 = tpu.vector_load %arg6[%get3A_80] {strides = array<i32>} : memref<640xf32, #tpu.memory_space<vmem>>, vector<16xf32>,
        %get3A_82 = arith.index_cast %mul3A_79 : i32 to index
        %get3A_83 = tpu.vector_load %arg7[%get3A_82] {strides = array<i32>} : memref<640xf32, #tpu.memory_space<vmem>>, vector<16xf32>,
        %add3A_84 = arith.addf %get3A_81, %get3A_83 : vector<16xf32>
        %swap3A_85 = arith.index_cast %mul3A_79 : i32 to index
        %swap3A_86 = tpu.vector_load %arg6[%swap3A_85] {strides = array<i32>} : memref<640xf32, #tpu.memory_space<vmem>>, vector<16xf32>,
        tpu.vector_store %arg6[%swap3A_85], %add3A_84 {strides = array<i32>} : memref<640xf32, #tpu.memory_space<vmem>>, vector<16xf32>,
        %scan3A_87 = arith.constant 5 : i32
        %scan3A_88 = arith.addi %scan3A_34, %scan3A_87 : i32
        %mul3A_89 = arith.constant 16 : i32
        %mul3A_90 = arith.muli %scan3A_88, %mul3A_89 : i32
        %get3A_91 = arith.index_cast %mul3A_90 : i32 to index
        %get3A_92 = tpu.vector_load %arg6[%get3A_91] {strides = array<i32>} : memref<640xf32, #tpu.memory_space<vmem>>, vector<16xf32>,
        %get3A_93 = arith.index_cast %mul3A_90 : i32 to index
        %get3A_94 = tpu.vector_load %arg7[%get3A_93] {strides = array<i32>} : memref<640xf32, #tpu.memory_space<vmem>>, vector<16xf32>,
        %add3A_95 = arith.addf %get3A_92, %get3A_94 : vector<16xf32>
        %swap3A_96 = arith.index_cast %mul3A_90 : i32 to index
        %swap3A_97 = tpu.vector_load %arg6[%swap3A_96] {strides = array<i32>} : memref<640xf32, #tpu.memory_space<vmem>>, vector<16xf32>,
        tpu.vector_store %arg6[%swap3A_96], %add3A_95 {strides = array<i32>} : memref<640xf32, #tpu.memory_space<vmem>>, vector<16xf32>,
        %scan3A_98 = arith.constant 6 : i32
        %scan3A_99 = arith.addi %scan3A_34, %scan3A_98 : i32
        %mul3A_100 = arith.constant 16 : i32
        %mul3A_101 = arith.muli %scan3A_99, %mul3A_100 : i32
        %get3A_102 = arith.index_cast %mul3A_101 : i32 to index
        %get3A_103 = tpu.vector_load %arg6[%get3A_102] {strides = array<i32>} : memref<640xf32, #tpu.memory_space<vmem>>, vector<16xf32>,
        %get3A_104 = arith.index_cast %mul3A_101 : i32 to index
        %get3A_105 = tpu.vector_load %arg7[%get3A_104] {strides = array<i32>} : memref<640xf32, #tpu.memory_space<vmem>>, vector<16xf32>,
        %add3A_106 = arith.addf %get3A_103, %get3A_105 : vector<16xf32>
        %swap3A_107 = arith.index_cast %mul3A_101 : i32 to index
        %swap3A_108 = tpu.vector_load %arg6[%swap3A_107] {strides = array<i32>} : memref<640xf32, #tpu.memory_space<vmem>>, vector<16xf32>,
        tpu.vector_store %arg6[%swap3A_107], %add3A_106 {strides = array<i32>} : memref<640xf32, #tpu.memory_space<vmem>>, vector<16xf32>,
        %scan3A_109 = arith.constant 7 : i32
        %scan3A_110 = arith.addi %scan3A_34, %scan3A_109 : i32
        %mul3A_111 = arith.constant 16 : i32
        %mul3A_112 = arith.muli %scan3A_110, %mul3A_111 : i32
        %get3A_113 = arith.index_cast %mul3A_112 : i32 to index
        %get3A_114 = tpu.vector_load %arg6[%get3A_113] {strides = array<i32>} : memref<640xf32, #tpu.memory_space<vmem>>, vector<16xf32>,
        %get3A_115 = arith.index_cast %mul3A_112 : i32 to index
        %get3A_116 = tpu.vector_load %arg7[%get3A_115] {strides = array<i32>} : memref<640xf32, #tpu.memory_space<vmem>>, vector<16xf32>,
        %add3A_117 = arith.addf %get3A_114, %get3A_116 : vector<16xf32>
        %swap3A_118 = arith.index_cast %mul3A_112 : i32 to index
        %swap3A_119 = tpu.vector_load %arg6[%swap3A_118] {strides = array<i32>} : memref<640xf32, #tpu.memory_space<vmem>>, vector<16xf32>,
        tpu.vector_store %arg6[%swap3A_118], %add3A_117 {strides = array<i32>} : memref<640xf32, #tpu.memory_space<vmem>>, vector<16xf32>,
      }
      %scan3A_33 = arith.constant 40 : i32
    }
    %scan3A_27 = arith.constant 15 : i32
    "tpu.region"() ({
      %run_scoped3A_28 = tpu.sem_alloc : memref<!tpu.dma_semaphore, #tpu.memory_space<semaphore_mem>>
      %dma_start3A = tpu.memref_slice %arg3[%arg0, %mul3A_22] : memref<2x10240xf32, #tpu.memory_space<hbm>> -> memref<1x640xf32, #tpu.memory_space<hbm>>
      %dma_start3A_29 = tpu.memref_squeeze %dma_start3A : memref<1x640xf32, #tpu.memory_space<hbm>> -> memref<640xf32, #tpu.memory_space<hbm>>
      %dma_start3A_30 = tpu.memref_slice %arg3[%arg0, %mul3A_22] : memref<2x10240xf32, #tpu.memory_space<hbm>> -> memref<1x640xf32, #tpu.memory_space<hbm>>
      %dma_start3A_31 = tpu.memref_squeeze %dma_start3A_30 : memref<1x640xf32, #tpu.memory_space<hbm>> -> memref<640xf32, #tpu.memory_space<hbm>>
      tpu.enqueue_dma source(%arg6 : memref<640xf32, #tpu.memory_space<vmem>>) target(%dma_start3A_31 : memref<640xf32, #tpu.memory_space<hbm>>) target_semaphore(%run_scoped3A_28 : memref<!tpu.dma_semaphore, #tpu.memory_space<semaphore_mem>>)
      %dma_wait3A = tpu.memref_slice %arg3[%arg0, %mul3A_22] : memref<2x10240xf32, #tpu.memory_space<hbm>> -> memref<1x640xf32, #tpu.memory_space<hbm>>
      %dma_wait3A_32 = tpu.memref_squeeze %dma_wait3A : memref<1x640xf32, #tpu.memory_space<hbm>> -> memref<640xf32, #tpu.memory_space<hbm>>
      %dma_wait3A_33 = tpu.memref_slice %arg3[%arg0, %mul3A_22] : memref<2x10240xf32, #tpu.memory_space<hbm>> -> memref<1x640xf32, #tpu.memory_space<hbm>>
      %dma_wait3A_34 = tpu.memref_squeeze %dma_wait3A_33 : memref<1x640xf32, #tpu.memory_space<hbm>> -> memref<640xf32, #tpu.memory_space<hbm>>
      tpu.wait_dma2 semaphore(%run_scoped3A_28 : memref<!tpu.dma_semaphore, #tpu.memory_space<semaphore_mem>>) src(%arg6 : memref<640xf32, #tpu.memory_space<vmem>>) dst(%dma_wait3A_34 : memref<640xf32, #tpu.memory_space<hbm>>)
      tpu.yield
    }) : () -> ()
    return
  }
}

#map = affine_map<(d0, d1) -> (0, 0, 0)>
#map1 = affine_map<(d0, d1) -> (0, 0)>
module attributes {stable_mosaic.version = 14 : i64} {
  func.func @prop_kernel(%arg0: i32, %arg1: i32, %arg2: memref<32x80x125xi32, #tpu.memory_space<hbm>>, %arg3: memref<32x80x125xi32, #tpu.memory_space<hbm>>, %arg4: memref<10000x16xf32, #tpu.memory_space<hbm>>, %arg5: memref<10240x16xf32, #tpu.memory_space<hbm>>, %arg6: memref<2x10240x16xf32, #tpu.memory_space<hbm>>, %arg7: memref<80x125xi32, #tpu.memory_space<vmem>>, %arg8: memref<80x125xi32, #tpu.memory_space<vmem>>, %arg9: memref<16x125x16xf32, #tpu.memory_space<vmem>>, %arg10: memref<10240x16xf32, #tpu.memory_space<vmem_shared>>, %arg11: memref<!tpu.dma_semaphore, #tpu.memory_space<semaphore_mem>>, %arg12: memref<!tpu.dma_semaphore, #tpu.memory_space<semaphore_mem>>) attributes {dimension_semantics = [#tpu.dimension_semantics<core_parallel>, #tpu.dimension_semantics<subcore_parallel>], iteration_bounds = array<i64: 2, 16>, scalar_prefetch = 0 : i64, scratch_operands = 6 : i64, tpu.core_type = #tpu.core_type<sc_vector_subcore>, window_params = [{transform_indices = #map}, {transform_indices = #map}, {transform_indices = #map1}, {transform_indices = #map1}, {transform_indices = #map}]} {
    %mul3A = arith.constant 2 : i32
    %mul3A_0 = arith.muli %arg1, %mul3A : i32
    %add3A = arith.addi %mul3A_0, %arg0 : i32
    %mul3A_1 = arith.constant 640 : i32
    %mul3A_2 = arith.muli %arg1, %mul3A_1 : i32
    "tpu.region"() ({
      %run_scoped3A = tpu.sem_alloc : memref<!tpu.dma_semaphore, #tpu.memory_space<semaphore_mem>>
      %dma_start3A_199 = arith.constant 0 : i32
      %dma_start3A_200 = tpu.memref_slice %arg10[%mul3A_2, %dma_start3A_199] : memref<10240x16xf32, #tpu.memory_space<vmem_shared>> -> memref<640x16xf32, #tpu.memory_space<vmem_shared>>
      %dma_start3A_201 = arith.constant 0 : i32
      %dma_start3A_202 = tpu.memref_slice %arg5[%mul3A_2, %dma_start3A_201] : memref<10240x16xf32, #tpu.memory_space<hbm>> -> memref<640x16xf32, #tpu.memory_space<hbm>>
      tpu.enqueue_dma source(%dma_start3A_202 : memref<640x16xf32, #tpu.memory_space<hbm>>) target(%dma_start3A_200 : memref<640x16xf32, #tpu.memory_space<vmem_shared>>) target_semaphore(%run_scoped3A : memref<!tpu.dma_semaphore, #tpu.memory_space<semaphore_mem>>)
      %dma_wait3A_203 = arith.constant 0 : i32
      %dma_wait3A_204 = tpu.memref_slice %arg10[%mul3A_2, %dma_wait3A_203] : memref<10240x16xf32, #tpu.memory_space<vmem_shared>> -> memref<640x16xf32, #tpu.memory_space<vmem_shared>>
      %dma_wait3A_205 = arith.constant 0 : i32
      %dma_wait3A_206 = tpu.memref_slice %arg5[%mul3A_2, %dma_wait3A_205] : memref<10240x16xf32, #tpu.memory_space<hbm>> -> memref<640x16xf32, #tpu.memory_space<hbm>>
      tpu.wait_dma2 semaphore(%run_scoped3A : memref<!tpu.dma_semaphore, #tpu.memory_space<semaphore_mem>>) src(%dma_wait3A_206 : memref<640x16xf32, #tpu.memory_space<hbm>>) dst(%dma_wait3A_204 : memref<640x16xf32, #tpu.memory_space<vmem_shared>>)
      tpu.yield
    }) : () -> ()
    "tpu.region"() ({
      %run_scoped3A = tpu.sem_alloc : memref<!tpu.dma_semaphore, #tpu.memory_space<semaphore_mem>>
      %dma_start3A_199 = arith.constant 0 : i32
      %dma_start3A_200 = arith.constant 0 : i32
      %dma_start3A_201 = tpu.memref_slice %arg2[%add3A, %dma_start3A_199, %dma_start3A_200] : memref<32x80x125xi32, #tpu.memory_space<hbm>> -> memref<1x80x125xi32, #tpu.memory_space<hbm>>
      %dma_start3A_202 = tpu.memref_squeeze %dma_start3A_201 : memref<1x80x125xi32, #tpu.memory_space<hbm>> -> memref<80x125xi32, #tpu.memory_space<hbm>>
      %dma_start3A_203 = arith.constant 0 : i32
      %dma_start3A_204 = arith.constant 0 : i32
      %dma_start3A_205 = tpu.memref_slice %arg2[%add3A, %dma_start3A_203, %dma_start3A_204] : memref<32x80x125xi32, #tpu.memory_space<hbm>> -> memref<1x80x125xi32, #tpu.memory_space<hbm>>
      %dma_start3A_206 = tpu.memref_squeeze %dma_start3A_205 : memref<1x80x125xi32, #tpu.memory_space<hbm>> -> memref<80x125xi32, #tpu.memory_space<hbm>>
      tpu.enqueue_dma source(%dma_start3A_206 : memref<80x125xi32, #tpu.memory_space<hbm>>) target(%arg7 : memref<80x125xi32, #tpu.memory_space<vmem>>) target_semaphore(%run_scoped3A : memref<!tpu.dma_semaphore, #tpu.memory_space<semaphore_mem>>)
      %dma_wait3A_207 = arith.constant 0 : i32
      %dma_wait3A_208 = arith.constant 0 : i32
      %dma_wait3A_209 = tpu.memref_slice %arg2[%add3A, %dma_wait3A_207, %dma_wait3A_208] : memref<32x80x125xi32, #tpu.memory_space<hbm>> -> memref<1x80x125xi32, #tpu.memory_space<hbm>>
      %dma_wait3A_210 = tpu.memref_squeeze %dma_wait3A_209 : memref<1x80x125xi32, #tpu.memory_space<hbm>> -> memref<80x125xi32, #tpu.memory_space<hbm>>
      %dma_wait3A_211 = arith.constant 0 : i32
      %dma_wait3A_212 = arith.constant 0 : i32
      %dma_wait3A_213 = tpu.memref_slice %arg2[%add3A, %dma_wait3A_211, %dma_wait3A_212] : memref<32x80x125xi32, #tpu.memory_space<hbm>> -> memref<1x80x125xi32, #tpu.memory_space<hbm>>
      %dma_wait3A_214 = tpu.memref_squeeze %dma_wait3A_213 : memref<1x80x125xi32, #tpu.memory_space<hbm>> -> memref<80x125xi32, #tpu.memory_space<hbm>>
      tpu.wait_dma2 semaphore(%run_scoped3A : memref<!tpu.dma_semaphore, #tpu.memory_space<semaphore_mem>>) src(%dma_wait3A_214 : memref<80x125xi32, #tpu.memory_space<hbm>>) dst(%arg7 : memref<80x125xi32, #tpu.memory_space<vmem>>)
      tpu.yield
    }) : () -> ()
    "tpu.region"() ({
      %run_scoped3A = tpu.sem_alloc : memref<!tpu.dma_semaphore, #tpu.memory_space<semaphore_mem>>
      %dma_start3A_199 = arith.constant 0 : i32
      %dma_start3A_200 = arith.constant 0 : i32
      %dma_start3A_201 = tpu.memref_slice %arg3[%add3A, %dma_start3A_199, %dma_start3A_200] : memref<32x80x125xi32, #tpu.memory_space<hbm>> -> memref<1x80x125xi32, #tpu.memory_space<hbm>>
      %dma_start3A_202 = tpu.memref_squeeze %dma_start3A_201 : memref<1x80x125xi32, #tpu.memory_space<hbm>> -> memref<80x125xi32, #tpu.memory_space<hbm>>
      %dma_start3A_203 = arith.constant 0 : i32
      %dma_start3A_204 = arith.constant 0 : i32
      %dma_start3A_205 = tpu.memref_slice %arg3[%add3A, %dma_start3A_203, %dma_start3A_204] : memref<32x80x125xi32, #tpu.memory_space<hbm>> -> memref<1x80x125xi32, #tpu.memory_space<hbm>>
      %dma_start3A_206 = tpu.memref_squeeze %dma_start3A_205 : memref<1x80x125xi32, #tpu.memory_space<hbm>> -> memref<80x125xi32, #tpu.memory_space<hbm>>
      tpu.enqueue_dma source(%dma_start3A_206 : memref<80x125xi32, #tpu.memory_space<hbm>>) target(%arg8 : memref<80x125xi32, #tpu.memory_space<vmem>>) target_semaphore(%run_scoped3A : memref<!tpu.dma_semaphore, #tpu.memory_space<semaphore_mem>>)
      %dma_wait3A_207 = arith.constant 0 : i32
      %dma_wait3A_208 = arith.constant 0 : i32
      %dma_wait3A_209 = tpu.memref_slice %arg3[%add3A, %dma_wait3A_207, %dma_wait3A_208] : memref<32x80x125xi32, #tpu.memory_space<hbm>> -> memref<1x80x125xi32, #tpu.memory_space<hbm>>
      %dma_wait3A_210 = tpu.memref_squeeze %dma_wait3A_209 : memref<1x80x125xi32, #tpu.memory_space<hbm>> -> memref<80x125xi32, #tpu.memory_space<hbm>>
      %dma_wait3A_211 = arith.constant 0 : i32
      %dma_wait3A_212 = arith.constant 0 : i32
      %dma_wait3A_213 = tpu.memref_slice %arg3[%add3A, %dma_wait3A_211, %dma_wait3A_212] : memref<32x80x125xi32, #tpu.memory_space<hbm>> -> memref<1x80x125xi32, #tpu.memory_space<hbm>>
      %dma_wait3A_214 = tpu.memref_squeeze %dma_wait3A_213 : memref<1x80x125xi32, #tpu.memory_space<hbm>> -> memref<80x125xi32, #tpu.memory_space<hbm>>
      tpu.wait_dma2 semaphore(%run_scoped3A : memref<!tpu.dma_semaphore, #tpu.memory_space<semaphore_mem>>) src(%dma_wait3A_214 : memref<80x125xi32, #tpu.memory_space<hbm>>) dst(%arg8 : memref<80x125xi32, #tpu.memory_space<vmem>>)
      tpu.yield
    }) : () -> ()
    %barrier3A = arith.constant 0 : index
    tpu.barrier barrier_id(%barrier3A)
    %dma_start3A = arith.constant 0 : i32
    %dma_start3A_3 = arith.constant 0 : i32
    %dma_start3A_4 = arith.constant 0 : i32
    %dma_start3A_5 = arith.constant 0 : i32
    %dma_start3A_6 = tpu.memref_slice %arg9[%dma_start3A_3, %dma_start3A_4, %dma_start3A_5] : memref<16x125x16xf32, #tpu.memory_space<vmem>> -> memref<1x125x16xf32, #tpu.memory_space<vmem>>
    %dma_start3A_7 = tpu.memref_squeeze %dma_start3A_6 : memref<1x125x16xf32, #tpu.memory_space<vmem>> -> memref<125x16xf32, #tpu.memory_space<vmem>>
    %dma_start3A_8 = arith.constant 0 : i32
    %dma_start3A_9 = tpu.memref_slice %arg7[%dma_start3A, %dma_start3A_8] : memref<80x125xi32, #tpu.memory_space<vmem>> -> memref<1x125xi32, #tpu.memory_space<vmem>>
    %dma_start3A_10 = tpu.memref_squeeze %dma_start3A_9 : memref<1x125xi32, #tpu.memory_space<vmem>> -> memref<125xi32, #tpu.memory_space<vmem>>
    %dma_start3A_11 = arith.constant 0 : i32
    %dma_start3A_12 = arith.constant 0 : i32
    %dma_start3A_13 = tpu.memref_slice %arg4[%dma_start3A_11, %dma_start3A_12] : memref<10000x16xf32, #tpu.memory_space<hbm>> -> memref<10000x16xf32, #tpu.memory_space<hbm>>
    tpu.enqueue_indirect_dma source(%dma_start3A_13 : memref<10000x16xf32, #tpu.memory_space<hbm>>) target(%dma_start3A_7 : memref<125x16xf32, #tpu.memory_space<vmem>>) offsets(%dma_start3A_10 : memref<125xi32, #tpu.memory_space<vmem>>) semaphore(%arg11 : memref<!tpu.dma_semaphore, #tpu.memory_space<semaphore_mem>>)
    %dma_start3A_14 = arith.constant 1 : i32
    %dma_start3A_15 = arith.constant 1 : i32
    %dma_start3A_16 = arith.constant 0 : i32
    %dma_start3A_17 = arith.constant 0 : i32
    %dma_start3A_18 = tpu.memref_slice %arg9[%dma_start3A_15, %dma_start3A_16, %dma_start3A_17] : memref<16x125x16xf32, #tpu.memory_space<vmem>> -> memref<1x125x16xf32, #tpu.memory_space<vmem>>
    %dma_start3A_19 = tpu.memref_squeeze %dma_start3A_18 : memref<1x125x16xf32, #tpu.memory_space<vmem>> -> memref<125x16xf32, #tpu.memory_space<vmem>>
    %dma_start3A_20 = arith.constant 0 : i32
    %dma_start3A_21 = tpu.memref_slice %arg7[%dma_start3A_14, %dma_start3A_20] : memref<80x125xi32, #tpu.memory_space<vmem>> -> memref<1x125xi32, #tpu.memory_space<vmem>>
    %dma_start3A_22 = tpu.memref_squeeze %dma_start3A_21 : memref<1x125xi32, #tpu.memory_space<vmem>> -> memref<125xi32, #tpu.memory_space<vmem>>
    %dma_start3A_23 = arith.constant 0 : i32
    %dma_start3A_24 = arith.constant 0 : i32
    %dma_start3A_25 = tpu.memref_slice %arg4[%dma_start3A_23, %dma_start3A_24] : memref<10000x16xf32, #tpu.memory_space<hbm>> -> memref<10000x16xf32, #tpu.memory_space<hbm>>
    tpu.enqueue_indirect_dma source(%dma_start3A_25 : memref<10000x16xf32, #tpu.memory_space<hbm>>) target(%dma_start3A_19 : memref<125x16xf32, #tpu.memory_space<vmem>>) offsets(%dma_start3A_22 : memref<125xi32, #tpu.memory_space<vmem>>) semaphore(%arg11 : memref<!tpu.dma_semaphore, #tpu.memory_space<semaphore_mem>>)
    %dma_start3A_26 = arith.constant 2 : i32
    %dma_start3A_27 = arith.constant 2 : i32
    %dma_start3A_28 = arith.constant 0 : i32
    %dma_start3A_29 = arith.constant 0 : i32
    %dma_start3A_30 = tpu.memref_slice %arg9[%dma_start3A_27, %dma_start3A_28, %dma_start3A_29] : memref<16x125x16xf32, #tpu.memory_space<vmem>> -> memref<1x125x16xf32, #tpu.memory_space<vmem>>
    %dma_start3A_31 = tpu.memref_squeeze %dma_start3A_30 : memref<1x125x16xf32, #tpu.memory_space<vmem>> -> memref<125x16xf32, #tpu.memory_space<vmem>>
    %dma_start3A_32 = arith.constant 0 : i32
    %dma_start3A_33 = tpu.memref_slice %arg7[%dma_start3A_26, %dma_start3A_32] : memref<80x125xi32, #tpu.memory_space<vmem>> -> memref<1x125xi32, #tpu.memory_space<vmem>>
    %dma_start3A_34 = tpu.memref_squeeze %dma_start3A_33 : memref<1x125xi32, #tpu.memory_space<vmem>> -> memref<125xi32, #tpu.memory_space<vmem>>
    %dma_start3A_35 = arith.constant 0 : i32
    %dma_start3A_36 = arith.constant 0 : i32
    %dma_start3A_37 = tpu.memref_slice %arg4[%dma_start3A_35, %dma_start3A_36] : memref<10000x16xf32, #tpu.memory_space<hbm>> -> memref<10000x16xf32, #tpu.memory_space<hbm>>
    tpu.enqueue_indirect_dma source(%dma_start3A_37 : memref<10000x16xf32, #tpu.memory_space<hbm>>) target(%dma_start3A_31 : memref<125x16xf32, #tpu.memory_space<vmem>>) offsets(%dma_start3A_34 : memref<125xi32, #tpu.memory_space<vmem>>) semaphore(%arg11 : memref<!tpu.dma_semaphore, #tpu.memory_space<semaphore_mem>>)
    %dma_start3A_38 = arith.constant 3 : i32
    %dma_start3A_39 = arith.constant 3 : i32
    %dma_start3A_40 = arith.constant 0 : i32
    %dma_start3A_41 = arith.constant 0 : i32
    %dma_start3A_42 = tpu.memref_slice %arg9[%dma_start3A_39, %dma_start3A_40, %dma_start3A_41] : memref<16x125x16xf32, #tpu.memory_space<vmem>> -> memref<1x125x16xf32, #tpu.memory_space<vmem>>
    %dma_start3A_43 = tpu.memref_squeeze %dma_start3A_42 : memref<1x125x16xf32, #tpu.memory_space<vmem>> -> memref<125x16xf32, #tpu.memory_space<vmem>>
    %dma_start3A_44 = arith.constant 0 : i32
    %dma_start3A_45 = tpu.memref_slice %arg7[%dma_start3A_38, %dma_start3A_44] : memref<80x125xi32, #tpu.memory_space<vmem>> -> memref<1x125xi32, #tpu.memory_space<vmem>>
    %dma_start3A_46 = tpu.memref_squeeze %dma_start3A_45 : memref<1x125xi32, #tpu.memory_space<vmem>> -> memref<125xi32, #tpu.memory_space<vmem>>
    %dma_start3A_47 = arith.constant 0 : i32
    %dma_start3A_48 = arith.constant 0 : i32
    %dma_start3A_49 = tpu.memref_slice %arg4[%dma_start3A_47, %dma_start3A_48] : memref<10000x16xf32, #tpu.memory_space<hbm>> -> memref<10000x16xf32, #tpu.memory_space<hbm>>
    tpu.enqueue_indirect_dma source(%dma_start3A_49 : memref<10000x16xf32, #tpu.memory_space<hbm>>) target(%dma_start3A_43 : memref<125x16xf32, #tpu.memory_space<vmem>>) offsets(%dma_start3A_46 : memref<125xi32, #tpu.memory_space<vmem>>) semaphore(%arg11 : memref<!tpu.dma_semaphore, #tpu.memory_space<semaphore_mem>>)
    %dma_start3A_50 = arith.constant 4 : i32
    %dma_start3A_51 = arith.constant 4 : i32
    %dma_start3A_52 = arith.constant 0 : i32
    %dma_start3A_53 = arith.constant 0 : i32
    %dma_start3A_54 = tpu.memref_slice %arg9[%dma_start3A_51, %dma_start3A_52, %dma_start3A_53] : memref<16x125x16xf32, #tpu.memory_space<vmem>> -> memref<1x125x16xf32, #tpu.memory_space<vmem>>
    %dma_start3A_55 = tpu.memref_squeeze %dma_start3A_54 : memref<1x125x16xf32, #tpu.memory_space<vmem>> -> memref<125x16xf32, #tpu.memory_space<vmem>>
    %dma_start3A_56 = arith.constant 0 : i32
    %dma_start3A_57 = tpu.memref_slice %arg7[%dma_start3A_50, %dma_start3A_56] : memref<80x125xi32, #tpu.memory_space<vmem>> -> memref<1x125xi32, #tpu.memory_space<vmem>>
    %dma_start3A_58 = tpu.memref_squeeze %dma_start3A_57 : memref<1x125xi32, #tpu.memory_space<vmem>> -> memref<125xi32, #tpu.memory_space<vmem>>
    %dma_start3A_59 = arith.constant 0 : i32
    %dma_start3A_60 = arith.constant 0 : i32
    %dma_start3A_61 = tpu.memref_slice %arg4[%dma_start3A_59, %dma_start3A_60] : memref<10000x16xf32, #tpu.memory_space<hbm>> -> memref<10000x16xf32, #tpu.memory_space<hbm>>
    tpu.enqueue_indirect_dma source(%dma_start3A_61 : memref<10000x16xf32, #tpu.memory_space<hbm>>) target(%dma_start3A_55 : memref<125x16xf32, #tpu.memory_space<vmem>>) offsets(%dma_start3A_58 : memref<125xi32, #tpu.memory_space<vmem>>) semaphore(%arg11 : memref<!tpu.dma_semaphore, #tpu.memory_space<semaphore_mem>>)
    %dma_start3A_62 = arith.constant 5 : i32
    %dma_start3A_63 = arith.constant 5 : i32
    %dma_start3A_64 = arith.constant 0 : i32
    %dma_start3A_65 = arith.constant 0 : i32
    %dma_start3A_66 = tpu.memref_slice %arg9[%dma_start3A_63, %dma_start3A_64, %dma_start3A_65] : memref<16x125x16xf32, #tpu.memory_space<vmem>> -> memref<1x125x16xf32, #tpu.memory_space<vmem>>
    %dma_start3A_67 = tpu.memref_squeeze %dma_start3A_66 : memref<1x125x16xf32, #tpu.memory_space<vmem>> -> memref<125x16xf32, #tpu.memory_space<vmem>>
    %dma_start3A_68 = arith.constant 0 : i32
    %dma_start3A_69 = tpu.memref_slice %arg7[%dma_start3A_62, %dma_start3A_68] : memref<80x125xi32, #tpu.memory_space<vmem>> -> memref<1x125xi32, #tpu.memory_space<vmem>>
    %dma_start3A_70 = tpu.memref_squeeze %dma_start3A_69 : memref<1x125xi32, #tpu.memory_space<vmem>> -> memref<125xi32, #tpu.memory_space<vmem>>
    %dma_start3A_71 = arith.constant 0 : i32
    %dma_start3A_72 = arith.constant 0 : i32
    %dma_start3A_73 = tpu.memref_slice %arg4[%dma_start3A_71, %dma_start3A_72] : memref<10000x16xf32, #tpu.memory_space<hbm>> -> memref<10000x16xf32, #tpu.memory_space<hbm>>
    tpu.enqueue_indirect_dma source(%dma_start3A_73 : memref<10000x16xf32, #tpu.memory_space<hbm>>) target(%dma_start3A_67 : memref<125x16xf32, #tpu.memory_space<vmem>>) offsets(%dma_start3A_70 : memref<125xi32, #tpu.memory_space<vmem>>) semaphore(%arg11 : memref<!tpu.dma_semaphore, #tpu.memory_space<semaphore_mem>>)
    %dma_start3A_74 = arith.constant 6 : i32
    %dma_start3A_75 = arith.constant 6 : i32
    %dma_start3A_76 = arith.constant 0 : i32
    %dma_start3A_77 = arith.constant 0 : i32
    %dma_start3A_78 = tpu.memref_slice %arg9[%dma_start3A_75, %dma_start3A_76, %dma_start3A_77] : memref<16x125x16xf32, #tpu.memory_space<vmem>> -> memref<1x125x16xf32, #tpu.memory_space<vmem>>
    %dma_start3A_79 = tpu.memref_squeeze %dma_start3A_78 : memref<1x125x16xf32, #tpu.memory_space<vmem>> -> memref<125x16xf32, #tpu.memory_space<vmem>>
    %dma_start3A_80 = arith.constant 0 : i32
    %dma_start3A_81 = tpu.memref_slice %arg7[%dma_start3A_74, %dma_start3A_80] : memref<80x125xi32, #tpu.memory_space<vmem>> -> memref<1x125xi32, #tpu.memory_space<vmem>>
    %dma_start3A_82 = tpu.memref_squeeze %dma_start3A_81 : memref<1x125xi32, #tpu.memory_space<vmem>> -> memref<125xi32, #tpu.memory_space<vmem>>
    %dma_start3A_83 = arith.constant 0 : i32
    %dma_start3A_84 = arith.constant 0 : i32
    %dma_start3A_85 = tpu.memref_slice %arg4[%dma_start3A_83, %dma_start3A_84] : memref<10000x16xf32, #tpu.memory_space<hbm>> -> memref<10000x16xf32, #tpu.memory_space<hbm>>
    tpu.enqueue_indirect_dma source(%dma_start3A_85 : memref<10000x16xf32, #tpu.memory_space<hbm>>) target(%dma_start3A_79 : memref<125x16xf32, #tpu.memory_space<vmem>>) offsets(%dma_start3A_82 : memref<125xi32, #tpu.memory_space<vmem>>) semaphore(%arg11 : memref<!tpu.dma_semaphore, #tpu.memory_space<semaphore_mem>>)
    %dma_start3A_86 = arith.constant 7 : i32
    %dma_start3A_87 = arith.constant 7 : i32
    %dma_start3A_88 = arith.constant 0 : i32
    %dma_start3A_89 = arith.constant 0 : i32
    %dma_start3A_90 = tpu.memref_slice %arg9[%dma_start3A_87, %dma_start3A_88, %dma_start3A_89] : memref<16x125x16xf32, #tpu.memory_space<vmem>> -> memref<1x125x16xf32, #tpu.memory_space<vmem>>
    %dma_start3A_91 = tpu.memref_squeeze %dma_start3A_90 : memref<1x125x16xf32, #tpu.memory_space<vmem>> -> memref<125x16xf32, #tpu.memory_space<vmem>>
    %dma_start3A_92 = arith.constant 0 : i32
    %dma_start3A_93 = tpu.memref_slice %arg7[%dma_start3A_86, %dma_start3A_92] : memref<80x125xi32, #tpu.memory_space<vmem>> -> memref<1x125xi32, #tpu.memory_space<vmem>>
    %dma_start3A_94 = tpu.memref_squeeze %dma_start3A_93 : memref<1x125xi32, #tpu.memory_space<vmem>> -> memref<125xi32, #tpu.memory_space<vmem>>
    %dma_start3A_95 = arith.constant 0 : i32
    %dma_start3A_96 = arith.constant 0 : i32
    %dma_start3A_97 = tpu.memref_slice %arg4[%dma_start3A_95, %dma_start3A_96] : memref<10000x16xf32, #tpu.memory_space<hbm>> -> memref<10000x16xf32, #tpu.memory_space<hbm>>
    tpu.enqueue_indirect_dma source(%dma_start3A_97 : memref<10000x16xf32, #tpu.memory_space<hbm>>) target(%dma_start3A_91 : memref<125x16xf32, #tpu.memory_space<vmem>>) offsets(%dma_start3A_94 : memref<125xi32, #tpu.memory_space<vmem>>) semaphore(%arg11 : memref<!tpu.dma_semaphore, #tpu.memory_space<semaphore_mem>>)
    %dma_start3A_98 = arith.constant 8 : i32
    %dma_start3A_99 = arith.constant 8 : i32
    %dma_start3A_100 = arith.constant 0 : i32
    %dma_start3A_101 = arith.constant 0 : i32
    %dma_start3A_102 = tpu.memref_slice %arg9[%dma_start3A_99, %dma_start3A_100, %dma_start3A_101] : memref<16x125x16xf32, #tpu.memory_space<vmem>> -> memref<1x125x16xf32, #tpu.memory_space<vmem>>
    %dma_start3A_103 = tpu.memref_squeeze %dma_start3A_102 : memref<1x125x16xf32, #tpu.memory_space<vmem>> -> memref<125x16xf32, #tpu.memory_space<vmem>>
    %dma_start3A_104 = arith.constant 0 : i32
    %dma_start3A_105 = tpu.memref_slice %arg7[%dma_start3A_98, %dma_start3A_104] : memref<80x125xi32, #tpu.memory_space<vmem>> -> memref<1x125xi32, #tpu.memory_space<vmem>>
    %dma_start3A_106 = tpu.memref_squeeze %dma_start3A_105 : memref<1x125xi32, #tpu.memory_space<vmem>> -> memref<125xi32, #tpu.memory_space<vmem>>
    %dma_start3A_107 = arith.constant 0 : i32
    %dma_start3A_108 = arith.constant 0 : i32
    %dma_start3A_109 = tpu.memref_slice %arg4[%dma_start3A_107, %dma_start3A_108] : memref<10000x16xf32, #tpu.memory_space<hbm>> -> memref<10000x16xf32, #tpu.memory_space<hbm>>
    tpu.enqueue_indirect_dma source(%dma_start3A_109 : memref<10000x16xf32, #tpu.memory_space<hbm>>) target(%dma_start3A_103 : memref<125x16xf32, #tpu.memory_space<vmem>>) offsets(%dma_start3A_106 : memref<125xi32, #tpu.memory_space<vmem>>) semaphore(%arg11 : memref<!tpu.dma_semaphore, #tpu.memory_space<semaphore_mem>>)
    %dma_start3A_110 = arith.constant 9 : i32
    %dma_start3A_111 = arith.constant 9 : i32
    %dma_start3A_112 = arith.constant 0 : i32
    %dma_start3A_113 = arith.constant 0 : i32
    %dma_start3A_114 = tpu.memref_slice %arg9[%dma_start3A_111, %dma_start3A_112, %dma_start3A_113] : memref<16x125x16xf32, #tpu.memory_space<vmem>> -> memref<1x125x16xf32, #tpu.memory_space<vmem>>
    %dma_start3A_115 = tpu.memref_squeeze %dma_start3A_114 : memref<1x125x16xf32, #tpu.memory_space<vmem>> -> memref<125x16xf32, #tpu.memory_space<vmem>>
    %dma_start3A_116 = arith.constant 0 : i32
    %dma_start3A_117 = tpu.memref_slice %arg7[%dma_start3A_110, %dma_start3A_116] : memref<80x125xi32, #tpu.memory_space<vmem>> -> memref<1x125xi32, #tpu.memory_space<vmem>>
    %dma_start3A_118 = tpu.memref_squeeze %dma_start3A_117 : memref<1x125xi32, #tpu.memory_space<vmem>> -> memref<125xi32, #tpu.memory_space<vmem>>
    %dma_start3A_119 = arith.constant 0 : i32
    %dma_start3A_120 = arith.constant 0 : i32
    %dma_start3A_121 = tpu.memref_slice %arg4[%dma_start3A_119, %dma_start3A_120] : memref<10000x16xf32, #tpu.memory_space<hbm>> -> memref<10000x16xf32, #tpu.memory_space<hbm>>
    tpu.enqueue_indirect_dma source(%dma_start3A_121 : memref<10000x16xf32, #tpu.memory_space<hbm>>) target(%dma_start3A_115 : memref<125x16xf32, #tpu.memory_space<vmem>>) offsets(%dma_start3A_118 : memref<125xi32, #tpu.memory_space<vmem>>) semaphore(%arg11 : memref<!tpu.dma_semaphore, #tpu.memory_space<semaphore_mem>>)
    %dma_start3A_122 = arith.constant 10 : i32
    %dma_start3A_123 = arith.constant 10 : i32
    %dma_start3A_124 = arith.constant 0 : i32
    %dma_start3A_125 = arith.constant 0 : i32
    %dma_start3A_126 = tpu.memref_slice %arg9[%dma_start3A_123, %dma_start3A_124, %dma_start3A_125] : memref<16x125x16xf32, #tpu.memory_space<vmem>> -> memref<1x125x16xf32, #tpu.memory_space<vmem>>
    %dma_start3A_127 = tpu.memref_squeeze %dma_start3A_126 : memref<1x125x16xf32, #tpu.memory_space<vmem>> -> memref<125x16xf32, #tpu.memory_space<vmem>>
    %dma_start3A_128 = arith.constant 0 : i32
    %dma_start3A_129 = tpu.memref_slice %arg7[%dma_start3A_122, %dma_start3A_128] : memref<80x125xi32, #tpu.memory_space<vmem>> -> memref<1x125xi32, #tpu.memory_space<vmem>>
    %dma_start3A_130 = tpu.memref_squeeze %dma_start3A_129 : memref<1x125xi32, #tpu.memory_space<vmem>> -> memref<125xi32, #tpu.memory_space<vmem>>
    %dma_start3A_131 = arith.constant 0 : i32
    %dma_start3A_132 = arith.constant 0 : i32
    %dma_start3A_133 = tpu.memref_slice %arg4[%dma_start3A_131, %dma_start3A_132] : memref<10000x16xf32, #tpu.memory_space<hbm>> -> memref<10000x16xf32, #tpu.memory_space<hbm>>
    tpu.enqueue_indirect_dma source(%dma_start3A_133 : memref<10000x16xf32, #tpu.memory_space<hbm>>) target(%dma_start3A_127 : memref<125x16xf32, #tpu.memory_space<vmem>>) offsets(%dma_start3A_130 : memref<125xi32, #tpu.memory_space<vmem>>) semaphore(%arg11 : memref<!tpu.dma_semaphore, #tpu.memory_space<semaphore_mem>>)
    %dma_start3A_134 = arith.constant 11 : i32
    %dma_start3A_135 = arith.constant 11 : i32
    %dma_start3A_136 = arith.constant 0 : i32
    %dma_start3A_137 = arith.constant 0 : i32
    %dma_start3A_138 = tpu.memref_slice %arg9[%dma_start3A_135, %dma_start3A_136, %dma_start3A_137] : memref<16x125x16xf32, #tpu.memory_space<vmem>> -> memref<1x125x16xf32, #tpu.memory_space<vmem>>
    %dma_start3A_139 = tpu.memref_squeeze %dma_start3A_138 : memref<1x125x16xf32, #tpu.memory_space<vmem>> -> memref<125x16xf32, #tpu.memory_space<vmem>>
    %dma_start3A_140 = arith.constant 0 : i32
    %dma_start3A_141 = tpu.memref_slice %arg7[%dma_start3A_134, %dma_start3A_140] : memref<80x125xi32, #tpu.memory_space<vmem>> -> memref<1x125xi32, #tpu.memory_space<vmem>>
    %dma_start3A_142 = tpu.memref_squeeze %dma_start3A_141 : memref<1x125xi32, #tpu.memory_space<vmem>> -> memref<125xi32, #tpu.memory_space<vmem>>
    %dma_start3A_143 = arith.constant 0 : i32
    %dma_start3A_144 = arith.constant 0 : i32
    %dma_start3A_145 = tpu.memref_slice %arg4[%dma_start3A_143, %dma_start3A_144] : memref<10000x16xf32, #tpu.memory_space<hbm>> -> memref<10000x16xf32, #tpu.memory_space<hbm>>
    tpu.enqueue_indirect_dma source(%dma_start3A_145 : memref<10000x16xf32, #tpu.memory_space<hbm>>) target(%dma_start3A_139 : memref<125x16xf32, #tpu.memory_space<vmem>>) offsets(%dma_start3A_142 : memref<125xi32, #tpu.memory_space<vmem>>) semaphore(%arg11 : memref<!tpu.dma_semaphore, #tpu.memory_space<semaphore_mem>>)
    %dma_start3A_146 = arith.constant 12 : i32
    %dma_start3A_147 = arith.constant 12 : i32
    %dma_start3A_148 = arith.constant 0 : i32
    %dma_start3A_149 = arith.constant 0 : i32
    %dma_start3A_150 = tpu.memref_slice %arg9[%dma_start3A_147, %dma_start3A_148, %dma_start3A_149] : memref<16x125x16xf32, #tpu.memory_space<vmem>> -> memref<1x125x16xf32, #tpu.memory_space<vmem>>
    %dma_start3A_151 = tpu.memref_squeeze %dma_start3A_150 : memref<1x125x16xf32, #tpu.memory_space<vmem>> -> memref<125x16xf32, #tpu.memory_space<vmem>>
    %dma_start3A_152 = arith.constant 0 : i32
    %dma_start3A_153 = tpu.memref_slice %arg7[%dma_start3A_146, %dma_start3A_152] : memref<80x125xi32, #tpu.memory_space<vmem>> -> memref<1x125xi32, #tpu.memory_space<vmem>>
    %dma_start3A_154 = tpu.memref_squeeze %dma_start3A_153 : memref<1x125xi32, #tpu.memory_space<vmem>> -> memref<125xi32, #tpu.memory_space<vmem>>
    %dma_start3A_155 = arith.constant 0 : i32
    %dma_start3A_156 = arith.constant 0 : i32
    %dma_start3A_157 = tpu.memref_slice %arg4[%dma_start3A_155, %dma_start3A_156] : memref<10000x16xf32, #tpu.memory_space<hbm>> -> memref<10000x16xf32, #tpu.memory_space<hbm>>
    tpu.enqueue_indirect_dma source(%dma_start3A_157 : memref<10000x16xf32, #tpu.memory_space<hbm>>) target(%dma_start3A_151 : memref<125x16xf32, #tpu.memory_space<vmem>>) offsets(%dma_start3A_154 : memref<125xi32, #tpu.memory_space<vmem>>) semaphore(%arg11 : memref<!tpu.dma_semaphore, #tpu.memory_space<semaphore_mem>>)
    %dma_start3A_158 = arith.constant 13 : i32
    %dma_start3A_159 = arith.constant 13 : i32
    %dma_start3A_160 = arith.constant 0 : i32
    %dma_start3A_161 = arith.constant 0 : i32
    %dma_start3A_162 = tpu.memref_slice %arg9[%dma_start3A_159, %dma_start3A_160, %dma_start3A_161] : memref<16x125x16xf32, #tpu.memory_space<vmem>> -> memref<1x125x16xf32, #tpu.memory_space<vmem>>
    %dma_start3A_163 = tpu.memref_squeeze %dma_start3A_162 : memref<1x125x16xf32, #tpu.memory_space<vmem>> -> memref<125x16xf32, #tpu.memory_space<vmem>>
    %dma_start3A_164 = arith.constant 0 : i32
    %dma_start3A_165 = tpu.memref_slice %arg7[%dma_start3A_158, %dma_start3A_164] : memref<80x125xi32, #tpu.memory_space<vmem>> -> memref<1x125xi32, #tpu.memory_space<vmem>>
    %dma_start3A_166 = tpu.memref_squeeze %dma_start3A_165 : memref<1x125xi32, #tpu.memory_space<vmem>> -> memref<125xi32, #tpu.memory_space<vmem>>
    %dma_start3A_167 = arith.constant 0 : i32
    %dma_start3A_168 = arith.constant 0 : i32
    %dma_start3A_169 = tpu.memref_slice %arg4[%dma_start3A_167, %dma_start3A_168] : memref<10000x16xf32, #tpu.memory_space<hbm>> -> memref<10000x16xf32, #tpu.memory_space<hbm>>
    tpu.enqueue_indirect_dma source(%dma_start3A_169 : memref<10000x16xf32, #tpu.memory_space<hbm>>) target(%dma_start3A_163 : memref<125x16xf32, #tpu.memory_space<vmem>>) offsets(%dma_start3A_166 : memref<125xi32, #tpu.memory_space<vmem>>) semaphore(%arg11 : memref<!tpu.dma_semaphore, #tpu.memory_space<semaphore_mem>>)
    %dma_start3A_170 = arith.constant 14 : i32
    %dma_start3A_171 = arith.constant 14 : i32
    %dma_start3A_172 = arith.constant 0 : i32
    %dma_start3A_173 = arith.constant 0 : i32
    %dma_start3A_174 = tpu.memref_slice %arg9[%dma_start3A_171, %dma_start3A_172, %dma_start3A_173] : memref<16x125x16xf32, #tpu.memory_space<vmem>> -> memref<1x125x16xf32, #tpu.memory_space<vmem>>
    %dma_start3A_175 = tpu.memref_squeeze %dma_start3A_174 : memref<1x125x16xf32, #tpu.memory_space<vmem>> -> memref<125x16xf32, #tpu.memory_space<vmem>>
    %dma_start3A_176 = arith.constant 0 : i32
    %dma_start3A_177 = tpu.memref_slice %arg7[%dma_start3A_170, %dma_start3A_176] : memref<80x125xi32, #tpu.memory_space<vmem>> -> memref<1x125xi32, #tpu.memory_space<vmem>>
    %dma_start3A_178 = tpu.memref_squeeze %dma_start3A_177 : memref<1x125xi32, #tpu.memory_space<vmem>> -> memref<125xi32, #tpu.memory_space<vmem>>
    %dma_start3A_179 = arith.constant 0 : i32
    %dma_start3A_180 = arith.constant 0 : i32
    %dma_start3A_181 = tpu.memref_slice %arg4[%dma_start3A_179, %dma_start3A_180] : memref<10000x16xf32, #tpu.memory_space<hbm>> -> memref<10000x16xf32, #tpu.memory_space<hbm>>
    tpu.enqueue_indirect_dma source(%dma_start3A_181 : memref<10000x16xf32, #tpu.memory_space<hbm>>) target(%dma_start3A_175 : memref<125x16xf32, #tpu.memory_space<vmem>>) offsets(%dma_start3A_178 : memref<125xi32, #tpu.memory_space<vmem>>) semaphore(%arg11 : memref<!tpu.dma_semaphore, #tpu.memory_space<semaphore_mem>>)
    %scan3A = arith.constant 0 : i32
    %scan3A_182 = arith.constant 80 : i32
    %scan3A_183 = arith.addi %scan3A, %scan3A_182 : i32
    %scan3A_184 = arith.constant 4 : i32
    scf.for %scan3A_199 = %scan3A to %scan3A_183 step %scan3A_184  : i32 {
      %rem3A_200 = arith.constant 16 : i32
      %rem3A_201 = arith.remsi %scan3A_199, %rem3A_200 : i32
      %add3A_202 = arith.constant 16 : i32
      %add3A_203 = arith.addi %scan3A_199, %add3A_202 : i32
      %sub3A = arith.constant 1 : i32
      %sub3A_204 = arith.subi %add3A_203, %sub3A : i32
      %rem3A_205 = arith.constant 16 : i32
      %rem3A_206 = arith.remsi %sub3A_204, %rem3A_205 : i32
      %ge3A = arith.constant 1 : i32
      %ge3A_207 = arith.cmpi sge, %scan3A_199, %ge3A : i32
      %convert_element_type3A = arith.extui %ge3A_207 : i1 to i32
      %cond3A = arith.constant 0 : i32
      %cond3A_208 = arith.cmpi ne, %convert_element_type3A, %cond3A : i32
      scf.if %cond3A_208 {
        %sub3A_369 = arith.constant 1 : i32
        %sub3A_370 = arith.subi %scan3A_199, %sub3A_369 : i32
        %dma_wait3A_371 = arith.constant 0 : i32
        %dma_wait3A_372 = arith.constant 0 : i32
        %dma_wait3A_373 = tpu.memref_slice %arg9[%rem3A_206, %dma_wait3A_371, %dma_wait3A_372] : memref<16x125x16xf32, #tpu.memory_space<vmem>> -> memref<1x125x16xf32, #tpu.memory_space<vmem>>
        %dma_wait3A_374 = tpu.memref_squeeze %dma_wait3A_373 : memref<1x125x16xf32, #tpu.memory_space<vmem>> -> memref<125x16xf32, #tpu.memory_space<vmem>>
        %dma_wait3A_375 = arith.constant 0 : i32
        %dma_wait3A_376 = tpu.memref_slice %arg8[%sub3A_370, %dma_wait3A_375] : memref<80x125xi32, #tpu.memory_space<vmem>> -> memref<1x125xi32, #tpu.memory_space<vmem>>
        %dma_wait3A_377 = tpu.memref_squeeze %dma_wait3A_376 : memref<1x125xi32, #tpu.memory_space<vmem>> -> memref<125xi32, #tpu.memory_space<vmem>>
        %dma_wait3A_378 = arith.constant 0 : i32
        %dma_wait3A_379 = arith.constant 0 : i32
        %dma_wait3A_380 = tpu.memref_slice %arg10[%dma_wait3A_378, %dma_wait3A_379] : memref<10240x16xf32, #tpu.memory_space<vmem_shared>> -> memref<10240x16xf32, #tpu.memory_space<vmem_shared>>
        tpu.wait_indirect_dma semaphore(%arg12 : memref<!tpu.dma_semaphore, #tpu.memory_space<semaphore_mem>>) src(%dma_wait3A_374 : memref<125x16xf32, #tpu.memory_space<vmem>>) dst(%dma_wait3A_380 : memref<10240x16xf32, #tpu.memory_space<vmem_shared>>)
      } else {
      }
      %add3A_209 = arith.constant 16 : i32
      %add3A_210 = arith.addi %scan3A_199, %add3A_209 : i32
      %sub3A_211 = arith.constant 1 : i32
      %sub3A_212 = arith.subi %add3A_210, %sub3A_211 : i32
      %lt3A = arith.constant 80 : i32
      %lt3A_213 = arith.cmpi slt, %sub3A_212, %lt3A : i32
      %convert_element_type3A_214 = arith.extui %lt3A_213 : i1 to i32
      %cond3A_215 = arith.constant 0 : i32
      %cond3A_216 = arith.cmpi ne, %convert_element_type3A_214, %cond3A_215 : i32
      scf.if %cond3A_216 {
        %add3A_369 = arith.constant 16 : i32
        %add3A_370 = arith.addi %scan3A_199, %add3A_369 : i32
        %sub3A_371 = arith.constant 1 : i32
        %sub3A_372 = arith.subi %add3A_370, %sub3A_371 : i32
        %dma_start3A_373 = arith.constant 0 : i32
        %dma_start3A_374 = arith.constant 0 : i32
        %dma_start3A_375 = tpu.memref_slice %arg9[%rem3A_206, %dma_start3A_373, %dma_start3A_374] : memref<16x125x16xf32, #tpu.memory_space<vmem>> -> memref<1x125x16xf32, #tpu.memory_space<vmem>>
        %dma_start3A_376 = tpu.memref_squeeze %dma_start3A_375 : memref<1x125x16xf32, #tpu.memory_space<vmem>> -> memref<125x16xf32, #tpu.memory_space<vmem>>
        %dma_start3A_377 = arith.constant 0 : i32
        %dma_start3A_378 = tpu.memref_slice %arg7[%sub3A_372, %dma_start3A_377] : memref<80x125xi32, #tpu.memory_space<vmem>> -> memref<1x125xi32, #tpu.memory_space<vmem>>
        %dma_start3A_379 = tpu.memref_squeeze %dma_start3A_378 : memref<1x125xi32, #tpu.memory_space<vmem>> -> memref<125xi32, #tpu.memory_space<vmem>>
        %dma_start3A_380 = arith.constant 0 : i32
        %dma_start3A_381 = arith.constant 0 : i32
        %dma_start3A_382 = tpu.memref_slice %arg4[%dma_start3A_380, %dma_start3A_381] : memref<10000x16xf32, #tpu.memory_space<hbm>> -> memref<10000x16xf32, #tpu.memory_space<hbm>>
        tpu.enqueue_indirect_dma source(%dma_start3A_382 : memref<10000x16xf32, #tpu.memory_space<hbm>>) target(%dma_start3A_376 : memref<125x16xf32, #tpu.memory_space<vmem>>) offsets(%dma_start3A_379 : memref<125xi32, #tpu.memory_space<vmem>>) semaphore(%arg11 : memref<!tpu.dma_semaphore, #tpu.memory_space<semaphore_mem>>)
      } else {
      }
      %dma_wait3A_217 = arith.constant 0 : i32
      %dma_wait3A_218 = arith.constant 0 : i32
      %dma_wait3A_219 = tpu.memref_slice %arg9[%rem3A_201, %dma_wait3A_217, %dma_wait3A_218] : memref<16x125x16xf32, #tpu.memory_space<vmem>> -> memref<1x125x16xf32, #tpu.memory_space<vmem>>
      %dma_wait3A_220 = tpu.memref_squeeze %dma_wait3A_219 : memref<1x125x16xf32, #tpu.memory_space<vmem>> -> memref<125x16xf32, #tpu.memory_space<vmem>>
      %dma_wait3A_221 = arith.constant 0 : i32
      %dma_wait3A_222 = tpu.memref_slice %arg7[%scan3A_199, %dma_wait3A_221] : memref<80x125xi32, #tpu.memory_space<vmem>> -> memref<1x125xi32, #tpu.memory_space<vmem>>
      %dma_wait3A_223 = tpu.memref_squeeze %dma_wait3A_222 : memref<1x125xi32, #tpu.memory_space<vmem>> -> memref<125xi32, #tpu.memory_space<vmem>>
      %dma_wait3A_224 = arith.constant 0 : i32
      %dma_wait3A_225 = arith.constant 0 : i32
      %dma_wait3A_226 = tpu.memref_slice %arg4[%dma_wait3A_224, %dma_wait3A_225] : memref<10000x16xf32, #tpu.memory_space<hbm>> -> memref<10000x16xf32, #tpu.memory_space<hbm>>
      tpu.wait_indirect_dma semaphore(%arg11 : memref<!tpu.dma_semaphore, #tpu.memory_space<semaphore_mem>>) src(%dma_wait3A_226 : memref<10000x16xf32, #tpu.memory_space<hbm>>) dst(%dma_wait3A_220 : memref<125x16xf32, #tpu.memory_space<vmem>>)
      %dma_start3A_227 = arith.constant 0 : i32
      %dma_start3A_228 = arith.constant 0 : i32
      %dma_start3A_229 = tpu.memref_slice %arg9[%rem3A_201, %dma_start3A_227, %dma_start3A_228] : memref<16x125x16xf32, #tpu.memory_space<vmem>> -> memref<1x125x16xf32, #tpu.memory_space<vmem>>
      %dma_start3A_230 = tpu.memref_squeeze %dma_start3A_229 : memref<1x125x16xf32, #tpu.memory_space<vmem>> -> memref<125x16xf32, #tpu.memory_space<vmem>>
      %dma_start3A_231 = arith.constant 0 : i32
      %dma_start3A_232 = tpu.memref_slice %arg8[%scan3A_199, %dma_start3A_231] : memref<80x125xi32, #tpu.memory_space<vmem>> -> memref<1x125xi32, #tpu.memory_space<vmem>>
      %dma_start3A_233 = tpu.memref_squeeze %dma_start3A_232 : memref<1x125xi32, #tpu.memory_space<vmem>> -> memref<125xi32, #tpu.memory_space<vmem>>
      %dma_start3A_234 = arith.constant 0 : i32
      %dma_start3A_235 = arith.constant 0 : i32
      %dma_start3A_236 = tpu.memref_slice %arg10[%dma_start3A_234, %dma_start3A_235] : memref<10240x16xf32, #tpu.memory_space<vmem_shared>> -> memref<10240x16xf32, #tpu.memory_space<vmem_shared>>
      tpu.enqueue_indirect_dma source(%dma_start3A_230 : memref<125x16xf32, #tpu.memory_space<vmem>>) target(%dma_start3A_236 : memref<10240x16xf32, #tpu.memory_space<vmem_shared>>) offsets(%dma_start3A_233 : memref<125xi32, #tpu.memory_space<vmem>>) semaphore(%arg12 : memref<!tpu.dma_semaphore, #tpu.memory_space<semaphore_mem>>) {add = true}
      %scan3A_237 = arith.constant 1 : i32
      %scan3A_238 = arith.addi %scan3A_199, %scan3A_237 : i32
      %rem3A_239 = arith.constant 16 : i32
      %rem3A_240 = arith.remsi %scan3A_238, %rem3A_239 : i32
      %add3A_241 = arith.constant 16 : i32
      %add3A_242 = arith.addi %scan3A_238, %add3A_241 : i32
      %sub3A_243 = arith.constant 1 : i32
      %sub3A_244 = arith.subi %add3A_242, %sub3A_243 : i32
      %rem3A_245 = arith.constant 16 : i32
      %rem3A_246 = arith.remsi %sub3A_244, %rem3A_245 : i32
      %ge3A_247 = arith.constant 1 : i32
      %ge3A_248 = arith.cmpi sge, %scan3A_238, %ge3A_247 : i32
      %convert_element_type3A_249 = arith.extui %ge3A_248 : i1 to i32
      %cond3A_250 = arith.constant 0 : i32
      %cond3A_251 = arith.cmpi ne, %convert_element_type3A_249, %cond3A_250 : i32
      scf.if %cond3A_251 {
        %sub3A_369 = arith.constant 1 : i32
        %sub3A_370 = arith.subi %scan3A_238, %sub3A_369 : i32
        %dma_wait3A_371 = arith.constant 0 : i32
        %dma_wait3A_372 = arith.constant 0 : i32
        %dma_wait3A_373 = tpu.memref_slice %arg9[%rem3A_246, %dma_wait3A_371, %dma_wait3A_372] : memref<16x125x16xf32, #tpu.memory_space<vmem>> -> memref<1x125x16xf32, #tpu.memory_space<vmem>>
        %dma_wait3A_374 = tpu.memref_squeeze %dma_wait3A_373 : memref<1x125x16xf32, #tpu.memory_space<vmem>> -> memref<125x16xf32, #tpu.memory_space<vmem>>
        %dma_wait3A_375 = arith.constant 0 : i32
        %dma_wait3A_376 = tpu.memref_slice %arg8[%sub3A_370, %dma_wait3A_375] : memref<80x125xi32, #tpu.memory_space<vmem>> -> memref<1x125xi32, #tpu.memory_space<vmem>>
        %dma_wait3A_377 = tpu.memref_squeeze %dma_wait3A_376 : memref<1x125xi32, #tpu.memory_space<vmem>> -> memref<125xi32, #tpu.memory_space<vmem>>
        %dma_wait3A_378 = arith.constant 0 : i32
        %dma_wait3A_379 = arith.constant 0 : i32
        %dma_wait3A_380 = tpu.memref_slice %arg10[%dma_wait3A_378, %dma_wait3A_379] : memref<10240x16xf32, #tpu.memory_space<vmem_shared>> -> memref<10240x16xf32, #tpu.memory_space<vmem_shared>>
        tpu.wait_indirect_dma semaphore(%arg12 : memref<!tpu.dma_semaphore, #tpu.memory_space<semaphore_mem>>) src(%dma_wait3A_374 : memref<125x16xf32, #tpu.memory_space<vmem>>) dst(%dma_wait3A_380 : memref<10240x16xf32, #tpu.memory_space<vmem_shared>>)
      } else {
      }
      %add3A_252 = arith.constant 16 : i32
      %add3A_253 = arith.addi %scan3A_238, %add3A_252 : i32
      %sub3A_254 = arith.constant 1 : i32
      %sub3A_255 = arith.subi %add3A_253, %sub3A_254 : i32
      %lt3A_256 = arith.constant 80 : i32
      %lt3A_257 = arith.cmpi slt, %sub3A_255, %lt3A_256 : i32
      %convert_element_type3A_258 = arith.extui %lt3A_257 : i1 to i32
      %cond3A_259 = arith.constant 0 : i32
      %cond3A_260 = arith.cmpi ne, %convert_element_type3A_258, %cond3A_259 : i32
      scf.if %cond3A_260 {
        %add3A_369 = arith.constant 16 : i32
        %add3A_370 = arith.addi %scan3A_238, %add3A_369 : i32
        %sub3A_371 = arith.constant 1 : i32
        %sub3A_372 = arith.subi %add3A_370, %sub3A_371 : i32
        %dma_start3A_373 = arith.constant 0 : i32
        %dma_start3A_374 = arith.constant 0 : i32
        %dma_start3A_375 = tpu.memref_slice %arg9[%rem3A_246, %dma_start3A_373, %dma_start3A_374] : memref<16x125x16xf32, #tpu.memory_space<vmem>> -> memref<1x125x16xf32, #tpu.memory_space<vmem>>
        %dma_start3A_376 = tpu.memref_squeeze %dma_start3A_375 : memref<1x125x16xf32, #tpu.memory_space<vmem>> -> memref<125x16xf32, #tpu.memory_space<vmem>>
        %dma_start3A_377 = arith.constant 0 : i32
        %dma_start3A_378 = tpu.memref_slice %arg7[%sub3A_372, %dma_start3A_377] : memref<80x125xi32, #tpu.memory_space<vmem>> -> memref<1x125xi32, #tpu.memory_space<vmem>>
        %dma_start3A_379 = tpu.memref_squeeze %dma_start3A_378 : memref<1x125xi32, #tpu.memory_space<vmem>> -> memref<125xi32, #tpu.memory_space<vmem>>
        %dma_start3A_380 = arith.constant 0 : i32
        %dma_start3A_381 = arith.constant 0 : i32
        %dma_start3A_382 = tpu.memref_slice %arg4[%dma_start3A_380, %dma_start3A_381] : memref<10000x16xf32, #tpu.memory_space<hbm>> -> memref<10000x16xf32, #tpu.memory_space<hbm>>
        tpu.enqueue_indirect_dma source(%dma_start3A_382 : memref<10000x16xf32, #tpu.memory_space<hbm>>) target(%dma_start3A_376 : memref<125x16xf32, #tpu.memory_space<vmem>>) offsets(%dma_start3A_379 : memref<125xi32, #tpu.memory_space<vmem>>) semaphore(%arg11 : memref<!tpu.dma_semaphore, #tpu.memory_space<semaphore_mem>>)
      } else {
      }
      %dma_wait3A_261 = arith.constant 0 : i32
      %dma_wait3A_262 = arith.constant 0 : i32
      %dma_wait3A_263 = tpu.memref_slice %arg9[%rem3A_240, %dma_wait3A_261, %dma_wait3A_262] : memref<16x125x16xf32, #tpu.memory_space<vmem>> -> memref<1x125x16xf32, #tpu.memory_space<vmem>>
      %dma_wait3A_264 = tpu.memref_squeeze %dma_wait3A_263 : memref<1x125x16xf32, #tpu.memory_space<vmem>> -> memref<125x16xf32, #tpu.memory_space<vmem>>
      %dma_wait3A_265 = arith.constant 0 : i32
      %dma_wait3A_266 = tpu.memref_slice %arg7[%scan3A_238, %dma_wait3A_265] : memref<80x125xi32, #tpu.memory_space<vmem>> -> memref<1x125xi32, #tpu.memory_space<vmem>>
      %dma_wait3A_267 = tpu.memref_squeeze %dma_wait3A_266 : memref<1x125xi32, #tpu.memory_space<vmem>> -> memref<125xi32, #tpu.memory_space<vmem>>
      %dma_wait3A_268 = arith.constant 0 : i32
      %dma_wait3A_269 = arith.constant 0 : i32
      %dma_wait3A_270 = tpu.memref_slice %arg4[%dma_wait3A_268, %dma_wait3A_269] : memref<10000x16xf32, #tpu.memory_space<hbm>> -> memref<10000x16xf32, #tpu.memory_space<hbm>>
      tpu.wait_indirect_dma semaphore(%arg11 : memref<!tpu.dma_semaphore, #tpu.memory_space<semaphore_mem>>) src(%dma_wait3A_270 : memref<10000x16xf32, #tpu.memory_space<hbm>>) dst(%dma_wait3A_264 : memref<125x16xf32, #tpu.memory_space<vmem>>)
      %dma_start3A_271 = arith.constant 0 : i32
      %dma_start3A_272 = arith.constant 0 : i32
      %dma_start3A_273 = tpu.memref_slice %arg9[%rem3A_240, %dma_start3A_271, %dma_start3A_272] : memref<16x125x16xf32, #tpu.memory_space<vmem>> -> memref<1x125x16xf32, #tpu.memory_space<vmem>>
      %dma_start3A_274 = tpu.memref_squeeze %dma_start3A_273 : memref<1x125x16xf32, #tpu.memory_space<vmem>> -> memref<125x16xf32, #tpu.memory_space<vmem>>
      %dma_start3A_275 = arith.constant 0 : i32
      %dma_start3A_276 = tpu.memref_slice %arg8[%scan3A_238, %dma_start3A_275] : memref<80x125xi32, #tpu.memory_space<vmem>> -> memref<1x125xi32, #tpu.memory_space<vmem>>
      %dma_start3A_277 = tpu.memref_squeeze %dma_start3A_276 : memref<1x125xi32, #tpu.memory_space<vmem>> -> memref<125xi32, #tpu.memory_space<vmem>>
      %dma_start3A_278 = arith.constant 0 : i32
      %dma_start3A_279 = arith.constant 0 : i32
      %dma_start3A_280 = tpu.memref_slice %arg10[%dma_start3A_278, %dma_start3A_279] : memref<10240x16xf32, #tpu.memory_space<vmem_shared>> -> memref<10240x16xf32, #tpu.memory_space<vmem_shared>>
      tpu.enqueue_indirect_dma source(%dma_start3A_274 : memref<125x16xf32, #tpu.memory_space<vmem>>) target(%dma_start3A_280 : memref<10240x16xf32, #tpu.memory_space<vmem_shared>>) offsets(%dma_start3A_277 : memref<125xi32, #tpu.memory_space<vmem>>) semaphore(%arg12 : memref<!tpu.dma_semaphore, #tpu.memory_space<semaphore_mem>>) {add = true}
      %scan3A_281 = arith.constant 2 : i32
      %scan3A_282 = arith.addi %scan3A_199, %scan3A_281 : i32
      %rem3A_283 = arith.constant 16 : i32
      %rem3A_284 = arith.remsi %scan3A_282, %rem3A_283 : i32
      %add3A_285 = arith.constant 16 : i32
      %add3A_286 = arith.addi %scan3A_282, %add3A_285 : i32
      %sub3A_287 = arith.constant 1 : i32
      %sub3A_288 = arith.subi %add3A_286, %sub3A_287 : i32
      %rem3A_289 = arith.constant 16 : i32
      %rem3A_290 = arith.remsi %sub3A_288, %rem3A_289 : i32
      %ge3A_291 = arith.constant 1 : i32
      %ge3A_292 = arith.cmpi sge, %scan3A_282, %ge3A_291 : i32
      %convert_element_type3A_293 = arith.extui %ge3A_292 : i1 to i32
      %cond3A_294 = arith.constant 0 : i32
      %cond3A_295 = arith.cmpi ne, %convert_element_type3A_293, %cond3A_294 : i32
      scf.if %cond3A_295 {
        %sub3A_369 = arith.constant 1 : i32
        %sub3A_370 = arith.subi %scan3A_282, %sub3A_369 : i32
        %dma_wait3A_371 = arith.constant 0 : i32
        %dma_wait3A_372 = arith.constant 0 : i32
        %dma_wait3A_373 = tpu.memref_slice %arg9[%rem3A_290, %dma_wait3A_371, %dma_wait3A_372] : memref<16x125x16xf32, #tpu.memory_space<vmem>> -> memref<1x125x16xf32, #tpu.memory_space<vmem>>
        %dma_wait3A_374 = tpu.memref_squeeze %dma_wait3A_373 : memref<1x125x16xf32, #tpu.memory_space<vmem>> -> memref<125x16xf32, #tpu.memory_space<vmem>>
        %dma_wait3A_375 = arith.constant 0 : i32
        %dma_wait3A_376 = tpu.memref_slice %arg8[%sub3A_370, %dma_wait3A_375] : memref<80x125xi32, #tpu.memory_space<vmem>> -> memref<1x125xi32, #tpu.memory_space<vmem>>
        %dma_wait3A_377 = tpu.memref_squeeze %dma_wait3A_376 : memref<1x125xi32, #tpu.memory_space<vmem>> -> memref<125xi32, #tpu.memory_space<vmem>>
        %dma_wait3A_378 = arith.constant 0 : i32
        %dma_wait3A_379 = arith.constant 0 : i32
        %dma_wait3A_380 = tpu.memref_slice %arg10[%dma_wait3A_378, %dma_wait3A_379] : memref<10240x16xf32, #tpu.memory_space<vmem_shared>> -> memref<10240x16xf32, #tpu.memory_space<vmem_shared>>
        tpu.wait_indirect_dma semaphore(%arg12 : memref<!tpu.dma_semaphore, #tpu.memory_space<semaphore_mem>>) src(%dma_wait3A_374 : memref<125x16xf32, #tpu.memory_space<vmem>>) dst(%dma_wait3A_380 : memref<10240x16xf32, #tpu.memory_space<vmem_shared>>)
      } else {
      }
      %add3A_296 = arith.constant 16 : i32
      %add3A_297 = arith.addi %scan3A_282, %add3A_296 : i32
      %sub3A_298 = arith.constant 1 : i32
      %sub3A_299 = arith.subi %add3A_297, %sub3A_298 : i32
      %lt3A_300 = arith.constant 80 : i32
      %lt3A_301 = arith.cmpi slt, %sub3A_299, %lt3A_300 : i32
      %convert_element_type3A_302 = arith.extui %lt3A_301 : i1 to i32
      %cond3A_303 = arith.constant 0 : i32
      %cond3A_304 = arith.cmpi ne, %convert_element_type3A_302, %cond3A_303 : i32
      scf.if %cond3A_304 {
        %add3A_369 = arith.constant 16 : i32
        %add3A_370 = arith.addi %scan3A_282, %add3A_369 : i32
        %sub3A_371 = arith.constant 1 : i32
        %sub3A_372 = arith.subi %add3A_370, %sub3A_371 : i32
        %dma_start3A_373 = arith.constant 0 : i32
        %dma_start3A_374 = arith.constant 0 : i32
        %dma_start3A_375 = tpu.memref_slice %arg9[%rem3A_290, %dma_start3A_373, %dma_start3A_374] : memref<16x125x16xf32, #tpu.memory_space<vmem>> -> memref<1x125x16xf32, #tpu.memory_space<vmem>>
        %dma_start3A_376 = tpu.memref_squeeze %dma_start3A_375 : memref<1x125x16xf32, #tpu.memory_space<vmem>> -> memref<125x16xf32, #tpu.memory_space<vmem>>
        %dma_start3A_377 = arith.constant 0 : i32
        %dma_start3A_378 = tpu.memref_slice %arg7[%sub3A_372, %dma_start3A_377] : memref<80x125xi32, #tpu.memory_space<vmem>> -> memref<1x125xi32, #tpu.memory_space<vmem>>
        %dma_start3A_379 = tpu.memref_squeeze %dma_start3A_378 : memref<1x125xi32, #tpu.memory_space<vmem>> -> memref<125xi32, #tpu.memory_space<vmem>>
        %dma_start3A_380 = arith.constant 0 : i32
        %dma_start3A_381 = arith.constant 0 : i32
        %dma_start3A_382 = tpu.memref_slice %arg4[%dma_start3A_380, %dma_start3A_381] : memref<10000x16xf32, #tpu.memory_space<hbm>> -> memref<10000x16xf32, #tpu.memory_space<hbm>>
        tpu.enqueue_indirect_dma source(%dma_start3A_382 : memref<10000x16xf32, #tpu.memory_space<hbm>>) target(%dma_start3A_376 : memref<125x16xf32, #tpu.memory_space<vmem>>) offsets(%dma_start3A_379 : memref<125xi32, #tpu.memory_space<vmem>>) semaphore(%arg11 : memref<!tpu.dma_semaphore, #tpu.memory_space<semaphore_mem>>)
      } else {
      }
      %dma_wait3A_305 = arith.constant 0 : i32
      %dma_wait3A_306 = arith.constant 0 : i32
      %dma_wait3A_307 = tpu.memref_slice %arg9[%rem3A_284, %dma_wait3A_305, %dma_wait3A_306] : memref<16x125x16xf32, #tpu.memory_space<vmem>> -> memref<1x125x16xf32, #tpu.memory_space<vmem>>
      %dma_wait3A_308 = tpu.memref_squeeze %dma_wait3A_307 : memref<1x125x16xf32, #tpu.memory_space<vmem>> -> memref<125x16xf32, #tpu.memory_space<vmem>>
      %dma_wait3A_309 = arith.constant 0 : i32
      %dma_wait3A_310 = tpu.memref_slice %arg7[%scan3A_282, %dma_wait3A_309] : memref<80x125xi32, #tpu.memory_space<vmem>> -> memref<1x125xi32, #tpu.memory_space<vmem>>
      %dma_wait3A_311 = tpu.memref_squeeze %dma_wait3A_310 : memref<1x125xi32, #tpu.memory_space<vmem>> -> memref<125xi32, #tpu.memory_space<vmem>>
      %dma_wait3A_312 = arith.constant 0 : i32
      %dma_wait3A_313 = arith.constant 0 : i32
      %dma_wait3A_314 = tpu.memref_slice %arg4[%dma_wait3A_312, %dma_wait3A_313] : memref<10000x16xf32, #tpu.memory_space<hbm>> -> memref<10000x16xf32, #tpu.memory_space<hbm>>
      tpu.wait_indirect_dma semaphore(%arg11 : memref<!tpu.dma_semaphore, #tpu.memory_space<semaphore_mem>>) src(%dma_wait3A_314 : memref<10000x16xf32, #tpu.memory_space<hbm>>) dst(%dma_wait3A_308 : memref<125x16xf32, #tpu.memory_space<vmem>>)
      %dma_start3A_315 = arith.constant 0 : i32
      %dma_start3A_316 = arith.constant 0 : i32
      %dma_start3A_317 = tpu.memref_slice %arg9[%rem3A_284, %dma_start3A_315, %dma_start3A_316] : memref<16x125x16xf32, #tpu.memory_space<vmem>> -> memref<1x125x16xf32, #tpu.memory_space<vmem>>
      %dma_start3A_318 = tpu.memref_squeeze %dma_start3A_317 : memref<1x125x16xf32, #tpu.memory_space<vmem>> -> memref<125x16xf32, #tpu.memory_space<vmem>>
      %dma_start3A_319 = arith.constant 0 : i32
      %dma_start3A_320 = tpu.memref_slice %arg8[%scan3A_282, %dma_start3A_319] : memref<80x125xi32, #tpu.memory_space<vmem>> -> memref<1x125xi32, #tpu.memory_space<vmem>>
      %dma_start3A_321 = tpu.memref_squeeze %dma_start3A_320 : memref<1x125xi32, #tpu.memory_space<vmem>> -> memref<125xi32, #tpu.memory_space<vmem>>
      %dma_start3A_322 = arith.constant 0 : i32
      %dma_start3A_323 = arith.constant 0 : i32
      %dma_start3A_324 = tpu.memref_slice %arg10[%dma_start3A_322, %dma_start3A_323] : memref<10240x16xf32, #tpu.memory_space<vmem_shared>> -> memref<10240x16xf32, #tpu.memory_space<vmem_shared>>
      tpu.enqueue_indirect_dma source(%dma_start3A_318 : memref<125x16xf32, #tpu.memory_space<vmem>>) target(%dma_start3A_324 : memref<10240x16xf32, #tpu.memory_space<vmem_shared>>) offsets(%dma_start3A_321 : memref<125xi32, #tpu.memory_space<vmem>>) semaphore(%arg12 : memref<!tpu.dma_semaphore, #tpu.memory_space<semaphore_mem>>) {add = true}
      %scan3A_325 = arith.constant 3 : i32
      %scan3A_326 = arith.addi %scan3A_199, %scan3A_325 : i32
      %rem3A_327 = arith.constant 16 : i32
      %rem3A_328 = arith.remsi %scan3A_326, %rem3A_327 : i32
      %add3A_329 = arith.constant 16 : i32
      %add3A_330 = arith.addi %scan3A_326, %add3A_329 : i32
      %sub3A_331 = arith.constant 1 : i32
      %sub3A_332 = arith.subi %add3A_330, %sub3A_331 : i32
      %rem3A_333 = arith.constant 16 : i32
      %rem3A_334 = arith.remsi %sub3A_332, %rem3A_333 : i32
      %ge3A_335 = arith.constant 1 : i32
      %ge3A_336 = arith.cmpi sge, %scan3A_326, %ge3A_335 : i32
      %convert_element_type3A_337 = arith.extui %ge3A_336 : i1 to i32
      %cond3A_338 = arith.constant 0 : i32
      %cond3A_339 = arith.cmpi ne, %convert_element_type3A_337, %cond3A_338 : i32
      scf.if %cond3A_339 {
        %sub3A_369 = arith.constant 1 : i32
        %sub3A_370 = arith.subi %scan3A_326, %sub3A_369 : i32
        %dma_wait3A_371 = arith.constant 0 : i32
        %dma_wait3A_372 = arith.constant 0 : i32
        %dma_wait3A_373 = tpu.memref_slice %arg9[%rem3A_334, %dma_wait3A_371, %dma_wait3A_372] : memref<16x125x16xf32, #tpu.memory_space<vmem>> -> memref<1x125x16xf32, #tpu.memory_space<vmem>>
        %dma_wait3A_374 = tpu.memref_squeeze %dma_wait3A_373 : memref<1x125x16xf32, #tpu.memory_space<vmem>> -> memref<125x16xf32, #tpu.memory_space<vmem>>
        %dma_wait3A_375 = arith.constant 0 : i32
        %dma_wait3A_376 = tpu.memref_slice %arg8[%sub3A_370, %dma_wait3A_375] : memref<80x125xi32, #tpu.memory_space<vmem>> -> memref<1x125xi32, #tpu.memory_space<vmem>>
        %dma_wait3A_377 = tpu.memref_squeeze %dma_wait3A_376 : memref<1x125xi32, #tpu.memory_space<vmem>> -> memref<125xi32, #tpu.memory_space<vmem>>
        %dma_wait3A_378 = arith.constant 0 : i32
        %dma_wait3A_379 = arith.constant 0 : i32
        %dma_wait3A_380 = tpu.memref_slice %arg10[%dma_wait3A_378, %dma_wait3A_379] : memref<10240x16xf32, #tpu.memory_space<vmem_shared>> -> memref<10240x16xf32, #tpu.memory_space<vmem_shared>>
        tpu.wait_indirect_dma semaphore(%arg12 : memref<!tpu.dma_semaphore, #tpu.memory_space<semaphore_mem>>) src(%dma_wait3A_374 : memref<125x16xf32, #tpu.memory_space<vmem>>) dst(%dma_wait3A_380 : memref<10240x16xf32, #tpu.memory_space<vmem_shared>>)
      } else {
      }
      %add3A_340 = arith.constant 16 : i32
      %add3A_341 = arith.addi %scan3A_326, %add3A_340 : i32
      %sub3A_342 = arith.constant 1 : i32
      %sub3A_343 = arith.subi %add3A_341, %sub3A_342 : i32
      %lt3A_344 = arith.constant 80 : i32
      %lt3A_345 = arith.cmpi slt, %sub3A_343, %lt3A_344 : i32
      %convert_element_type3A_346 = arith.extui %lt3A_345 : i1 to i32
      %cond3A_347 = arith.constant 0 : i32
      %cond3A_348 = arith.cmpi ne, %convert_element_type3A_346, %cond3A_347 : i32
      scf.if %cond3A_348 {
        %add3A_369 = arith.constant 16 : i32
        %add3A_370 = arith.addi %scan3A_326, %add3A_369 : i32
        %sub3A_371 = arith.constant 1 : i32
        %sub3A_372 = arith.subi %add3A_370, %sub3A_371 : i32
        %dma_start3A_373 = arith.constant 0 : i32
        %dma_start3A_374 = arith.constant 0 : i32
        %dma_start3A_375 = tpu.memref_slice %arg9[%rem3A_334, %dma_start3A_373, %dma_start3A_374] : memref<16x125x16xf32, #tpu.memory_space<vmem>> -> memref<1x125x16xf32, #tpu.memory_space<vmem>>
        %dma_start3A_376 = tpu.memref_squeeze %dma_start3A_375 : memref<1x125x16xf32, #tpu.memory_space<vmem>> -> memref<125x16xf32, #tpu.memory_space<vmem>>
        %dma_start3A_377 = arith.constant 0 : i32
        %dma_start3A_378 = tpu.memref_slice %arg7[%sub3A_372, %dma_start3A_377] : memref<80x125xi32, #tpu.memory_space<vmem>> -> memref<1x125xi32, #tpu.memory_space<vmem>>
        %dma_start3A_379 = tpu.memref_squeeze %dma_start3A_378 : memref<1x125xi32, #tpu.memory_space<vmem>> -> memref<125xi32, #tpu.memory_space<vmem>>
        %dma_start3A_380 = arith.constant 0 : i32
        %dma_start3A_381 = arith.constant 0 : i32
        %dma_start3A_382 = tpu.memref_slice %arg4[%dma_start3A_380, %dma_start3A_381] : memref<10000x16xf32, #tpu.memory_space<hbm>> -> memref<10000x16xf32, #tpu.memory_space<hbm>>
        tpu.enqueue_indirect_dma source(%dma_start3A_382 : memref<10000x16xf32, #tpu.memory_space<hbm>>) target(%dma_start3A_376 : memref<125x16xf32, #tpu.memory_space<vmem>>) offsets(%dma_start3A_379 : memref<125xi32, #tpu.memory_space<vmem>>) semaphore(%arg11 : memref<!tpu.dma_semaphore, #tpu.memory_space<semaphore_mem>>)
      } else {
      }
      %dma_wait3A_349 = arith.constant 0 : i32
      %dma_wait3A_350 = arith.constant 0 : i32
      %dma_wait3A_351 = tpu.memref_slice %arg9[%rem3A_328, %dma_wait3A_349, %dma_wait3A_350] : memref<16x125x16xf32, #tpu.memory_space<vmem>> -> memref<1x125x16xf32, #tpu.memory_space<vmem>>
      %dma_wait3A_352 = tpu.memref_squeeze %dma_wait3A_351 : memref<1x125x16xf32, #tpu.memory_space<vmem>> -> memref<125x16xf32, #tpu.memory_space<vmem>>
      %dma_wait3A_353 = arith.constant 0 : i32
      %dma_wait3A_354 = tpu.memref_slice %arg7[%scan3A_326, %dma_wait3A_353] : memref<80x125xi32, #tpu.memory_space<vmem>> -> memref<1x125xi32, #tpu.memory_space<vmem>>
      %dma_wait3A_355 = tpu.memref_squeeze %dma_wait3A_354 : memref<1x125xi32, #tpu.memory_space<vmem>> -> memref<125xi32, #tpu.memory_space<vmem>>
      %dma_wait3A_356 = arith.constant 0 : i32
      %dma_wait3A_357 = arith.constant 0 : i32
      %dma_wait3A_358 = tpu.memref_slice %arg4[%dma_wait3A_356, %dma_wait3A_357] : memref<10000x16xf32, #tpu.memory_space<hbm>> -> memref<10000x16xf32, #tpu.memory_space<hbm>>
      tpu.wait_indirect_dma semaphore(%arg11 : memref<!tpu.dma_semaphore, #tpu.memory_space<semaphore_mem>>) src(%dma_wait3A_358 : memref<10000x16xf32, #tpu.memory_space<hbm>>) dst(%dma_wait3A_352 : memref<125x16xf32, #tpu.memory_space<vmem>>)
      %dma_start3A_359 = arith.constant 0 : i32
      %dma_start3A_360 = arith.constant 0 : i32
      %dma_start3A_361 = tpu.memref_slice %arg9[%rem3A_328, %dma_start3A_359, %dma_start3A_360] : memref<16x125x16xf32, #tpu.memory_space<vmem>> -> memref<1x125x16xf32, #tpu.memory_space<vmem>>
      %dma_start3A_362 = tpu.memref_squeeze %dma_start3A_361 : memref<1x125x16xf32, #tpu.memory_space<vmem>> -> memref<125x16xf32, #tpu.memory_space<vmem>>
      %dma_start3A_363 = arith.constant 0 : i32
      %dma_start3A_364 = tpu.memref_slice %arg8[%scan3A_326, %dma_start3A_363] : memref<80x125xi32, #tpu.memory_space<vmem>> -> memref<1x125xi32, #tpu.memory_space<vmem>>
      %dma_start3A_365 = tpu.memref_squeeze %dma_start3A_364 : memref<1x125xi32, #tpu.memory_space<vmem>> -> memref<125xi32, #tpu.memory_space<vmem>>
      %dma_start3A_366 = arith.constant 0 : i32
      %dma_start3A_367 = arith.constant 0 : i32
      %dma_start3A_368 = tpu.memref_slice %arg10[%dma_start3A_366, %dma_start3A_367] : memref<10240x16xf32, #tpu.memory_space<vmem_shared>> -> memref<10240x16xf32, #tpu.memory_space<vmem_shared>>
      tpu.enqueue_indirect_dma source(%dma_start3A_362 : memref<125x16xf32, #tpu.memory_space<vmem>>) target(%dma_start3A_368 : memref<10240x16xf32, #tpu.memory_space<vmem_shared>>) offsets(%dma_start3A_365 : memref<125xi32, #tpu.memory_space<vmem>>) semaphore(%arg12 : memref<!tpu.dma_semaphore, #tpu.memory_space<semaphore_mem>>) {add = true}
    }
    %scan3A_185 = arith.constant 80 : i32
    %rem3A = arith.constant 79 : i32
    %rem3A_186 = arith.constant 16 : i32
    %rem3A_187 = arith.remsi %rem3A, %rem3A_186 : i32
    %dma_wait3A = arith.constant 79 : i32
    %dma_wait3A_188 = arith.constant 0 : i32
    %dma_wait3A_189 = arith.constant 0 : i32
    %dma_wait3A_190 = tpu.memref_slice %arg9[%rem3A_187, %dma_wait3A_188, %dma_wait3A_189] : memref<16x125x16xf32, #tpu.memory_space<vmem>> -> memref<1x125x16xf32, #tpu.memory_space<vmem>>
    %dma_wait3A_191 = tpu.memref_squeeze %dma_wait3A_190 : memref<1x125x16xf32, #tpu.memory_space<vmem>> -> memref<125x16xf32, #tpu.memory_space<vmem>>
    %dma_wait3A_192 = arith.constant 0 : i32
    %dma_wait3A_193 = tpu.memref_slice %arg8[%dma_wait3A, %dma_wait3A_192] : memref<80x125xi32, #tpu.memory_space<vmem>> -> memref<1x125xi32, #tpu.memory_space<vmem>>
    %dma_wait3A_194 = tpu.memref_squeeze %dma_wait3A_193 : memref<1x125xi32, #tpu.memory_space<vmem>> -> memref<125xi32, #tpu.memory_space<vmem>>
    %dma_wait3A_195 = arith.constant 0 : i32
    %dma_wait3A_196 = arith.constant 0 : i32
    %dma_wait3A_197 = tpu.memref_slice %arg10[%dma_wait3A_195, %dma_wait3A_196] : memref<10240x16xf32, #tpu.memory_space<vmem_shared>> -> memref<10240x16xf32, #tpu.memory_space<vmem_shared>>
    tpu.wait_indirect_dma semaphore(%arg12 : memref<!tpu.dma_semaphore, #tpu.memory_space<semaphore_mem>>) src(%dma_wait3A_191 : memref<125x16xf32, #tpu.memory_space<vmem>>) dst(%dma_wait3A_197 : memref<10240x16xf32, #tpu.memory_space<vmem_shared>>)
    %barrier3A_198 = arith.constant 0 : index
    tpu.barrier barrier_id(%barrier3A_198)
    "tpu.region"() ({
      %run_scoped3A = tpu.sem_alloc : memref<!tpu.dma_semaphore, #tpu.memory_space<semaphore_mem>>
      %dma_start3A_199 = arith.constant 0 : i32
      %dma_start3A_200 = tpu.memref_slice %arg6[%arg0, %mul3A_2, %dma_start3A_199] : memref<2x10240x16xf32, #tpu.memory_space<hbm>> -> memref<1x640x16xf32, #tpu.memory_space<hbm>>
      %dma_start3A_201 = tpu.memref_squeeze %dma_start3A_200 : memref<1x640x16xf32, #tpu.memory_space<hbm>> -> memref<640x16xf32, #tpu.memory_space<hbm>>
      %dma_start3A_202 = arith.constant 0 : i32
      %dma_start3A_203 = tpu.memref_slice %arg10[%mul3A_2, %dma_start3A_202] : memref<10240x16xf32, #tpu.memory_space<vmem_shared>> -> memref<640x16xf32, #tpu.memory_space<vmem_shared>>
      tpu.enqueue_dma source(%dma_start3A_203 : memref<640x16xf32, #tpu.memory_space<vmem_shared>>) target(%dma_start3A_201 : memref<640x16xf32, #tpu.memory_space<hbm>>) target_semaphore(%run_scoped3A : memref<!tpu.dma_semaphore, #tpu.memory_space<semaphore_mem>>)
      %dma_wait3A_204 = arith.constant 0 : i32
      %dma_wait3A_205 = tpu.memref_slice %arg6[%arg0, %mul3A_2, %dma_wait3A_204] : memref<2x10240x16xf32, #tpu.memory_space<hbm>> -> memref<1x640x16xf32, #tpu.memory_space<hbm>>
      %dma_wait3A_206 = tpu.memref_squeeze %dma_wait3A_205 : memref<1x640x16xf32, #tpu.memory_space<hbm>> -> memref<640x16xf32, #tpu.memory_space<hbm>>
      %dma_wait3A_207 = arith.constant 0 : i32
      %dma_wait3A_208 = tpu.memref_slice %arg10[%mul3A_2, %dma_wait3A_207] : memref<10240x16xf32, #tpu.memory_space<vmem_shared>> -> memref<640x16xf32, #tpu.memory_space<vmem_shared>>
      tpu.wait_dma2 semaphore(%run_scoped3A : memref<!tpu.dma_semaphore, #tpu.memory_space<semaphore_mem>>) src(%dma_wait3A_208 : memref<640x16xf32, #tpu.memory_space<vmem_shared>>) dst(%dma_wait3A_206 : memref<640x16xf32, #tpu.memory_space<hbm>>)
      tpu.yield
    }) : () -> ()
    return
  }
}

module attributes {stable_mosaic.version = 14 : i64} {
  func.func @_mm_scale_body(%arg0: i32, %arg1: memref<400x128xf32, #tpu.memory_space<vmem>>, %arg2: memref<128x32xf32, #tpu.memory_space<vmem>>, %arg3: memref<400x2xf32, #tpu.memory_space<vmem>>, %arg4: memref<400x1xf32, #tpu.memory_space<vmem>>, %arg5: memref<400x32xf32, #tpu.memory_space<vmem>>) attributes {dimension_semantics = [#tpu.dimension_semantics<arbitrary>], iteration_bounds = array<i64: 25>, scalar_prefetch = 0 : i64, scratch_operands = 0 : i64, tpu.core_type = #tpu.core_type<tc>, window_params = [{transform_indices = @transform_0, window_bounds = array<i64: 400, 128>}, {pipeline_mode = #tpu.pipeline_mode<synchronous>, transform_indices = @transform_1, window_bounds = array<i64: 128, 32>}, {transform_indices = @transform_2, window_bounds = array<i64: 400, 2>}, {transform_indices = @transform_3, window_bounds = array<i64: 400, 1>}, {transform_indices = @transform_4, window_bounds = array<i64: 400, 32>}]} {
    %get3A = arith.constant 0 : index
    %get3A_0 = arith.constant 0 : index
    %get3A_1 = vector.load %arg3[%get3A, %get3A_0] : memref<400x2xf32, #tpu.memory_space<vmem>>, vector<400x1xf32>
    %get3A_2 = arith.constant 0 : index
    %get3A_3 = arith.constant 1 : index
    %get3A_4 = vector.load %arg3[%get3A_2, %get3A_3] : memref<400x2xf32, #tpu.memory_space<vmem>>, vector<400x1xf32>
    %add3A = arith.addf %get3A_1, %get3A_4 : vector<400x1xf32>
    %add3A_5 = arith.constant 1.000000e+00 : f32
    %add3A_6 = vector.broadcast %add3A_5 : f32 to vector<400x1xf32>
    %add3A_7 = arith.addf %add3A, %add3A_6 : vector<400x1xf32>
    %rsqrt3A = math.rsqrt %add3A_7 : vector<400x1xf32>
    %swap3A = arith.constant 0 : index
    %swap3A_8 = arith.constant 0 : index
    %swap3A_9 = vector.load %arg4[%swap3A, %swap3A_8] : memref<400x1xf32, #tpu.memory_space<vmem>>, vector<400x1xf32>
    tpu.vector_store %arg4[%swap3A, %swap3A_8], %rsqrt3A {strides = array<i32>} : memref<400x1xf32, #tpu.memory_space<vmem>>, vector<400x1xf32>,
    %get3A_10 = arith.constant 0 : index
    %get3A_11 = arith.constant 0 : index
    %get3A_12 = vector.load %arg1[%get3A_10, %get3A_11] : memref<400x128xf32, #tpu.memory_space<vmem>>, vector<400x128xf32>
    %get3A_13 = arith.constant 0 : index
    %get3A_14 = arith.constant 0 : index
    %get3A_15 = vector.load %arg2[%get3A_13, %get3A_14] : memref<128x32xf32, #tpu.memory_space<vmem>>, vector<128x32xf32>
    %dot_general3A = arith.constant dense<0.000000e+00> : vector<400x32xf32>
    %dot_general3A_16 = tpu.matmul %get3A_12, %get3A_15, %dot_general3A {dimension_numbers = #tpu.dot_dimension_numbers<[1], [0], [0], [1], [0, 0, 1, 1], [], []>, transpose_lhs_hint = false} : vector<400x128xf32>, vector<128x32xf32>, vector<400x32xf32> -> vector<400x32xf32>
    %mul3A = vector.broadcast %rsqrt3A : vector<400x1xf32> to vector<400x32xf32>
    %mul3A_17 = arith.mulf %dot_general3A_16, %mul3A : vector<400x32xf32>
    %swap3A_18 = arith.constant 0 : index
    %swap3A_19 = arith.constant 0 : index
    %swap3A_20 = vector.load %arg5[%swap3A_18, %swap3A_19] : memref<400x32xf32, #tpu.memory_space<vmem>>, vector<400x32xf32>
    tpu.vector_store %arg5[%swap3A_18, %swap3A_19], %mul3A_17 {strides = array<i32>} : memref<400x32xf32, #tpu.memory_space<vmem>>, vector<400x32xf32>,
    return
  }
  func.func @transform_0(%arg0: i32) -> (i32, i32) {
    %c0_i32 = arith.constant 0 : i32
    %c0_i32_0 = arith.constant 0 : i32
    return %arg0, %c0_i32 : i32, i32
  }
  func.func @transform_1(%arg0: i32) -> (i32, i32) {
    %c0_i32 = arith.constant 0 : i32
    %c0_i32_0 = arith.constant 0 : i32
    %c0_i32_1 = arith.constant 0 : i32
    return %c0_i32, %c0_i32_0 : i32, i32
  }
  func.func @transform_2(%arg0: i32) -> (i32, i32) {
    %c0_i32 = arith.constant 0 : i32
    %c0_i32_0 = arith.constant 0 : i32
    return %arg0, %c0_i32 : i32, i32
  }
  func.func @transform_3(%arg0: i32) -> (i32, i32) {
    %c0_i32 = arith.constant 0 : i32
    %c0_i32_0 = arith.constant 0 : i32
    return %arg0, %c0_i32 : i32, i32
  }
  func.func @transform_4(%arg0: i32) -> (i32, i32) {
    %c0_i32 = arith.constant 0 : i32
    %c0_i32_0 = arith.constant 0 : i32
    return %arg0, %c0_i32 : i32, i32
  }
}

module attributes {stable_mosaic.version = 14 : i64} {
  func.func @_mid_body(%arg0: i32, %arg1: memref<2x400x32xf32, #tpu.memory_space<vmem>>, %arg2: memref<400x32xf32, #tpu.memory_space<vmem>>, %arg3: memref<400x1xf32, #tpu.memory_space<vmem>>, %arg4: memref<32x16xf32, #tpu.memory_space<vmem>>, %arg5: memref<1x32xf32, #tpu.memory_space<vmem>>, %arg6: memref<400x16xf32, #tpu.memory_space<vmem>>) attributes {dimension_semantics = [#tpu.dimension_semantics<arbitrary>], iteration_bounds = array<i64: 25>, scalar_prefetch = 0 : i64, scratch_operands = 0 : i64, tpu.core_type = #tpu.core_type<tc>, window_params = [{transform_indices = @transform_0, window_bounds = array<i64: 2, 400, 32>}, {transform_indices = @transform_1, window_bounds = array<i64: 400, 32>}, {transform_indices = @transform_2, window_bounds = array<i64: 400, 1>}, {pipeline_mode = #tpu.pipeline_mode<synchronous>, transform_indices = @transform_3, window_bounds = array<i64: 32, 16>}, {pipeline_mode = #tpu.pipeline_mode<synchronous>, transform_indices = @transform_4, window_bounds = array<i64: 1, 32>}, {transform_indices = @transform_5, window_bounds = array<i64: 400, 16>}]} {
    %get3A = arith.constant 0 : index
    %get3A_0 = arith.constant 0 : index
    %get3A_1 = vector.load %arg3[%get3A, %get3A_0] : memref<400x1xf32, #tpu.memory_space<vmem>>, vector<400x1xf32>
    %get3A_2 = arith.constant 0 : index
    %get3A_3 = arith.constant 0 : index
    %get3A_4 = arith.constant 0 : index
    %get3A_5 = vector.load %arg1[%get3A_2, %get3A_3, %get3A_4] : memref<2x400x32xf32, #tpu.memory_space<vmem>>, vector<2x400x32xf32>
    %reduce_sum3A = arith.constant dense<0.000000e+00> : vector<400x32xf32>
    %reduce_sum3A_6 = vector.multi_reduction <add>, %get3A_5, %reduce_sum3A [0] : vector<2x400x32xf32> to vector<400x32xf32>
    %get3A_7 = arith.constant 0 : index
    %get3A_8 = arith.constant 0 : index
    %get3A_9 = vector.load %arg2[%get3A_7, %get3A_8] : memref<400x32xf32, #tpu.memory_space<vmem>>, vector<400x32xf32>
    %add3A = arith.addf %reduce_sum3A_6, %get3A_9 : vector<400x32xf32>
    %mul3A = vector.broadcast %get3A_1 : vector<400x1xf32> to vector<400x32xf32>
    %mul3A_10 = arith.mulf %add3A, %mul3A : vector<400x32xf32>
    %get3A_11 = arith.constant 0 : index
    %get3A_12 = arith.constant 0 : index
    %get3A_13 = vector.load %arg5[%get3A_11, %get3A_12] : memref<1x32xf32, #tpu.memory_space<vmem>>, vector<1x32xf32>
    %add3A_14 = vector.broadcast %get3A_13 : vector<1x32xf32> to vector<400x32xf32>
    %add3A_15 = arith.addf %mul3A_10, %add3A_14 : vector<400x32xf32>
    %max3A = arith.constant 0.000000e+00 : f32
    %max3A_16 = vector.broadcast %max3A : f32 to vector<400x32xf32>
    %max3A_17 = arith.maximumf %add3A_15, %max3A_16 : vector<400x32xf32>
    %get3A_18 = arith.constant 0 : index
    %get3A_19 = arith.constant 0 : index
    %get3A_20 = vector.load %arg4[%get3A_18, %get3A_19] : memref<32x16xf32, #tpu.memory_space<vmem>>, vector<32x16xf32>
    %dot_general3A = arith.constant dense<0.000000e+00> : vector<400x16xf32>
    %dot_general3A_21 = tpu.matmul %max3A_17, %get3A_20, %dot_general3A {dimension_numbers = #tpu.dot_dimension_numbers<[1], [0], [0], [1], [0, 0, 1, 1], [], []>, transpose_lhs_hint = false} : vector<400x32xf32>, vector<32x16xf32>, vector<400x16xf32> -> vector<400x16xf32>
    %mul3A_22 = vector.broadcast %get3A_1 : vector<400x1xf32> to vector<400x16xf32>
    %mul3A_23 = arith.mulf %dot_general3A_21, %mul3A_22 : vector<400x16xf32>
    %swap3A = arith.constant 0 : index
    %swap3A_24 = arith.constant 0 : index
    %swap3A_25 = vector.load %arg6[%swap3A, %swap3A_24] : memref<400x16xf32, #tpu.memory_space<vmem>>, vector<400x16xf32>
    tpu.vector_store %arg6[%swap3A, %swap3A_24], %mul3A_23 {strides = array<i32>} : memref<400x16xf32, #tpu.memory_space<vmem>>, vector<400x16xf32>,
    return
  }
  func.func @transform_0(%arg0: i32) -> (i32, i32, i32) {
    %c0_i32 = arith.constant 0 : i32
    %c0_i32_0 = arith.constant 0 : i32
    %c0_i32_1 = arith.constant 0 : i32
    return %c0_i32, %arg0, %c0_i32_0 : i32, i32, i32
  }
  func.func @transform_1(%arg0: i32) -> (i32, i32) {
    %c0_i32 = arith.constant 0 : i32
    %c0_i32_0 = arith.constant 0 : i32
    return %arg0, %c0_i32 : i32, i32
  }
  func.func @transform_2(%arg0: i32) -> (i32, i32) {
    %c0_i32 = arith.constant 0 : i32
    %c0_i32_0 = arith.constant 0 : i32
    return %arg0, %c0_i32 : i32, i32
  }
  func.func @transform_3(%arg0: i32) -> (i32, i32) {
    %c0_i32 = arith.constant 0 : i32
    %c0_i32_0 = arith.constant 0 : i32
    %c0_i32_1 = arith.constant 0 : i32
    return %c0_i32, %c0_i32_0 : i32, i32
  }
  func.func @transform_4(%arg0: i32) -> (i32, i32) {
    %c0_i32 = arith.constant 0 : i32
    %c0_i32_0 = arith.constant 0 : i32
    %c0_i32_1 = arith.constant 0 : i32
    return %c0_i32, %c0_i32_0 : i32, i32
  }
  func.func @transform_5(%arg0: i32) -> (i32, i32) {
    %c0_i32 = arith.constant 0 : i32
    %c0_i32_0 = arith.constant 0 : i32
    return %arg0, %c0_i32 : i32, i32
  }
}

module attributes {stable_mosaic.version = 14 : i64} {
  func.func @_final_body(%arg0: i32, %arg1: memref<2x400x16xf32, #tpu.memory_space<vmem>>, %arg2: memref<400x16xf32, #tpu.memory_space<vmem>>, %arg3: memref<400x1xf32, #tpu.memory_space<vmem>>, %arg4: memref<1x16xf32, #tpu.memory_space<vmem>>, %arg5: memref<400x16xf32, #tpu.memory_space<vmem>>) attributes {dimension_semantics = [#tpu.dimension_semantics<arbitrary>], iteration_bounds = array<i64: 25>, scalar_prefetch = 0 : i64, scratch_operands = 0 : i64, tpu.core_type = #tpu.core_type<tc>, window_params = [{transform_indices = @transform_0, window_bounds = array<i64: 2, 400, 16>}, {transform_indices = @transform_1, window_bounds = array<i64: 400, 16>}, {transform_indices = @transform_2, window_bounds = array<i64: 400, 1>}, {pipeline_mode = #tpu.pipeline_mode<synchronous>, transform_indices = @transform_3, window_bounds = array<i64: 1, 16>}, {transform_indices = @transform_4, window_bounds = array<i64: 400, 16>}]} {
    %get3A = arith.constant 0 : index
    %get3A_0 = arith.constant 0 : index
    %get3A_1 = arith.constant 0 : index
    %get3A_2 = vector.load %arg1[%get3A, %get3A_0, %get3A_1] : memref<2x400x16xf32, #tpu.memory_space<vmem>>, vector<2x400x16xf32>
    %reduce_sum3A = arith.constant dense<0.000000e+00> : vector<400x16xf32>
    %reduce_sum3A_3 = vector.multi_reduction <add>, %get3A_2, %reduce_sum3A [0] : vector<2x400x16xf32> to vector<400x16xf32>
    %get3A_4 = arith.constant 0 : index
    %get3A_5 = arith.constant 0 : index
    %get3A_6 = vector.load %arg2[%get3A_4, %get3A_5] : memref<400x16xf32, #tpu.memory_space<vmem>>, vector<400x16xf32>
    %add3A = arith.addf %reduce_sum3A_3, %get3A_6 : vector<400x16xf32>
    %get3A_7 = arith.constant 0 : index
    %get3A_8 = arith.constant 0 : index
    %get3A_9 = vector.load %arg3[%get3A_7, %get3A_8] : memref<400x1xf32, #tpu.memory_space<vmem>>, vector<400x1xf32>
    %mul3A = vector.broadcast %get3A_9 : vector<400x1xf32> to vector<400x16xf32>
    %mul3A_10 = arith.mulf %add3A, %mul3A : vector<400x16xf32>
    %get3A_11 = arith.constant 0 : index
    %get3A_12 = arith.constant 0 : index
    %get3A_13 = vector.load %arg4[%get3A_11, %get3A_12] : memref<1x16xf32, #tpu.memory_space<vmem>>, vector<1x16xf32>
    %add3A_14 = vector.broadcast %get3A_13 : vector<1x16xf32> to vector<400x16xf32>
    %add3A_15 = arith.addf %mul3A_10, %add3A_14 : vector<400x16xf32>
    %swap3A = arith.constant 0 : index
    %swap3A_16 = arith.constant 0 : index
    %swap3A_17 = vector.load %arg5[%swap3A, %swap3A_16] : memref<400x16xf32, #tpu.memory_space<vmem>>, vector<400x16xf32>
    tpu.vector_store %arg5[%swap3A, %swap3A_16], %add3A_15 {strides = array<i32>} : memref<400x16xf32, #tpu.memory_space<vmem>>, vector<400x16xf32>,
    return
  }
  func.func @transform_0(%arg0: i32) -> (i32, i32, i32) {
    %c0_i32 = arith.constant 0 : i32
    %c0_i32_0 = arith.constant 0 : i32
    %c0_i32_1 = arith.constant 0 : i32
    return %c0_i32, %arg0, %c0_i32_0 : i32, i32, i32
  }
  func.func @transform_1(%arg0: i32) -> (i32, i32) {
    %c0_i32 = arith.constant 0 : i32
    %c0_i32_0 = arith.constant 0 : i32
    return %arg0, %c0_i32 : i32, i32
  }
  func.func @transform_2(%arg0: i32) -> (i32, i32) {
    %c0_i32 = arith.constant 0 : i32
    %c0_i32_0 = arith.constant 0 : i32
    return %arg0, %c0_i32 : i32, i32
  }
  func.func @transform_3(%arg0: i32) -> (i32, i32) {
    %c0_i32 = arith.constant 0 : i32
    %c0_i32_0 = arith.constant 0 : i32
    %c0_i32_1 = arith.constant 0 : i32
    return %c0_i32, %c0_i32_0 : i32, i32
  }
  func.func @transform_4(%arg0: i32) -> (i32, i32) {
    %c0_i32 = arith.constant 0 : i32
    %c0_i32_0 = arith.constant 0 : i32
    return %arg0, %c0_i32 : i32, i32
  }
}

</mosaic_0001>

<sc_bundles>
// kernel: kernel.11.cloned.1.call-start
scs
__scs_entry_jumppad:
0x0: {  	(pc) =	sbr.rel $0x88, $3  }
0x1: {  	(tag) =	ssettag $0x0;
	lr =	simm.s32 $0x1  }
0x2: {  	[smem:$0x3F9B] =	sst lr;
	_ =	strace $0xD0000000  }
0x3: {  	_ = 	snop  }
0x4: {  	_ = 	snop  }
0x5: {  	_ = 	snop  }
0x6: {  	_ = 	snop  }
0x7: {  	_ = 	snop  }
__scs_overlays_trampoline_lowered:
0x8: {  	[smem:$0x3FAA] =	sst s0  }
0x9: {  	[smem:$0x3FAB] =	sst s1  }
0xa: {  	[smem:$0x3FAC] =	sst s2  }
0xb: {  	[smem:$0x3FAD] =	sst s3  }
0xc: {  	[smem:$0x3FAE] =	sst s4  }
0xd: {  	[smem:$0x3FAF] =	sst s5  }
0xe: {  	[smem:$0x3FB0] =	sst s6  }
0xf: {  	[smem:$0x3FB1] =	sst s7  }
0x10: {  	[smem:$0x3FB2] =	sst s8  }
0x11: {  	[smem:$0x3FB3] =	sst s9;
	s0 =	simm.s32 @!p0 $0x0  }
0x12: {  	s1 =	sld [smem:$0x3F99];
	s0 =	simm.s32 @p0 $0x1  }
0x13: {  	[smem:$0x3FB4] =	sst s0;
	s0 =	simm.s32 @!p1 $0x0  }
0x14: {  	s2 =	sld [smem:$0x3F98];
	s0 =	simm.s32 @p1 $0x1  }
0x15: {  	[smem:$0x3FB5] =	sst s0;
	s0 =	simm.s32 @!p2 $0x0  }
0x16: {  	s3 =	sld [smem:$0x3FDB];
	s0 =	simm.s32 @p2 $0x1  }
0x17: {  	s4 =	simm.s32 $0x1BF5;
	[smem:$0x3FB7] =	sst s0  }
0x18: {  	s0 =	sld [smem:$0x3F9A];
	_ =	swait.ge [sflag:s4], $0x0  }
0x19: {  	s7 =	sld [smem:$0x3F9B]  }
0x1a: {  	s8 =	sadd.s32 $0xFFFFE003, lr  }
0x1b: {  	s9 =	sadd.s32 $0xFFFFFEF7, lr;
	s5 =	simm.s32 $0xFFFFFFFF;
	p2 =	slt.u32 s8, $0xFFFFF086  }
0x1c: {  	p1 =	slt.u32 s9, $0xF7A;
	s5 =	simm.s32 @!p2 $0x0  }
0x1d: {  	s5 =	simm.s32 @p1 $0x1;
	p0 =	seq.s32 s7, s2  }
0x1e: {  	s7 =	smul.u32 @!p0 $0xF7A, s2;
	p2 =	seq.s32 @!p0 s5, $0x0  }
0x1f: {  	s9 =	smul.u32 $0xF7A, s1;
	s8 =	simm.s32 @!p0 $0x1BF5;
	p2 =	por !p2, p0  }
0x20: {  	[sflag:s8] =	ssyncset.s32 @!p0 $0xFFFFF086;
	s6 =	sadd.s32 @!p0 s3, s7;
	s7 =	simm.s32 @!p0 $0x108  }
0x21: {  	s3 =	sadd.s32 s3, s9;
	s6 =	sadd.s32 @!p0 $0x88, s6;
	s7 =	simm.s32 @p2 $0x1082  }
0x22: {  	[simem:s7], [sflag:s8] =	dma.local @!p0 [hbm:s6], $0xF7A  }
0x23: {  	s9 =	sor.u32 $0xD0000000, s2;
	s6 =	simm.s32 $0x108;
	_ =	swait.ge @!p0 [sflag:s8], $0x0  }
0x24: {  	s3 =	sadd.s32 $0x88, s3;
	s6 =	simm.s32 @!p1 $0x1082;
	[sflag:s4] =	ssyncset.s32 $0xFFFFF086  }
0x25: {  	[simem:s6], [sflag:s4] =	dma.local [hbm:s3], $0xF7A  }
0x26: {  	[smem:$0x3F9B] =	sst s1;
	(tag) =	ssettag s2;
	_ =	strace s9  }
0x27: {  	s1 =	sld [smem:$0x3FAB]  }
0x28: {  	s2 =	sld [smem:$0x3FAC]  }
0x29: {  	s4 =	sld [smem:$0x3FAE]  }
0x2a: {  	p0 =	seq.s32 s5, $0x0;
	s5 =	sld [smem:$0x3FAF]  }
0x2b: {  	s6 =	sld [smem:$0x3FB0]  }
0x2c: {  	s7 =	sld [smem:$0x3FB1]  }
0x2d: {  	s3 =	simm.s32 $0x108;
	s8 =	sld [smem:$0x3FB2]  }
0x2e: {  	s3 =	simm.s32 @!p0 $0x1082;
	s9 =	sld [smem:$0x3FB3]  }
0x2f: {  	lr =	sadd.s32 s0, s3;
	s0 =	sld [smem:$0x3FAA]  }
0x30: {  	s3 =	sld [smem:$0x3FAD]  }
0x31: {  	[smem:$0x3FB6] =	sst s10  }
0x32: {  	s10 =	sld [smem:$0x3FB4];
	_ =	sdelay $0x3  }
0x33: {  	p0 =	seq.s32 s10, $0x1;
	s10 =	sld [smem:$0x3FB6];
	_ =	sdelay $0x3  }
0x34: {  	[smem:$0x3FB6] =	sst s10  }
0x35: {  	s10 =	sld [smem:$0x3FB5];
	_ =	sdelay $0x3  }
0x36: {  	p1 =	seq.s32 s10, $0x1;
	s10 =	sld [smem:$0x3FB6];
	_ =	sdelay $0x3  }
0x37: {  	[smem:$0x3FB6] =	sst s10  }
0x38: {  	s10 =	sld [smem:$0x3FB7]  }
0x39: {  	_ = 	snop;
	(pc) =	sbr.ind lr, $3  }
0x3a: {  	_ = 	snop  }
0x3b: {  	_ = 	snop  }
0x3c: {  	p2 =	seq.s32 s10, $0x1;
	s10 =	sld [smem:$0x3FB6]  }
0x3d: {  	_ =	shalt  }
0x3e: {  	_ =	shalt  }
0x3f: {  	_ =	shalt  }
0x40: {  	_ =	shalt  }
0x41: {  	_ =	shalt  }
0x42: {  	_ =	shalt  }
0x43: {  	_ =	shalt  }
0x44: {  	_ =	shalt  }
0x45: {  	_ =	shalt  }
0x46: {  	_ =	shalt  }
0x47: {  	_ =	shalt  }
0x48: {  	_ =	shalt  }
0x49: {  	_ =	shalt  }
0x4a: {  	_ =	shalt  }
0x4b: {  	_ =	shalt  }
0x4c: {  	_ =	shalt  }
0x4d: {  	_ =	shalt  }
0x4e: {  	_ =	shalt  }
0x4f: {  	_ =	shalt  }
0x50: {  	_ =	shalt  }
0x51: {  	_ =	shalt  }
0x52: {  	_ =	shalt  }
0x53: {  	_ =	shalt  }
0x54: {  	_ =	shalt  }
0x55: {  	_ =	shalt  }
0x56: {  	_ =	shalt  }
0x57: {  	_ =	shalt  }
0x58: {  	_ =	shalt  }
0x59: {  	_ =	shalt  }
0x5a: {  	_ =	shalt  }
0x5b: {  	_ =	shalt  }
0x5c: {  	_ =	shalt  }
0x5d: {  	_ =	shalt  }
0x5e: {  	_ =	shalt  }
0x5f: {  	_ =	shalt  }
0x60: {  	_ =	shalt  }
0x61: {  	_ =	shalt  }
0x62: {  	_ =	shalt  }
0x63: {  	_ =	shalt  }
0x64: {  	_ =	shalt  }
0x65: {  	_ =	shalt  }
0x66: {  	_ =	shalt  }
0x67: {  	_ =	shalt  }
0x68: {  	_ =	shalt  }
0x69: {  	_ =	shalt  }
0x6a: {  	_ =	shalt  }
0x6b: {  	_ =	shalt  }
0x6c: {  	_ =	shalt  }
0x6d: {  	_ =	shalt  }
0x6e: {  	_ =	shalt  }
0x6f: {  	_ =	shalt  }
0x70: {  	_ =	shalt  }
0x71: {  	_ =	shalt  }
0x72: {  	_ =	shalt  }
0x73: {  	_ =	shalt  }
0x74: {  	_ =	shalt  }
0x75: {  	_ =	shalt  }
0x76: {  	_ =	shalt  }
0x77: {  	_ =	shalt  }
0x78: {  	_ =	shalt  }
0x79: {  	_ =	shalt  }
0x7a: {  	_ =	shalt  }
0x7b: {  	_ =	shalt  }
0x7c: {  	_ =	shalt  }
0x7d: {  	_ =	shalt  }
0x7e: {  	_ =	shalt  }
0x7f: {  	_ =	shalt  }
0x80: {  	_ =	shalt  }
0x81: {  	_ =	shalt  }
0x82: {  	_ =	shalt  }
0x83: {  	_ =	shalt  }
0x84: {  	_ =	shalt  }
0x85: {  	_ =	shalt  }
0x86: {  	_ =	shalt  }
0x87: {  	_ =	shalt  }
.Lfunc_end0:
.L_simem_size_0:
called_computation.1_lowered:
.L_overlay_start_0:
0x88: {  	s2 =	sld [smem:$0x3FD9]  }
0x89: {  	s3 =	sld [smem:$0x3FFE];
	_ =	sdelay $0x1  }
0x8a: {  	s1 =	srdreg.scid  }
0x8b: {  	s0 =	sand.u32 $0x1, s1  }
0x8c: {  	s16 =	sshll.u32 s0, $0xA;
	s2 =	sadd.s32 s3, s2  }
0x8d: {  	s2 =	sadd.s32 s2, s16  }
0x8e: {  	[smem:$0x3FC2] =	sst s2  }
0x8f: {  	_ = 	snop  }
0x90: {  	(tm) =	ssettm $0x1  }
0x91: {  	s17 =	sld [smem:$0x3FFB];
	_ =	sdelay $0x3  }
0x92: {  	_ =	strace s17  }
0x93: {  	s2 =	sld [smem:$0x3FFC];
	_ =	sdelay $0x3  }
0x94: {  	_ =	strace s2  }
0x95: {  	s2 =	sld [smem:$0x3FFD];
	_ =	sdelay $0x3  }
0x96: {  	_ =	strace s2  }
0x97: {  	_ =	strace $0x8FFFFFFF  }
0x98: {  	s18 =	sld [smem:$0x3FDB];
	_ =	sdelay $0x1  }
0x99: {  	s19 =	simm.s32 $_scs_section_size  }
0x9a: {  	s4 =	simm.s32 $_size__tile_overlayer_lowered;
	s5 =	simm.s32 $_tile_overlayer_lowered  }
0x9b: {  	s22 =	simm.s32 $0x1BFF;
	s21 =	sshll.u32 s5, $0x1;
	s2 =	sadd.s32 s19, s18  }
0x9c: {  	s6 =	simm.s32 $0x0;
	s20 =	sshll.u32 s4, $0x1;
	s4 =	sadd.s32 s21, s2  }
0x9d: {  	[timem:s6], [sflag:s22] =	dma.local [hbm:s4], s20  }
0x9e: {  	_ =	swait.ge [sflag:s22], s20  }
0x9f: {  	s3 =	ssub.s32 $0x0, s20;
	[sflag:s22] =	ssyncset.done $0x0  }
0xa0: {  	[sflag:s22] =	ssyncadd.s32 s3;
	_ =	sdelay $0x1  }
0xa1: {  	s23 =	simm.s32 $0x1B8B  }
0xa2: {  	_ =	swait.ge [sflag:s23], $0x1  }
0xa3: {  	[sflag:s23] =	ssyncset.done $0x0  }
0xa4: {  	s25 =	simm.s32 $0x1B8E;
	s24 =	sld [smem:$0x3FFE];
	[sflag:s23] =	ssyncadd.s32 $0xFFFFFFFF  }
0xa5: {  	s26 =	simm.s32 $execute0_lowered;
	[smem:$0x3FD2] =	sst s25  }
0xa6: {  	s4 =	sshll.u32 s26, $0x1;
	_ =	strace $0x80000049;
	[dreg:$0x1] =	wrdreg $0xFFFFFFFF  }
0xa7: {  	s28 =	simm.s32 $_size_execute0_lowered;
	s2 =	sadd.s32 s2, s4;
	[dreg:$0x0] =	wrdreg $0x0  }
0xa8: {  	s4 =	sshll.u32 s28, $0x1;
	[dreg:$0x2] =	wrdreg s2  }
0xa9: {  	[dreg:$0x3] =	wrdreg s4  }
0xaa: {  	[dreg:$0x4] =	wrdreg $0xC0  }
0xab: {  	_ =	task [dreg:s6], $0x5FFFF  }
0xac: {  	[dreg:$0x1] =	wrdreg $0xFFFFFFFF  }
0xad: {  	[dreg:$0x0] =	wrdreg $0x60  }
0xae: {  	[dreg:$0x2] =	wrdreg s24  }
0xaf: {  	[dreg:$0x3] =	wrdreg $0x14A000  }
0xb0: {  	[dreg:$0x4] =	wrdreg $0x9  }
0xb1: {  	_ =	task.clear_ibuf [dreg:s6], $0x5FFFF;
	_ =	strace $0x90000049  }
0xb2: {  	s29 =	simm.s32 $0x9;
	_ =	strace $0x8000004B  }
0xb3: {  	_ =	swait.ge [sflag:s29], $0x1  }
0xb4: {  	[sflag:s29] =	ssyncadd.s32 $0xFFFFFFFF  }
0xb5: {  	_ =	strace $0x9000004B  }
0xb6: {  	_ =	sfence  }
0xb7: {  	s30 =	sld [smem:$0x0];
	_ =	sdelay $0x2  }
0xb8: {  	s31 =	sshll.u32 s1, $0xD;
	s1 =	sshrl.u32 s1, $0x2  }
0xb9: {  	s3 =	sand.u32 $0x4000, s31;
	s1 =	sadd.s32 s1, s30  }
0xba: {  	s0 =	sor.u32 s3, s0;
	s1 =	sshll.u32 s1, $0x11  }
0xbb: {  	s0 =	sor.u32 s1, s0  }
0xbc: {  	s0 =	sadd.s32 $0x8F2B, s0  }
0xbd: {  	[sflag:s0] =	ssyncadd.remote.s32 $0x1  }
0xbe: {  	_ =	sfence.sel $0xFFFF  }
0xbf: {  	[dreg:$0x0] =	wrdreg $0xFFFFFFFF;
	(pc) =	sbr.abs _section_cstart, $3  }
0xc0: {  	[dreg:$0x1] =	wrdreg $0xFFFFFFFF  }
0xc1: {  	_ =	task.clear_ibuf [dreg:s6], $0x2FFFF;
	_ =	strace $0x9FFFFFFF  }
0xc2: {  	(tm) =	ssettm $0x7FFFFFFF  }
0xc3: {  	_ =	shalt  }
tec
execute0_lowered:
.L_overlay_start_1:
0x0: {  	(tag) =	ssettag $0x1  }
0x1: {  	s0 =	srdreg.scid  }
0x2: {  	s10 =	stileid.u32;
	s5 =	rddreg [dreg:$0x0]  }
0x3: {  	s2 =	rddreg [dreg:$0x1];
	s3 =	simm.s32 $0x0;
	s12 =	simm.s32 $0x3  }
0x4: {  	s14 =	simm.s32 $0x7D;
	s17 =	simm.s32 $0x580;
	s18 =	simm.s32 $0xFBE0  }
0x5: {  	s19 =	simm.s32 $0x600;
	s20 =	simm.s32 $0x10B80;
	s21 =	simm.s32 $0x680  }
0x6: {  	s22 =	simm.s32 $0x11B20;
	s23 =	simm.s32 $0x700;
	s24 =	simm.s32 $0x12AC0  }
0x7: {  	s25 =	simm.s32 $0x1;
	s26 =	simm.s32 $0x2;
	s28 =	simm.s32 $0x0  }
0x8: {  	s0 =	sand.u32 $0x1, s0;
	s1 =	sshll.u32 s10, $0x1;
	s6 =	smul.u32 $0x5000, s10  }
0x9: {  	[smem:$0x7FF] =	sst s3;
	s4 =	sadd.s32 $0x1800, s5;
	s31 =	sshll.u32 s10, $0x6  }
0xa: {  	s1 =	sor.u32 s0, s1;
	s7 =	smul.u32 $0x50000, s0;
	_ =	strace $0x8000004A  }
0xb: {  	s0 =	ssub.s32 $0x2, s0;
	s1 =	smul.u32 $0x500, s1;
	s8 =	sshrl.u32 s6, $0x3  }
0xc: {  	s30 =	sshrl.u32 s0, $0x1;
	s11 =	sadd.s32 s6, s2;
	s7 =	sadd.s32 s6, s7  }
0xd: {  	s8 =	sadd.s32 s8, s5;
	s0 =	ssub.s32 s0, s30;
	s6 =	sor.u32 $0x1C03, s31  }
0xe: {  	s11 =	sshrl.u32 s11, $0x3;
	s1 =	sadd.s32 s1, s5;
	s7 =	sshrl.u32 s7, $0x3  }
0xf: {  	s10 =	smax.u32 s0, $0x1;
	s9 =	sadd.s32 s7, s5;
	s5 =	sadd.s32 $0x1F600, s8  }
0x10: {  	s7 =	sadd.s32 $0x15600, s1;
	s8 =	sadd.s32 $0xB600, s1;
	s9 =	sadd.s32 $0x29600, s9  }
.LBB2_1:
0x11: {  	[spmem:s11], [sflag:s6] =	dma.local [hbm:s5], $0xA00  }
0x12: {  	_ =	swait.ge [sflag:s12], $0xA00  }
0x13: {  	[sflag:s12] =	ssyncset.done $0x0  }
0x14: {  	[sflag:s12] =	ssyncadd.s32 $0xFFFFF600  }
0x15: {  	[tilespmem:s3], [sflag:$0x3] =	stream.linear.gather [hbm4b:s7+s3], $0x2800, $0x38;
	[tilespmem:$0x19A00] =	vst v63  }
0x16: {  	_ =	swait.ge [sflag:s12], $0x2800  }
0x17: {  	[sflag:s12] =	ssyncset.done $0x0  }
0x18: {  	s0 =	simm.s32 $0x2800;
	[sflag:s12] =	ssyncadd.s32 $0xFFFFD800  }
0x19: {  	[tilespmem:s0], [sflag:$0x3] =	stream.linear.gather [hbm4b:s8+s3], $0x2800, $0x38;
	[tilespmem:$0x19A00] =	vst v63  }
0x1a: {  	_ =	swait.ge [sflag:s12], $0x2800  }
0x1b: {  	[sflag:s12] =	ssyncset.done $0x0  }
0x1c: {  	[sflag:s12] =	ssyncadd.s32 $0xFFFFD800  }
0x1d: {  	s13 =	simm.s32 $0x5000;
	[bflag:$0x0] =	sbarrier.arrive $0xFFFF  }
0x1e: {  	[tilespmem:s13], [sflag:$0x1] =	stream.indirect.gather [hbm4b:s4+s14], $0x20, s3, s14, $0xb8;
	[tilespmem:$0x19A00] =	vst v63  }
0x1f: {  	s15 =	simm.s32 $0x80;
	s1 =	simm.s32 $0x5FA0  }
0x20: {  	[tilespmem:s1], [sflag:$0x1] =	stream.indirect.gather [hbm4b:s4+s14], $0x20, s15, s14, $0xb8;
	[tilespmem:$0x19A00] =	vst v63  }
0x21: {  	s16 =	simm.s32 $0x100;
	s31 =	simm.s32 $0x6F40  }
0x22: {  	[tilespmem:s31], [sflag:$0x1] =	stream.indirect.gather [hbm4b:s4+s14], $0x20, s16, s14, $0xb8;
	[tilespmem:$0x19A00] =	vst v63  }
0x23: {  	s13 =	simm.s32 $0x180;
	s15 =	simm.s32 $0x7EE0  }
0x24: {  	[tilespmem:s15], [sflag:$0x1] =	stream.indirect.gather [hbm4b:s4+s14], $0x20, s13, s14, $0xb8;
	[tilespmem:$0x19A00] =	vst v63  }
0x25: {  	s16 =	simm.s32 $0x200;
	s31 =	simm.s32 $0x8E80  }
0x26: {  	[tilespmem:s31], [sflag:$0x1] =	stream.indirect.gather [hbm4b:s4+s14], $0x20, s16, s14, $0xb8;
	[tilespmem:$0x19A00] =	vst v63  }
0x27: {  	s13 =	simm.s32 $0x280;
	s15 =	simm.s32 $0x9E20  }
0x28: {  	[tilespmem:s15], [sflag:$0x1] =	stream.indirect.gather [hbm4b:s4+s14], $0x20, s13, s14, $0xb8;
	[tilespmem:$0x19A00] =	vst v63  }
0x29: {  	s16 =	simm.s32 $0x300;
	s31 =	simm.s32 $0xADC0  }
0x2a: {  	[tilespmem:s31], [sflag:$0x1] =	stream.indirect.gather [hbm4b:s4+s14], $0x20, s16, s14, $0xb8;
	[tilespmem:$0x19A00] =	vst v63  }
0x2b: {  	s13 =	simm.s32 $0x380;
	s15 =	simm.s32 $0xBD60  }
0x2c: {  	[tilespmem:s15], [sflag:$0x1] =	stream.indirect.gather [hbm4b:s4+s14], $0x20, s13, s14, $0xb8;
	[tilespmem:$0x19A00] =	vst v63  }
0x2d: {  	s16 =	simm.s32 $0x400;
	s31 =	simm.s32 $0xCD00  }
0x2e: {  	[tilespmem:s31], [sflag:$0x1] =	stream.indirect.gather [hbm4b:s4+s14], $0x20, s16, s14, $0xb8;
	[tilespmem:$0x19A00] =	vst v63  }
0x2f: {  	s13 =	simm.s32 $0x480;
	s15 =	simm.s32 $0xDCA0  }
0x30: {  	[tilespmem:s15], [sflag:$0x1] =	stream.indirect.gather [hbm4b:s4+s14], $0x20, s13, s14, $0xb8;
	[tilespmem:$0x19A00] =	vst v63  }
0x31: {  	s16 =	simm.s32 $0x500;
	s31 =	simm.s32 $0xEC40  }
0x32: {  	[tilespmem:s31], [sflag:$0x1] =	stream.indirect.gather [hbm4b:s4+s14], $0x20, s16, s14, $0xb8;
	[tilespmem:$0x19A00] =	vst v63  }
0x33: {  	_ = 	snop  }
0x34: {  	[tilespmem:s18], [sflag:$0x1] =	stream.indirect.gather [hbm4b:s4+s14], $0x20, s17, s14, $0xb8;
	[tilespmem:$0x19A00] =	vst v63  }
0x35: {  	_ = 	snop  }
0x36: {  	[tilespmem:s20], [sflag:$0x1] =	stream.indirect.gather [hbm4b:s4+s14], $0x20, s19, s14, $0xb8;
	[tilespmem:$0x19A00] =	vst v63  }
0x37: {  	_ = 	snop  }
0x38: {  	[tilespmem:s22], [sflag:$0x1] =	stream.indirect.gather [hbm4b:s4+s14], $0x20, s21, s14, $0xb8;
	[tilespmem:$0x19A00] =	vst v63  }
0x39: {  	s29 =	simm.s32 $0x12;
	s30 =	simm.s32 $0x0  }
0x3a: {  	[tilespmem:s24], [sflag:$0x1] =	stream.indirect.gather [hbm4b:s4+s14], $0x20, s23, s14, $0xb8;
	[tilespmem:$0x19A00] =	vst v63  }
.LBB2_2:
0x3b: {  	p0 =	seq.s32 s29, $0x12;
	s31 =	sadd.s32 $0xFFFFFFEE, s29  }
0x3c: {  	p1 =	sgt.u32 @!p0 s31, $0x40  }
0x3d: {  	p1 =	por p0, !p1  }
0x3e: {  	s0 =	sadd.s32 @p1 $0xFFFFFFFD, s29  }
0x3f: {  	s1 =	simm.s32 @!p0 $0x2;
	s0 =	sand.u32 @p1 $0xF, s0  }
0x40: {  	_ =	swait.ge @!p0 [sflag:s1], $0xFA0;
	s0 =	smul.u32 @p1 $0x3E80, s0  }
0x41: {  	[sflag:s1] =	ssyncset.done @!p0 $0x0  }
0x42: {  	[sflag:s1] =	ssyncadd.s32 @!p0 $0xFFFFF060;
	s1 =	sshra.s32 s30, $0x2;
	s0 =	sshrl.u32 @p1 s0, $0x2  }
0x43: {  	s13 =	sadd.s32 @p1 $0x780, s1;
	s0 =	sadd.s32 @p1 $0x5000, s0  }
0x44: {  	[tilespmem:s0], [sflag:$0x1] =	stream.indirect.gather @p1 [hbm4b:s4+s14], $0x20, s13, s14, $0xb8;
	[tilespmem:$0x19A00] =	vst v63  }
0x45: {  	s13 =	sand.u32 $0xC, s31  }
0x46: {  	s0 =	smul.u32 $0x3E80, s13  }
0x47: {  	_ =	swait.ge [sflag:s25], $0xFA0  }
0x48: {  	s16 =	sadd.s32 $0xFFFFFFFF, s29;
	[sflag:s25] =	ssyncset.done $0x0;
	s0 =	sshrl.u32 s0, $0x2  }
0x49: {  	s15 =	sadd.s32 $0x2800, s1;
	[sflag:s25] =	ssyncadd.s32 $0xFFFFF060;
	s0 =	sadd.s32 $0x5000, s0  }
0x4a: {  	[spmem:s2] =	stream.indirect.scatter.add.f32 [tilespmem:s0], [sflag:$0x2], $0x20, s15, s14, $0xb8;
	[tilespmem:$0x19A00] =	vst v63  }
0x4b: {  	p0 =	sgt.u32 s31, $0x3F;
	s13 =	sand.u32 $0xD, s16;
	_ =	swait.ge [sflag:s26], $0xFA0  }
0x4c: {  	s16 =	simm.s32 @!p0 $0x7D;
	s15 =	sshra.s32 @!p0 s30, $0x2;
	[sflag:s26] =	ssyncset.done $0x0  }
0x4d: {  	s13 =	smul.u32 $0x3E80, s13;
	s15 =	sadd.s32 @!p0 $0x800, s15;
	[sflag:s26] =	ssyncadd.s32 $0xFFFFF060  }
0x4e: {  	[tilespmem:s0], [sflag:$0x1] =	stream.indirect.gather @!p0 [hbm4b:s4+s16], $0x20, s15, s16, $0xb8;
	[tilespmem:$0x19A00] =	vst v63  }
0x4f: {  	_ =	swait.ge [sflag:s25], $0xFA0  }
0x50: {  	s0 =	sshrl.u32 s13, $0x2;
	s15 =	sadd.s32 $0x2880, s1;
	[sflag:s25] =	ssyncset.done $0x0  }
0x51: {  	p0 =	sgt.u32 s31, $0x3E;
	s0 =	sadd.s32 $0x5000, s0;
	[sflag:s25] =	ssyncadd.s32 $0xFFFFF060  }
0x52: {  	[spmem:s2] =	stream.indirect.scatter.add.f32 [tilespmem:s0], [sflag:$0x2], $0x20, s15, s14, $0xb8;
	[tilespmem:$0x19A00] =	vst v63  }
0x53: {  	s0 =	sadd.s32 @!p0 $0xFFFFFFFF, s29  }
0x54: {  	s0 =	sand.u32 @!p0 $0xD, s0  }
0x55: {  	s16 =	sadd.s32 $0xFFFFFFF0, s29;
	s0 =	smul.u32 @!p0 $0x3E80, s0  }
0x56: {  	s13 =	sand.u32 $0xE, s16;
	s16 =	simm.s32 @!p0 $0x7D;
	_ =	swait.ge [sflag:s26], $0xFA0  }
0x57: {  	s15 =	sshra.s32 @!p0 s30, $0x2;
	[sflag:s26] =	ssyncset.done $0x0;
	s0 =	sshrl.u32 @!p0 s0, $0x2  }
0x58: {  	s15 =	sadd.s32 @!p0 $0x880, s15;
	[sflag:s26] =	ssyncadd.s32 $0xFFFFF060;
	s0 =	sadd.s32 @!p0 $0x5000, s0  }
0x59: {  	[tilespmem:s0], [sflag:$0x1] =	stream.indirect.gather @!p0 [hbm4b:s4+s16], $0x20, s15, s16, $0xb8;
	[tilespmem:$0x19A00] =	vst v63  }
0x5a: {  	s15 =	smul.u32 $0x3E80, s13  }
0x5b: {  	_ =	swait.ge [sflag:s25], $0xFA0  }
0x5c: {  	s16 =	sadd.s32 $0x2900, s1;
	[sflag:s25] =	ssyncset.done $0x0;
	s0 =	sshrl.u32 s15, $0x2  }
0x5d: {  	p0 =	sgt.u32 s31, $0x3D;
	[sflag:s25] =	ssyncadd.s32 $0xFFFFF060;
	s0 =	sadd.s32 $0x5000, s0  }
0x5e: {  	[spmem:s2] =	stream.indirect.scatter.add.f32 [tilespmem:s0], [sflag:$0x2], $0x20, s16, s14, $0xb8;
	[tilespmem:$0x19A00] =	vst v63  }
0x5f: {  	s0 =	sand.u32 @!p0 $0xE, s29  }
0x60: {  	s15 =	sadd.s32 $0xFFFFFFF1, s29;
	s0 =	smul.u32 @!p0 $0x3E80, s0  }
0x61: {  	s13 =	sand.u32 $0xF, s15;
	s15 =	sshra.s32 @!p0 s30, $0x2;
	_ =	swait.ge [sflag:s26], $0xFA0  }
0x62: {  	s15 =	sadd.s32 @!p0 $0x900, s15;
	[sflag:s26] =	ssyncset.done $0x0;
	s0 =	sshrl.u32 @!p0 s0, $0x2  }
0x63: {  	s16 =	simm.s32 @!p0 $0x7D;
	[sflag:s26] =	ssyncadd.s32 $0xFFFFF060;
	s0 =	sadd.s32 @!p0 $0x5000, s0  }
0x64: {  	[tilespmem:s0], [sflag:$0x1] =	stream.indirect.gather @!p0 [hbm4b:s4+s16], $0x20, s15, s16, $0xb8;
	[tilespmem:$0x19A00] =	vst v63  }
0x65: {  	s16 =	smul.u32 $0x3E80, s13;
	p0 =	slt.u32 s31, $0x4C  }
.Ltmp0:
0x66: {  	_ = 	snop;
	(pc) =	sbr.rel @p0 .LBB2_2-.Ltmp0, $4  }
0x67: {  	s1 =	sadd.s32 $0x2980, s1;
	_ =	swait.ge [sflag:s25], $0xFA0  }
0x68: {  	s30 =	sadd.s32 $0x800, s30;
	[sflag:s25] =	ssyncset.done $0x0;
	s0 =	sshrl.u32 s16, $0x2  }
0x69: {  	s29 =	sadd.s32 $0x4, s29;
	[sflag:s25] =	ssyncadd.s32 $0xFFFFF060;
	s0 =	sadd.s32 $0x5000, s0  }
0x6a: {  	[spmem:s2] =	stream.indirect.scatter.add.f32 [tilespmem:s0], [sflag:$0x2], $0x20, s1, s14, $0xb8;
	[tilespmem:$0x19A00] =	vst v63  }
0x6b: {  	_ =	swait.ge [sflag:s26], $0xFA0  }
0x6c: {  	s28 =	sadd.s32 $0x1, s28;
	[sflag:s26] =	ssyncset.done $0x0  }
0x6d: {  	p0 =	sne.s32 s28, s10;
	[sflag:s26] =	ssyncadd.s32 $0xFFFFF060  }
.Ltmp1:
0x6e: {  	[bflag:$0x0] =	sbarrier.arrive $0xFFFF;
	(pc) =	sbr.rel @p0 .LBB2_1-.Ltmp1, $4  }
0x6f: {  	[hbm:s9], [sflag:s6] =	dma.local [spmem:s11], $0xA00  }
0x70: {  	_ =	swait.ge [sflag:s12], $0xA00  }
0x71: {  	[sflag:s12] =	ssyncset.done $0x0  }
0x72: {  	[sflag:s12] =	ssyncadd.s32 $0xFFFFF600  }
0x73: {  	_ =	sfence.sel $0x180000  }
0x74: {  	[bflag:$0x0] =	sbarrier.arrive $0xFFFF  }
0x75: {  	_ =	strace $0x9000004A  }
0x76: {  	s0 =	stileid.u32;
	[bflag:$0x2] =	sbarrier.arrive $0xFFFF  }
0x77: {  	p0 =	sne.s32 s0, $0x0;
	s0 =	rddreg [dreg:$0x2]  }
0x78: {  	s0 =	sadd.s32 @!p0 $0x100000, s0  }
0x79: {  	[sflag:s0] =	ssyncadd.tile.s32 @!p0 $0x1;
	_ =	shalt  }
.Lfunc_end2:
_tile_overlayer_lowered:
.L_overlay_start_2:
0x7a: {  	(tag) =	ssettag $0x2  }
0x7b: {  	s0 =	rddreg [dreg:$0x0];
	s2 =	stileid.u32  }
0x7c: {  	s1 =	rddreg [dreg:$0x1];
	p0 =	sne.s32 s2, $0x0  }
0x7d: {  	s3 =	rddreg [dreg:$0x2];
	[bflag:$0x3] =	sbarrier.arrive $0xFFFF;
	s2 =	simm.s32 @!p0 $0x1C03  }
0x7e: {  	[timem:s3], [sflag:s2] =	dma.local @!p0 [hbm:s0], s1  }
0x7f: {  	s0 =	simm.s32 @!p0 $0x3  }
0x80: {  	_ =	swait.ge @!p0 [sflag:s0], s1  }
0x81: {  	s1 =	ssub.s32 @!p0 $0x0, s1;
	[sflag:s0] =	ssyncset.done @!p0 $0x0  }
0x82: {  	[sflag:s0] =	ssyncadd.s32 @!p0 s1  }
0x83: {  	[bflag:$0x3] =	sbarrier.arrive $0xFFFF  }
0x84: {  	_ =	shalt  }

// kernel: kernel.14.cloned.1.call-start
scs
__scs_entry_jumppad:
0x0: {  	(pc) =	sbr.rel $0x88, $3  }
0x1: {  	(tag) =	ssettag $0x0;
	lr =	simm.s32 $0x1  }
0x2: {  	[smem:$0x3F9B] =	sst lr;
	_ =	strace $0xD0000000  }
0x3: {  	_ = 	snop  }
0x4: {  	_ = 	snop  }
0x5: {  	_ = 	snop  }
0x6: {  	_ = 	snop  }
0x7: {  	_ = 	snop  }
__scs_overlays_trampoline_lowered:
0x8: {  	[smem:$0x3FAA] =	sst s0  }
0x9: {  	[smem:$0x3FAB] =	sst s1  }
0xa: {  	[smem:$0x3FAC] =	sst s2  }
0xb: {  	[smem:$0x3FAD] =	sst s3  }
0xc: {  	[smem:$0x3FAE] =	sst s4  }
0xd: {  	[smem:$0x3FAF] =	sst s5  }
0xe: {  	[smem:$0x3FB0] =	sst s6  }
0xf: {  	[smem:$0x3FB1] =	sst s7  }
0x10: {  	[smem:$0x3FB2] =	sst s8  }
0x11: {  	[smem:$0x3FB3] =	sst s9;
	s0 =	simm.s32 @!p0 $0x0  }
0x12: {  	s1 =	sld [smem:$0x3F99];
	s0 =	simm.s32 @p0 $0x1  }
0x13: {  	[smem:$0x3FB4] =	sst s0;
	s0 =	simm.s32 @!p1 $0x0  }
0x14: {  	s2 =	sld [smem:$0x3F98];
	s0 =	simm.s32 @p1 $0x1  }
0x15: {  	[smem:$0x3FB5] =	sst s0;
	s0 =	simm.s32 @!p2 $0x0  }
0x16: {  	s3 =	sld [smem:$0x3FDB];
	s0 =	simm.s32 @p2 $0x1  }
0x17: {  	s4 =	simm.s32 $0x1BF5;
	[smem:$0x3FB7] =	sst s0  }
0x18: {  	s0 =	sld [smem:$0x3F9A];
	_ =	swait.ge [sflag:s4], $0x0  }
0x19: {  	s7 =	sld [smem:$0x3F9B]  }
0x1a: {  	s8 =	sadd.s32 $0xFFFFE003, lr  }
0x1b: {  	s9 =	sadd.s32 $0xFFFFFEF7, lr;
	s5 =	simm.s32 $0xFFFFFFFF;
	p2 =	slt.u32 s8, $0xFFFFF086  }
0x1c: {  	p1 =	slt.u32 s9, $0xF7A;
	s5 =	simm.s32 @!p2 $0x0  }
0x1d: {  	s5 =	simm.s32 @p1 $0x1;
	p0 =	seq.s32 s7, s2  }
0x1e: {  	s7 =	smul.u32 @!p0 $0xF7A, s2;
	p2 =	seq.s32 @!p0 s5, $0x0  }
0x1f: {  	s9 =	smul.u32 $0xF7A, s1;
	s8 =	simm.s32 @!p0 $0x1BF5;
	p2 =	por !p2, p0  }
0x20: {  	[sflag:s8] =	ssyncset.s32 @!p0 $0xFFFFF086;
	s6 =	sadd.s32 @!p0 s3, s7;
	s7 =	simm.s32 @!p0 $0x108  }
0x21: {  	s3 =	sadd.s32 s3, s9;
	s6 =	sadd.s32 @!p0 $0x88, s6;
	s7 =	simm.s32 @p2 $0x1082  }
0x22: {  	[simem:s7], [sflag:s8] =	dma.local @!p0 [hbm:s6], $0xF7A  }
0x23: {  	s9 =	sor.u32 $0xD0000000, s2;
	s6 =	simm.s32 $0x108;
	_ =	swait.ge @!p0 [sflag:s8], $0x0  }
0x24: {  	s3 =	sadd.s32 $0x88, s3;
	s6 =	simm.s32 @!p1 $0x1082;
	[sflag:s4] =	ssyncset.s32 $0xFFFFF086  }
0x25: {  	[simem:s6], [sflag:s4] =	dma.local [hbm:s3], $0xF7A  }
0x26: {  	[smem:$0x3F9B] =	sst s1;
	(tag) =	ssettag s2;
	_ =	strace s9  }
0x27: {  	s1 =	sld [smem:$0x3FAB]  }
0x28: {  	s2 =	sld [smem:$0x3FAC]  }
0x29: {  	s4 =	sld [smem:$0x3FAE]  }
0x2a: {  	p0 =	seq.s32 s5, $0x0;
	s5 =	sld [smem:$0x3FAF]  }
0x2b: {  	s6 =	sld [smem:$0x3FB0]  }
0x2c: {  	s7 =	sld [smem:$0x3FB1]  }
0x2d: {  	s3 =	simm.s32 $0x108;
	s8 =	sld [smem:$0x3FB2]  }
0x2e: {  	s3 =	simm.s32 @!p0 $0x1082;
	s9 =	sld [smem:$0x3FB3]  }
0x2f: {  	lr =	sadd.s32 s0, s3;
	s0 =	sld [smem:$0x3FAA]  }
0x30: {  	s3 =	sld [smem:$0x3FAD]  }
0x31: {  	[smem:$0x3FB6] =	sst s10  }
0x32: {  	s10 =	sld [smem:$0x3FB4];
	_ =	sdelay $0x3  }
0x33: {  	p0 =	seq.s32 s10, $0x1;
	s10 =	sld [smem:$0x3FB6];
	_ =	sdelay $0x3  }
0x34: {  	[smem:$0x3FB6] =	sst s10  }
0x35: {  	s10 =	sld [smem:$0x3FB5];
	_ =	sdelay $0x3  }
0x36: {  	p1 =	seq.s32 s10, $0x1;
	s10 =	sld [smem:$0x3FB6];
	_ =	sdelay $0x3  }
0x37: {  	[smem:$0x3FB6] =	sst s10  }
0x38: {  	s10 =	sld [smem:$0x3FB7]  }
0x39: {  	_ = 	snop;
	(pc) =	sbr.ind lr, $3  }
0x3a: {  	_ = 	snop  }
0x3b: {  	_ = 	snop  }
0x3c: {  	p2 =	seq.s32 s10, $0x1;
	s10 =	sld [smem:$0x3FB6]  }
0x3d: {  	_ =	shalt  }
0x3e: {  	_ =	shalt  }
0x3f: {  	_ =	shalt  }
0x40: {  	_ =	shalt  }
0x41: {  	_ =	shalt  }
0x42: {  	_ =	shalt  }
0x43: {  	_ =	shalt  }
0x44: {  	_ =	shalt  }
0x45: {  	_ =	shalt  }
0x46: {  	_ =	shalt  }
0x47: {  	_ =	shalt  }
0x48: {  	_ =	shalt  }
0x49: {  	_ =	shalt  }
0x4a: {  	_ =	shalt  }
0x4b: {  	_ =	shalt  }
0x4c: {  	_ =	shalt  }
0x4d: {  	_ =	shalt  }
0x4e: {  	_ =	shalt  }
0x4f: {  	_ =	shalt  }
0x50: {  	_ =	shalt  }
0x51: {  	_ =	shalt  }
0x52: {  	_ =	shalt  }
0x53: {  	_ =	shalt  }
0x54: {  	_ =	shalt  }
0x55: {  	_ =	shalt  }
0x56: {  	_ =	shalt  }
0x57: {  	_ =	shalt  }
0x58: {  	_ =	shalt  }
0x59: {  	_ =	shalt  }
0x5a: {  	_ =	shalt  }
0x5b: {  	_ =	shalt  }
0x5c: {  	_ =	shalt  }
0x5d: {  	_ =	shalt  }
0x5e: {  	_ =	shalt  }
0x5f: {  	_ =	shalt  }
0x60: {  	_ =	shalt  }
0x61: {  	_ =	shalt  }
0x62: {  	_ =	shalt  }
0x63: {  	_ =	shalt  }
0x64: {  	_ =	shalt  }
0x65: {  	_ =	shalt  }
0x66: {  	_ =	shalt  }
0x67: {  	_ =	shalt  }
0x68: {  	_ =	shalt  }
0x69: {  	_ =	shalt  }
0x6a: {  	_ =	shalt  }
0x6b: {  	_ =	shalt  }
0x6c: {  	_ =	shalt  }
0x6d: {  	_ =	shalt  }
0x6e: {  	_ =	shalt  }
0x6f: {  	_ =	shalt  }
0x70: {  	_ =	shalt  }
0x71: {  	_ =	shalt  }
0x72: {  	_ =	shalt  }
0x73: {  	_ =	shalt  }
0x74: {  	_ =	shalt  }
0x75: {  	_ =	shalt  }
0x76: {  	_ =	shalt  }
0x77: {  	_ =	shalt  }
0x78: {  	_ =	shalt  }
0x79: {  	_ =	shalt  }
0x7a: {  	_ =	shalt  }
0x7b: {  	_ =	shalt  }
0x7c: {  	_ =	shalt  }
0x7d: {  	_ =	shalt  }
0x7e: {  	_ =	shalt  }
0x7f: {  	_ =	shalt  }
0x80: {  	_ =	shalt  }
0x81: {  	_ =	shalt  }
0x82: {  	_ =	shalt  }
0x83: {  	_ =	shalt  }
0x84: {  	_ =	shalt  }
0x85: {  	_ =	shalt  }
0x86: {  	_ =	shalt  }
0x87: {  	_ =	shalt  }
.Lfunc_end0:
.L_simem_size_0:
called_computation.2_lowered:
.L_overlay_start_0:
0x88: {  	s2 =	sld [smem:$0x3FD9]  }
0x89: {  	s3 =	sld [smem:$0x3FFE];
	_ =	sdelay $0x1  }
0x8a: {  	s1 =	srdreg.scid  }
0x8b: {  	s0 =	sand.u32 $0x1, s1  }
0x8c: {  	s17 =	sshll.u32 s0, $0xA;
	s2 =	sadd.s32 s3, s2  }
0x8d: {  	s2 =	sadd.s32 s2, s17  }
0x8e: {  	[smem:$0x3FC2] =	sst s2  }
0x8f: {  	_ = 	snop  }
0x90: {  	s2 =	sld [smem:$0x3FD0];
	(tm) =	ssettm $0x1  }
0x91: {  	s18 =	sld [smem:$0x3FFB];
	_ =	sdelay $0x3  }
0x92: {  	_ =	strace s18  }
0x93: {  	s3 =	sld [smem:$0x3FFC];
	_ =	sdelay $0x3  }
0x94: {  	_ =	strace s3  }
0x95: {  	s3 =	sld [smem:$0x3FFD];
	_ =	sdelay $0x3  }
0x96: {  	_ =	strace s3  }
0x97: {  	_ =	strace $0x8FFFFFFF  }
0x98: {  	s19 =	sld [smem:$0x3FDB];
	_ =	sdelay $0x1  }
0x99: {  	s4 =	simm.s32 $_scs_section_size  }
0x9a: {  	s5 =	simm.s32 $_size__tile_overlayer_lowered;
	s6 =	simm.s32 $_tile_overlayer_lowered  }
0x9b: {  	s22 =	simm.s32 $0x1BFF;
	s21 =	sshll.u32 s6, $0x1;
	s3 =	sadd.s32 s4, s19  }
0x9c: {  	s7 =	simm.s32 $0x0;
	s20 =	sshll.u32 s5, $0x1;
	s5 =	sadd.s32 s21, s3  }
0x9d: {  	[timem:s7], [sflag:s22] =	dma.local [hbm:s5], s20  }
0x9e: {  	_ =	swait.ge [sflag:s22], s20  }
0x9f: {  	s4 =	ssub.s32 $0x0, s20;
	[sflag:s22] =	ssyncset.done $0x0  }
0xa0: {  	[sflag:s22] =	ssyncadd.s32 s4;
	_ =	sdelay $0x1  }
0xa1: {  	s23 =	simm.s32 $0x1B8B  }
0xa2: {  	_ =	swait.ge [sflag:s23], $0x1  }
0xa3: {  	[sflag:s23] =	ssyncset.done $0x0  }
0xa4: {  	s25 =	simm.s32 $0x1B8E;
	s24 =	sld [smem:$0x3FFE];
	[sflag:s23] =	ssyncadd.s32 $0xFFFFFFFF  }
0xa5: {  	s26 =	simm.s32 $execute0_lowered;
	[smem:$0x3FD2] =	sst s25  }
0xa6: {  	s5 =	sshll.u32 s26, $0x1;
	_ =	strace $0x8000004C;
	[dreg:$0x1] =	wrdreg $0xFFFFFFFF  }
0xa7: {  	s28 =	simm.s32 $_size_execute0_lowered;
	s3 =	sadd.s32 s3, s5;
	[dreg:$0x0] =	wrdreg $0x0  }
0xa8: {  	s5 =	sshll.u32 s28, $0x1;
	[dreg:$0x2] =	wrdreg s3  }
0xa9: {  	[dreg:$0x3] =	wrdreg s5  }
0xaa: {  	[dreg:$0x4] =	wrdreg $0xC0  }
0xab: {  	_ =	task [dreg:s7], $0x5FFFF  }
0xac: {  	[dreg:$0x1] =	wrdreg $0xFFFFFFFF  }
0xad: {  	[dreg:$0x0] =	wrdreg $0x60  }
0xae: {  	[dreg:$0x2] =	wrdreg s24  }
0xaf: {  	[dreg:$0x3] =	wrdreg s2  }
0xb0: {  	[dreg:$0x4] =	wrdreg $0xCD000  }
0xb1: {  	[dreg:$0x5] =	wrdreg $0x9  }
0xb2: {  	_ =	task.clear_ibuf [dreg:s7], $0x6FFFF;
	_ =	strace $0x9000004C  }
0xb3: {  	s29 =	simm.s32 $0x9;
	_ =	strace $0x8000004E  }
0xb4: {  	_ =	swait.ge [sflag:s29], $0x1  }
0xb5: {  	[sflag:s29] =	ssyncadd.s32 $0xFFFFFFFF  }
0xb6: {  	_ =	strace $0x9000004E  }
0xb7: {  	_ =	sfence  }
0xb8: {  	s30 =	sld [smem:$0x0];
	_ =	sdelay $0x2  }
0xb9: {  	s31 =	sshll.u32 s1, $0xD;
	s1 =	sshrl.u32 s1, $0x2  }
0xba: {  	s3 =	sand.u32 $0x4000, s31;
	s1 =	sadd.s32 s1, s30  }
0xbb: {  	s0 =	sor.u32 s3, s0;
	s1 =	sshll.u32 s1, $0x11  }
0xbc: {  	s0 =	sor.u32 s1, s0  }
0xbd: {  	s0 =	sadd.s32 $0x8F2B, s0  }
0xbe: {  	[sflag:s0] =	ssyncadd.remote.s32 $0x1  }
0xbf: {  	_ =	sfence.sel $0xFFFF  }
0xc0: {  	[dreg:$0x0] =	wrdreg $0xFFFFFFFF;
	(pc) =	sbr.abs _section_cstart, $3  }
0xc1: {  	[dreg:$0x1] =	wrdreg $0xFFFFFFFF  }
0xc2: {  	_ =	task.clear_ibuf [dreg:s7], $0x2FFFF;
	_ =	strace $0x9FFFFFFF  }
0xc3: {  	(tm) =	ssettm $0x7FFFFFFF  }
tec
execute0_lowered:
.L_overlay_start_1:
0x0: {  	(tag) =	ssettag $0x1  }
0x1: {  	s5 =	rddreg [dreg:$0x0]  }
0x2: {  	s0 =	srdreg.scid;
	s2 =	rddreg [dreg:$0x1]  }
0x3: {  	s10 =	stileid.u32;
	s3 =	rddreg [dreg:$0x2];
	s4 =	simm.s32 $0x0  }
0x4: {  	s12 =	simm.s32 $0x3;
	s14 =	simm.s32 $0x7D;
	s17 =	simm.s32 $0x580  }
0x5: {  	s18 =	simm.s32 $0xA5F0;
	s19 =	simm.s32 $0x600;
	s20 =	simm.s32 $0xADC0  }
0x6: {  	s21 =	simm.s32 $0x680;
	s22 =	simm.s32 $0xB590;
	s23 =	simm.s32 $0x700  }
0x7: {  	s24 =	simm.s32 $0xBD60;
	s25 =	simm.s32 $0x1;
	s26 =	simm.s32 $0x2  }
0x8: {  	s28 =	simm.s32 $0x0;
	s0 =	sand.u32 $0x1, s0;
	s1 =	sshll.u32 s10, $0x1  }
0x9: {  	s6 =	smul.u32 $0x2800, s10;
	[smem:$0x7FF] =	sst s4;
	s31 =	sshll.u32 s10, $0x6  }
0xa: {  	s1 =	sor.u32 s0, s1;
	s7 =	smul.u32 $0x28000, s0;
	_ =	strace $0x8000004D  }
0xb: {  	s0 =	ssub.s32 $0x2, s0;
	s1 =	smul.u32 $0x500, s1;
	s8 =	sshrl.u32 s6, $0x3  }
0xc: {  	s30 =	sshrl.u32 s0, $0x1;
	s11 =	sadd.s32 s6, s3;
	s7 =	sadd.s32 s6, s7  }
0xd: {  	s8 =	sadd.s32 s8, s5;
	s0 =	ssub.s32 s0, s30;
	s6 =	sor.u32 $0x1C03, s31  }
0xe: {  	s11 =	sshrl.u32 s11, $0x3;
	s1 =	sadd.s32 s1, s5;
	s7 =	sshrl.u32 s7, $0x3  }
0xf: {  	s10 =	smax.u32 s0, $0x1;
	s9 =	sadd.s32 s7, s5;
	s5 =	sadd.s32 $0x1800, s8  }
0x10: {  	s7 =	sadd.s32 $0x15600, s1;
	s8 =	sadd.s32 $0xB600, s1;
	s9 =	sadd.s32 $0x1F600, s9  }
.LBB2_1:
0x11: {  	[spmem:s11], [sflag:s6] =	dma.local [hbm:s5], $0x500  }
0x12: {  	_ =	swait.ge [sflag:s12], $0x500  }
0x13: {  	[sflag:s12] =	ssyncset.done $0x0  }
0x14: {  	[sflag:s12] =	ssyncadd.s32 $0xFFFFFB00  }
0x15: {  	[tilespmem:s4], [sflag:$0x3] =	stream.linear.gather [hbm4b:s7+s4], $0x2800, $0x38;
	[tilespmem:$0xF500] =	vst v63  }
0x16: {  	_ =	swait.ge [sflag:s12], $0x2800  }
0x17: {  	[sflag:s12] =	ssyncset.done $0x0  }
0x18: {  	s0 =	simm.s32 $0x2800;
	[sflag:s12] =	ssyncadd.s32 $0xFFFFD800  }
0x19: {  	[tilespmem:s0], [sflag:$0x3] =	stream.linear.gather [hbm4b:s8+s4], $0x2800, $0x38;
	[tilespmem:$0xF500] =	vst v63  }
0x1a: {  	_ =	swait.ge [sflag:s12], $0x2800  }
0x1b: {  	[sflag:s12] =	ssyncset.done $0x0  }
0x1c: {  	[sflag:s12] =	ssyncadd.s32 $0xFFFFD800  }
0x1d: {  	s13 =	simm.s32 $0x5000;
	[bflag:$0x0] =	sbarrier.arrive $0xFFFF  }
0x1e: {  	[tilespmem:s13], [sflag:$0x1] =	stream.indirect.gather [hbm4b:s2+s14], $0x10, s4, s14, $0xb8;
	[tilespmem:$0xF500] =	vst v63  }
0x1f: {  	s15 =	simm.s32 $0x80;
	s1 =	simm.s32 $0x57D0  }
0x20: {  	[tilespmem:s1], [sflag:$0x1] =	stream.indirect.gather [hbm4b:s2+s14], $0x10, s15, s14, $0xb8;
	[tilespmem:$0xF500] =	vst v63  }
0x21: {  	s16 =	simm.s32 $0x100;
	s31 =	simm.s32 $0x5FA0  }
0x22: {  	[tilespmem:s31], [sflag:$0x1] =	stream.indirect.gather [hbm4b:s2+s14], $0x10, s16, s14, $0xb8;
	[tilespmem:$0xF500] =	vst v63  }
0x23: {  	s13 =	simm.s32 $0x180;
	s15 =	simm.s32 $0x6770  }
0x24: {  	[tilespmem:s15], [sflag:$0x1] =	stream.indirect.gather [hbm4b:s2+s14], $0x10, s13, s14, $0xb8;
	[tilespmem:$0xF500] =	vst v63  }
0x25: {  	s16 =	simm.s32 $0x200;
	s31 =	simm.s32 $0x6F40  }
0x26: {  	[tilespmem:s31], [sflag:$0x1] =	stream.indirect.gather [hbm4b:s2+s14], $0x10, s16, s14, $0xb8;
	[tilespmem:$0xF500] =	vst v63  }
0x27: {  	s13 =	simm.s32 $0x280;
	s15 =	simm.s32 $0x7710  }
0x28: {  	[tilespmem:s15], [sflag:$0x1] =	stream.indirect.gather [hbm4b:s2+s14], $0x10, s13, s14, $0xb8;
	[tilespmem:$0xF500] =	vst v63  }
0x29: {  	s16 =	simm.s32 $0x300;
	s31 =	simm.s32 $0x7EE0  }
0x2a: {  	[tilespmem:s31], [sflag:$0x1] =	stream.indirect.gather [hbm4b:s2+s14], $0x10, s16, s14, $0xb8;
	[tilespmem:$0xF500] =	vst v63  }
0x2b: {  	s13 =	simm.s32 $0x380;
	s15 =	simm.s32 $0x86B0  }
0x2c: {  	[tilespmem:s15], [sflag:$0x1] =	stream.indirect.gather [hbm4b:s2+s14], $0x10, s13, s14, $0xb8;
	[tilespmem:$0xF500] =	vst v63  }
0x2d: {  	s16 =	simm.s32 $0x400;
	s31 =	simm.s32 $0x8E80  }
0x2e: {  	[tilespmem:s31], [sflag:$0x1] =	stream.indirect.gather [hbm4b:s2+s14], $0x10, s16, s14, $0xb8;
	[tilespmem:$0xF500] =	vst v63  }
0x2f: {  	s13 =	simm.s32 $0x480;
	s15 =	simm.s32 $0x9650  }
0x30: {  	[tilespmem:s15], [sflag:$0x1] =	stream.indirect.gather [hbm4b:s2+s14], $0x10, s13, s14, $0xb8;
	[tilespmem:$0xF500] =	vst v63  }
0x31: {  	s16 =	simm.s32 $0x500;
	s31 =	simm.s32 $0x9E20  }
0x32: {  	[tilespmem:s31], [sflag:$0x1] =	stream.indirect.gather [hbm4b:s2+s14], $0x10, s16, s14, $0xb8;
	[tilespmem:$0xF500] =	vst v63  }
0x33: {  	_ = 	snop  }
0x34: {  	[tilespmem:s18], [sflag:$0x1] =	stream.indirect.gather [hbm4b:s2+s14], $0x10, s17, s14, $0xb8;
	[tilespmem:$0xF500] =	vst v63  }
0x35: {  	_ = 	snop  }
0x36: {  	[tilespmem:s20], [sflag:$0x1] =	stream.indirect.gather [hbm4b:s2+s14], $0x10, s19, s14, $0xb8;
	[tilespmem:$0xF500] =	vst v63  }
0x37: {  	_ = 	snop  }
0x38: {  	[tilespmem:s22], [sflag:$0x1] =	stream.indirect.gather [hbm4b:s2+s14], $0x10, s21, s14, $0xb8;
	[tilespmem:$0xF500] =	vst v63  }
0x39: {  	s29 =	simm.s32 $0x12;
	s30 =	simm.s32 $0x0  }
0x3a: {  	[tilespmem:s24], [sflag:$0x1] =	stream.indirect.gather [hbm4b:s2+s14], $0x10, s23, s14, $0xb8;
	[tilespmem:$0xF500] =	vst v63  }
.LBB2_2:
0x3b: {  	p0 =	seq.s32 s29, $0x12;
	s31 =	sadd.s32 $0xFFFFFFEE, s29  }
0x3c: {  	p1 =	sgt.u32 @!p0 s31, $0x40  }
0x3d: {  	p1 =	por p0, !p1  }
0x3e: {  	s0 =	sadd.s32 @p1 $0xFFFFFFFD, s29  }
0x3f: {  	s1 =	simm.s32 @!p0 $0x2;
	s0 =	sand.u32 @p1 $0xF, s0  }
0x40: {  	_ =	swait.ge @!p0 [sflag:s1], $0x7D0;
	s0 =	smul.u32 @p1 $0x1F40, s0  }
0x41: {  	[sflag:s1] =	ssyncset.done @!p0 $0x0  }
0x42: {  	[sflag:s1] =	ssyncadd.s32 @!p0 $0xFFFFF830;
	s1 =	sshra.s32 s30, $0x2;
	s0 =	sshrl.u32 @p1 s0, $0x2  }
0x43: {  	s13 =	sadd.s32 @p1 $0x780, s1;
	s0 =	sadd.s32 @p1 $0x5000, s0  }
0x44: {  	[tilespmem:s0], [sflag:$0x1] =	stream.indirect.gather @p1 [hbm4b:s2+s14], $0x10, s13, s14, $0xb8;
	[tilespmem:$0xF500] =	vst v63  }
0x45: {  	s13 =	sand.u32 $0xC, s31  }
0x46: {  	s0 =	smul.u32 $0x1F40, s13  }
0x47: {  	_ =	swait.ge [sflag:s25], $0x7D0  }
0x48: {  	s16 =	sadd.s32 $0xFFFFFFFF, s29;
	[sflag:s25] =	ssyncset.done $0x0;
	s0 =	sshrl.u32 s0, $0x2  }
0x49: {  	s15 =	sadd.s32 $0x2800, s1;
	[sflag:s25] =	ssyncadd.s32 $0xFFFFF830;
	s0 =	sadd.s32 $0x5000, s0  }
0x4a: {  	[spmem:s3] =	stream.indirect.scatter.add.f32 [tilespmem:s0], [sflag:$0x2], $0x10, s15, s14, $0xb8;
	[tilespmem:$0xF500] =	vst v63  }
0x4b: {  	p0 =	sgt.u32 s31, $0x3F;
	s13 =	sand.u32 $0xD, s16;
	_ =	swait.ge [sflag:s26], $0x7D0  }
0x4c: {  	s16 =	simm.s32 @!p0 $0x7D;
	s15 =	sshra.s32 @!p0 s30, $0x2;
	[sflag:s26] =	ssyncset.done $0x0  }
0x4d: {  	s13 =	smul.u32 $0x1F40, s13;
	s15 =	sadd.s32 @!p0 $0x800, s15;
	[sflag:s26] =	ssyncadd.s32 $0xFFFFF830  }
0x4e: {  	[tilespmem:s0], [sflag:$0x1] =	stream.indirect.gather @!p0 [hbm4b:s2+s16], $0x10, s15, s16, $0xb8;
	[tilespmem:$0xF500] =	vst v63  }
0x4f: {  	_ =	swait.ge [sflag:s25], $0x7D0  }
0x50: {  	s0 =	sshrl.u32 s13, $0x2;
	s15 =	sadd.s32 $0x2880, s1;
	[sflag:s25] =	ssyncset.done $0x0  }
0x51: {  	p0 =	sgt.u32 s31, $0x3E;
	s0 =	sadd.s32 $0x5000, s0;
	[sflag:s25] =	ssyncadd.s32 $0xFFFFF830  }
0x52: {  	[spmem:s3] =	stream.indirect.scatter.add.f32 [tilespmem:s0], [sflag:$0x2], $0x10, s15, s14, $0xb8;
	[tilespmem:$0xF500] =	vst v63  }
0x53: {  	s0 =	sadd.s32 @!p0 $0xFFFFFFFF, s29  }
0x54: {  	s0 =	sand.u32 @!p0 $0xD, s0  }
0x55: {  	s16 =	sadd.s32 $0xFFFFFFF0, s29;
	s0 =	smul.u32 @!p0 $0x1F40, s0  }
0x56: {  	s13 =	sand.u32 $0xE, s16;
	s16 =	simm.s32 @!p0 $0x7D;
	_ =	swait.ge [sflag:s26], $0x7D0  }
0x57: {  	s15 =	sshra.s32 @!p0 s30, $0x2;
	[sflag:s26] =	ssyncset.done $0x0;
	s0 =	sshrl.u32 @!p0 s0, $0x2  }
0x58: {  	s15 =	sadd.s32 @!p0 $0x880, s15;
	[sflag:s26] =	ssyncadd.s32 $0xFFFFF830;
	s0 =	sadd.s32 @!p0 $0x5000, s0  }
0x59: {  	[tilespmem:s0], [sflag:$0x1] =	stream.indirect.gather @!p0 [hbm4b:s2+s16], $0x10, s15, s16, $0xb8;
	[tilespmem:$0xF500] =	vst v63  }
0x5a: {  	s15 =	smul.u32 $0x1F40, s13  }
0x5b: {  	_ =	swait.ge [sflag:s25], $0x7D0  }
0x5c: {  	s16 =	sadd.s32 $0x2900, s1;
	[sflag:s25] =	ssyncset.done $0x0;
	s0 =	sshrl.u32 s15, $0x2  }
0x5d: {  	p0 =	sgt.u32 s31, $0x3D;
	[sflag:s25] =	ssyncadd.s32 $0xFFFFF830;
	s0 =	sadd.s32 $0x5000, s0  }
0x5e: {  	[spmem:s3] =	stream.indirect.scatter.add.f32 [tilespmem:s0], [sflag:$0x2], $0x10, s16, s14, $0xb8;
	[tilespmem:$0xF500] =	vst v63  }
0x5f: {  	s0 =	sand.u32 @!p0 $0xE, s29  }
0x60: {  	s15 =	sadd.s32 $0xFFFFFFF1, s29;
	s0 =	smul.u32 @!p0 $0x1F40, s0  }
0x61: {  	s13 =	sand.u32 $0xF, s15;
	s15 =	sshra.s32 @!p0 s30, $0x2;
	_ =	swait.ge [sflag:s26], $0x7D0  }
0x62: {  	s15 =	sadd.s32 @!p0 $0x900, s15;
	[sflag:s26] =	ssyncset.done $0x0;
	s0 =	sshrl.u32 @!p0 s0, $0x2  }
0x63: {  	s16 =	simm.s32 @!p0 $0x7D;
	[sflag:s26] =	ssyncadd.s32 $0xFFFFF830;
	s0 =	sadd.s32 @!p0 $0x5000, s0  }
0x64: {  	[tilespmem:s0], [sflag:$0x1] =	stream.indirect.gather @!p0 [hbm4b:s2+s16], $0x10, s15, s16, $0xb8;
	[tilespmem:$0xF500] =	vst v63  }
0x65: {  	s16 =	smul.u32 $0x1F40, s13;
	p0 =	slt.u32 s31, $0x4C  }
.Ltmp0:
0x66: {  	_ = 	snop;
	(pc) =	sbr.rel @p0 .LBB2_2-.Ltmp0, $4  }
0x67: {  	s1 =	sadd.s32 $0x2980, s1;
	_ =	swait.ge [sflag:s25], $0x7D0  }
0x68: {  	s30 =	sadd.s32 $0x800, s30;
	[sflag:s25] =	ssyncset.done $0x0;
	s0 =	sshrl.u32 s16, $0x2  }
0x69: {  	s29 =	sadd.s32 $0x4, s29;
	[sflag:s25] =	ssyncadd.s32 $0xFFFFF830;
	s0 =	sadd.s32 $0x5000, s0  }
0x6a: {  	[spmem:s3] =	stream.indirect.scatter.add.f32 [tilespmem:s0], [sflag:$0x2], $0x10, s1, s14, $0xb8;
	[tilespmem:$0xF500] =	vst v63  }
0x6b: {  	_ =	swait.ge [sflag:s26], $0x7D0  }
0x6c: {  	s28 =	sadd.s32 $0x1, s28;
	[sflag:s26] =	ssyncset.done $0x0  }
0x6d: {  	p0 =	sne.s32 s28, s10;
	[sflag:s26] =	ssyncadd.s32 $0xFFFFF830  }
.Ltmp1:
0x6e: {  	[bflag:$0x0] =	sbarrier.arrive $0xFFFF;
	(pc) =	sbr.rel @p0 .LBB2_1-.Ltmp1, $4  }
0x6f: {  	[hbm:s9], [sflag:s6] =	dma.local [spmem:s11], $0x500  }
0x70: {  	_ =	swait.ge [sflag:s12], $0x500  }
0x71: {  	[sflag:s12] =	ssyncset.done $0x0  }
0x72: {  	[sflag:s12] =	ssyncadd.s32 $0xFFFFFB00  }
0x73: {  	_ =	sfence.sel $0x180000  }
0x74: {  	[bflag:$0x0] =	sbarrier.arrive $0xFFFF  }
0x75: {  	_ =	strace $0x9000004D  }
0x76: {  	s0 =	stileid.u32;
	[bflag:$0x2] =	sbarrier.arrive $0xFFFF  }
0x77: {  	p0 =	sne.s32 s0, $0x0;
	s0 =	rddreg [dreg:$0x3]  }
0x78: {  	s0 =	sadd.s32 @!p0 $0x100000, s0  }
0x79: {  	[sflag:s0] =	ssyncadd.tile.s32 @!p0 $0x1;
	_ =	shalt  }
.Lfunc_end2:
_tile_overlayer_lowered:
.L_overlay_start_2:
0x7a: {  	(tag) =	ssettag $0x2  }
0x7b: {  	s0 =	rddreg [dreg:$0x0];
	s2 =	stileid.u32  }
0x7c: {  	s1 =	rddreg [dreg:$0x1];
	p0 =	sne.s32 s2, $0x0  }
0x7d: {  	s3 =	rddreg [dreg:$0x2];
	[bflag:$0x3] =	sbarrier.arrive $0xFFFF;
	s2 =	simm.s32 @!p0 $0x1C03  }
0x7e: {  	[timem:s3], [sflag:s2] =	dma.local @!p0 [hbm:s0], s1  }
0x7f: {  	s0 =	simm.s32 @!p0 $0x3  }
0x80: {  	_ =	swait.ge @!p0 [sflag:s0], s1  }
0x81: {  	s1 =	ssub.s32 @!p0 $0x0, s1;
	[sflag:s0] =	ssyncset.done @!p0 $0x0  }
0x82: {  	[sflag:s0] =	ssyncadd.s32 @!p0 s1  }
0x83: {  	[bflag:$0x3] =	sbarrier.arrive $0xFFFF  }
0x84: {  	_ =	shalt  }

// kernel: kernel.8.cloned.1.call-start
scs
__scs_entry_jumppad:
0x0: {  	(pc) =	sbr.rel $0x88, $3  }
0x1: {  	(tag) =	ssettag $0x0;
	lr =	simm.s32 $0x1  }
0x2: {  	[smem:$0x3F9B] =	sst lr;
	_ =	strace $0xD0000000  }
0x3: {  	_ = 	snop  }
0x4: {  	_ = 	snop  }
0x5: {  	_ = 	snop  }
0x6: {  	_ = 	snop  }
0x7: {  	_ = 	snop  }
__scs_overlays_trampoline_lowered:
0x8: {  	[smem:$0x3FAA] =	sst s0  }
0x9: {  	[smem:$0x3FAB] =	sst s1  }
0xa: {  	[smem:$0x3FAC] =	sst s2  }
0xb: {  	[smem:$0x3FAD] =	sst s3  }
0xc: {  	[smem:$0x3FAE] =	sst s4  }
0xd: {  	[smem:$0x3FAF] =	sst s5  }
0xe: {  	[smem:$0x3FB0] =	sst s6  }
0xf: {  	[smem:$0x3FB1] =	sst s7  }
0x10: {  	[smem:$0x3FB2] =	sst s8  }
0x11: {  	[smem:$0x3FB3] =	sst s9;
	s0 =	simm.s32 @!p0 $0x0  }
0x12: {  	s1 =	sld [smem:$0x3F99];
	s0 =	simm.s32 @p0 $0x1  }
0x13: {  	[smem:$0x3FB4] =	sst s0;
	s0 =	simm.s32 @!p1 $0x0  }
0x14: {  	s2 =	sld [smem:$0x3F98];
	s0 =	simm.s32 @p1 $0x1  }
0x15: {  	[smem:$0x3FB5] =	sst s0;
	s0 =	simm.s32 @!p2 $0x0  }
0x16: {  	s3 =	sld [smem:$0x3FDB];
	s0 =	simm.s32 @p2 $0x1  }
0x17: {  	s4 =	simm.s32 $0x1BF5;
	[smem:$0x3FB7] =	sst s0  }
0x18: {  	s0 =	sld [smem:$0x3F9A];
	_ =	swait.ge [sflag:s4], $0x0  }
0x19: {  	s7 =	sld [smem:$0x3F9B]  }
0x1a: {  	s8 =	sadd.s32 $0xFFFFE003, lr  }
0x1b: {  	s9 =	sadd.s32 $0xFFFFFEF7, lr;
	s5 =	simm.s32 $0xFFFFFFFF;
	p2 =	slt.u32 s8, $0xFFFFF086  }
0x1c: {  	p1 =	slt.u32 s9, $0xF7A;
	s5 =	simm.s32 @!p2 $0x0  }
0x1d: {  	s5 =	simm.s32 @p1 $0x1;
	p0 =	seq.s32 s7, s2  }
0x1e: {  	s7 =	smul.u32 @!p0 $0xF7A, s2;
	p2 =	seq.s32 @!p0 s5, $0x0  }
0x1f: {  	s9 =	smul.u32 $0xF7A, s1;
	s8 =	simm.s32 @!p0 $0x1BF5;
	p2 =	por !p2, p0  }
0x20: {  	[sflag:s8] =	ssyncset.s32 @!p0 $0xFFFFF086;
	s6 =	sadd.s32 @!p0 s3, s7;
	s7 =	simm.s32 @!p0 $0x108  }
0x21: {  	s3 =	sadd.s32 s3, s9;
	s6 =	sadd.s32 @!p0 $0x88, s6;
	s7 =	simm.s32 @p2 $0x1082  }
0x22: {  	[simem:s7], [sflag:s8] =	dma.local @!p0 [hbm:s6], $0xF7A  }
0x23: {  	s9 =	sor.u32 $0xD0000000, s2;
	s6 =	simm.s32 $0x108;
	_ =	swait.ge @!p0 [sflag:s8], $0x0  }
0x24: {  	s3 =	sadd.s32 $0x88, s3;
	s6 =	simm.s32 @!p1 $0x1082;
	[sflag:s4] =	ssyncset.s32 $0xFFFFF086  }
0x25: {  	[simem:s6], [sflag:s4] =	dma.local [hbm:s3], $0xF7A  }
0x26: {  	[smem:$0x3F9B] =	sst s1;
	(tag) =	ssettag s2;
	_ =	strace s9  }
0x27: {  	s1 =	sld [smem:$0x3FAB]  }
0x28: {  	s2 =	sld [smem:$0x3FAC]  }
0x29: {  	s4 =	sld [smem:$0x3FAE]  }
0x2a: {  	p0 =	seq.s32 s5, $0x0;
	s5 =	sld [smem:$0x3FAF]  }
0x2b: {  	s6 =	sld [smem:$0x3FB0]  }
0x2c: {  	s7 =	sld [smem:$0x3FB1]  }
0x2d: {  	s3 =	simm.s32 $0x108;
	s8 =	sld [smem:$0x3FB2]  }
0x2e: {  	s3 =	simm.s32 @!p0 $0x1082;
	s9 =	sld [smem:$0x3FB3]  }
0x2f: {  	lr =	sadd.s32 s0, s3;
	s0 =	sld [smem:$0x3FAA]  }
0x30: {  	s3 =	sld [smem:$0x3FAD]  }
0x31: {  	[smem:$0x3FB6] =	sst s10  }
0x32: {  	s10 =	sld [smem:$0x3FB4];
	_ =	sdelay $0x3  }
0x33: {  	p0 =	seq.s32 s10, $0x1;
	s10 =	sld [smem:$0x3FB6];
	_ =	sdelay $0x3  }
0x34: {  	[smem:$0x3FB6] =	sst s10  }
0x35: {  	s10 =	sld [smem:$0x3FB5];
	_ =	sdelay $0x3  }
0x36: {  	p1 =	seq.s32 s10, $0x1;
	s10 =	sld [smem:$0x3FB6];
	_ =	sdelay $0x3  }
0x37: {  	[smem:$0x3FB6] =	sst s10  }
0x38: {  	s10 =	sld [smem:$0x3FB7]  }
0x39: {  	_ = 	snop;
	(pc) =	sbr.ind lr, $3  }
0x3a: {  	_ = 	snop  }
0x3b: {  	_ = 	snop  }
0x3c: {  	p2 =	seq.s32 s10, $0x1;
	s10 =	sld [smem:$0x3FB6]  }
0x3d: {  	_ =	shalt  }
0x3e: {  	_ =	shalt  }
0x3f: {  	_ =	shalt  }
0x40: {  	_ =	shalt  }
0x41: {  	_ =	shalt  }
0x42: {  	_ =	shalt  }
0x43: {  	_ =	shalt  }
0x44: {  	_ =	shalt  }
0x45: {  	_ =	shalt  }
0x46: {  	_ =	shalt  }
0x47: {  	_ =	shalt  }
0x48: {  	_ =	shalt  }
0x49: {  	_ =	shalt  }
0x4a: {  	_ =	shalt  }
0x4b: {  	_ =	shalt  }
0x4c: {  	_ =	shalt  }
0x4d: {  	_ =	shalt  }
0x4e: {  	_ =	shalt  }
0x4f: {  	_ =	shalt  }
0x50: {  	_ =	shalt  }
0x51: {  	_ =	shalt  }
0x52: {  	_ =	shalt  }
0x53: {  	_ =	shalt  }
0x54: {  	_ =	shalt  }
0x55: {  	_ =	shalt  }
0x56: {  	_ =	shalt  }
0x57: {  	_ =	shalt  }
0x58: {  	_ =	shalt  }
0x59: {  	_ =	shalt  }
0x5a: {  	_ =	shalt  }
0x5b: {  	_ =	shalt  }
0x5c: {  	_ =	shalt  }
0x5d: {  	_ =	shalt  }
0x5e: {  	_ =	shalt  }
0x5f: {  	_ =	shalt  }
0x60: {  	_ =	shalt  }
0x61: {  	_ =	shalt  }
0x62: {  	_ =	shalt  }
0x63: {  	_ =	shalt  }
0x64: {  	_ =	shalt  }
0x65: {  	_ =	shalt  }
0x66: {  	_ =	shalt  }
0x67: {  	_ =	shalt  }
0x68: {  	_ =	shalt  }
0x69: {  	_ =	shalt  }
0x6a: {  	_ =	shalt  }
0x6b: {  	_ =	shalt  }
0x6c: {  	_ =	shalt  }
0x6d: {  	_ =	shalt  }
0x6e: {  	_ =	shalt  }
0x6f: {  	_ =	shalt  }
0x70: {  	_ =	shalt  }
0x71: {  	_ =	shalt  }
0x72: {  	_ =	shalt  }
0x73: {  	_ =	shalt  }
0x74: {  	_ =	shalt  }
0x75: {  	_ =	shalt  }
0x76: {  	_ =	shalt  }
0x77: {  	_ =	shalt  }
0x78: {  	_ =	shalt  }
0x79: {  	_ =	shalt  }
0x7a: {  	_ =	shalt  }
0x7b: {  	_ =	shalt  }
0x7c: {  	_ =	shalt  }
0x7d: {  	_ =	shalt  }
0x7e: {  	_ =	shalt  }
0x7f: {  	_ =	shalt  }
0x80: {  	_ =	shalt  }
0x81: {  	_ =	shalt  }
0x82: {  	_ =	shalt  }
0x83: {  	_ =	shalt  }
0x84: {  	_ =	shalt  }
0x85: {  	_ =	shalt  }
0x86: {  	_ =	shalt  }
0x87: {  	_ =	shalt  }
.Lfunc_end0:
.L_simem_size_0:
called_computation_lowered:
.L_overlay_start_0:
0x88: {  	s2 =	sld [smem:$0x3FD9]  }
0x89: {  	s3 =	sld [smem:$0x3FFE];
	_ =	sdelay $0x1  }
0x8a: {  	s1 =	srdreg.scid  }
0x8b: {  	s0 =	sand.u32 $0x1, s1  }
0x8c: {  	s17 =	sshll.u32 s0, $0xA;
	s2 =	sadd.s32 s3, s2  }
0x8d: {  	s2 =	sadd.s32 s2, s17  }
0x8e: {  	[smem:$0x3FC2] =	sst s2  }
0x8f: {  	_ = 	snop  }
0x90: {  	s2 =	sld [smem:$0x3FD0];
	(tm) =	ssettm $0x1  }
0x91: {  	s18 =	sld [smem:$0x3FFB];
	_ =	sdelay $0x3  }
0x92: {  	_ =	strace s18  }
0x93: {  	s3 =	sld [smem:$0x3FFC];
	_ =	sdelay $0x3  }
0x94: {  	_ =	strace s3  }
0x95: {  	s3 =	sld [smem:$0x3FFD];
	_ =	sdelay $0x3  }
0x96: {  	_ =	strace s3  }
0x97: {  	_ =	strace $0x8FFFFFFF  }
0x98: {  	s19 =	sld [smem:$0x3FDB];
	_ =	sdelay $0x1  }
0x99: {  	s4 =	simm.s32 $_scs_section_size  }
0x9a: {  	s5 =	simm.s32 $_size__tile_overlayer_lowered;
	s6 =	simm.s32 $_tile_overlayer_lowered  }
0x9b: {  	s22 =	simm.s32 $0x1BFF;
	s21 =	sshll.u32 s6, $0x1;
	s3 =	sadd.s32 s4, s19  }
0x9c: {  	s7 =	simm.s32 $0x0;
	s20 =	sshll.u32 s5, $0x1;
	s5 =	sadd.s32 s21, s3  }
0x9d: {  	[timem:s7], [sflag:s22] =	dma.local [hbm:s5], s20  }
0x9e: {  	_ =	swait.ge [sflag:s22], s20  }
0x9f: {  	s4 =	ssub.s32 $0x0, s20;
	[sflag:s22] =	ssyncset.done $0x0  }
0xa0: {  	[sflag:s22] =	ssyncadd.s32 s4;
	_ =	sdelay $0x1  }
0xa1: {  	s23 =	simm.s32 $0x1B8B  }
0xa2: {  	_ =	swait.ge [sflag:s23], $0x1  }
0xa3: {  	[sflag:s23] =	ssyncset.done $0x0  }
0xa4: {  	s25 =	simm.s32 $0x1B8E;
	s24 =	sld [smem:$0x3FFE];
	[sflag:s23] =	ssyncadd.s32 $0xFFFFFFFF  }
0xa5: {  	s26 =	simm.s32 $execute0_lowered;
	[smem:$0x3FD2] =	sst s25  }
0xa6: {  	s5 =	sshll.u32 s26, $0x1;
	_ =	strace $0x80000046;
	[dreg:$0x1] =	wrdreg $0xFFFFFFFF  }
0xa7: {  	s28 =	simm.s32 $_size_execute0_lowered;
	s3 =	sadd.s32 s3, s5;
	[dreg:$0x0] =	wrdreg $0x0  }
0xa8: {  	s5 =	sshll.u32 s28, $0x1;
	[dreg:$0x2] =	wrdreg s3  }
0xa9: {  	[dreg:$0x3] =	wrdreg s5  }
0xaa: {  	[dreg:$0x4] =	wrdreg $0xC0  }
0xab: {  	_ =	task [dreg:s7], $0x5FFFF  }
0xac: {  	[dreg:$0x1] =	wrdreg $0xFFFFFFFF  }
0xad: {  	[dreg:$0x0] =	wrdreg $0x60  }
0xae: {  	[dreg:$0x2] =	wrdreg s24  }
0xaf: {  	[dreg:$0x3] =	wrdreg s2  }
0xb0: {  	[dreg:$0x4] =	wrdreg $0x54800  }
0xb1: {  	[dreg:$0x5] =	wrdreg $0x9  }
0xb2: {  	_ =	task.clear_ibuf [dreg:s7], $0x6FFFF;
	_ =	strace $0x90000046  }
0xb3: {  	s29 =	simm.s32 $0x9;
	_ =	strace $0x80000048  }
0xb4: {  	_ =	swait.ge [sflag:s29], $0x1  }
0xb5: {  	[sflag:s29] =	ssyncadd.s32 $0xFFFFFFFF  }
0xb6: {  	_ =	strace $0x90000048  }
0xb7: {  	_ =	sfence  }
0xb8: {  	s30 =	sld [smem:$0x0];
	_ =	sdelay $0x2  }
0xb9: {  	s31 =	sshll.u32 s1, $0xD;
	s1 =	sshrl.u32 s1, $0x2  }
0xba: {  	s3 =	sand.u32 $0x4000, s31;
	s1 =	sadd.s32 s1, s30  }
0xbb: {  	s0 =	sor.u32 s3, s0;
	s1 =	sshll.u32 s1, $0x11  }
0xbc: {  	s0 =	sor.u32 s1, s0  }
0xbd: {  	s0 =	sadd.s32 $0x8F2B, s0  }
0xbe: {  	[sflag:s0] =	ssyncadd.remote.s32 $0x1  }
0xbf: {  	_ =	sfence.sel $0xFFFF  }
0xc0: {  	[dreg:$0x0] =	wrdreg $0xFFFFFFFF;
	(pc) =	sbr.abs _section_cstart, $3  }
0xc1: {  	[dreg:$0x1] =	wrdreg $0xFFFFFFFF  }
0xc2: {  	_ =	task.clear_ibuf [dreg:s7], $0x2FFFF;
	_ =	strace $0x9FFFFFFF  }
0xc3: {  	(tm) =	ssettm $0x7FFFFFFF  }
tec
execute0_lowered:
.L_overlay_start_1:
0x0: {  	(tag) =	ssettag $0x1  }
0x1: {  	s3 =	rddreg [dreg:$0x0]  }
0x2: {  	s6 =	rddreg [dreg:$0x1];
	s1 =	srdreg.scid  }
0x3: {  	s0 =	stileid.u32;
	s5 =	rddreg [dreg:$0x2];
	s2 =	simm.s32 $0x0  }
0x4: {  	s12 =	simm.s32 $0x80;
	s13 =	simm.s32 $0x5200;
	s14 =	simm.s32 $0x100  }
0x5: {  	s15 =	simm.s32 $0x0;
	s4 =	sand.u32 $0x1, s1;
	s1 =	rddreg [dreg:$0x3]  }
0x6: {  	s7 =	sshll.u32 s0, $0x1;
	[smem:$0x7FF] =	sst s2;
	s28 =	smul.u32 $0x500, s0  }
0x7: {  	s9 =	sshrl.u32 s0, $0x3;
	s10 =	sshll.u32 s0, $0x7;
	s11 =	smul.u32 $0x5000, s0  }
0x8: {  	s7 =	sor.u32 s4, s7;
	_ =	strace $0x80000047;
	s8 =	ssub.s32 $0x2, s4  }
0x9: {  	s9 =	smul.u32 $0x50000, s9;
	s4 =	sshll.u32 s4, $0x7;
	s10 =	sand.u32 $0x380, s10  }
0xa: {  	s7 =	smul.u32 $0x4E2, s7;
	s26 =	sshrl.u32 s8, $0x1;
	s4 =	sor.u32 s4, s28  }
0xb: {  	s30 =	sshrl.u32 s11, $0x2;
	s11 =	simm.s32 $0x4F80;
	s9 =	sshrl.u32 s9, $0x2  }
0xc: {  	s31 =	sshrl.u32 s4, $0x3;
	s3 =	sadd.s32 s7, s3;
	s7 =	ssub.s32 s8, s26  }
0xd: {  	s29 =	sadd.s32 s9, s5;
	s5 =	sadd.s32 s30, s5;
	s6 =	sadd.s32 s6, s31  }
0xe: {  	s8 =	simm.s32 $0x1;
	s9 =	simm.s32 $0x2780;
	s3 =	sadd.s32 $0x1800, s3  }
0xf: {  	v0 =	vimm.f32 $0.0e+00;
	s4 =	sadd.s32 s10, s29;
	s7 =	smax.u32 s7, $0x1;
	s10 =	simm.s32 $0x400  }
.LBB2_1:
0x10: {  	[tilespmem:s2], [sflag:$0x1] =	stream.linear.gather [hbm4b:s3+s2], $0x2710, $0x38;
	[tilespmem:$0x7C80] =	vst v63  }
0x11: {  	_ =	swait.ge [sflag:s8], $0x2710  }
0x12: {  	[sflag:s8] =	ssyncset.done $0x0  }
0x13: {  	s18 =	simm.s32 $0x27C0;
	[sflag:s8] =	ssyncadd.s32 $0xFFFFD8F0  }
0x14: {  	[tilespmem:s18+$0xFFFFFFC0] =	vst v0  }
0x15: {  	[tilespmem:s18+$0x30] =	vst v0  }
0x16: {  	[tilespmem:s18+$0x20] =	vst v0  }
0x17: {  	[tilespmem:s18+$0x10] =	vst v0  }
0x18: {  	[tilespmem:s18+$0x0] =	vst v0  }
0x19: {  	[tilespmem:s18+$0xFFFFFFF0] =	vst v0  }
0x1a: {  	s19 =	simm.s32 $0x0;
	s16 =	simm.s32 $0x20;
	[tilespmem:s18+$0xFFFFFFE0] =	vst v0  }
.LBB2_2:
0x1b: {  	s19 =	sadd.s32 $0x8, s19;
	[tilespmem:s18+$0xFFFFFFD0] =	vst v0;
	s18 =	sadd.s32 $0x80, s18;
	s17 =	simm.s32 $0xFFFFFFFC  }
0x1c: {  	[tilespmem:s18+$0xFFFFFFC0] =	vst v0;
	p0 =	slt.u32 s19, $0x278  }
0x1d: {  	[tilespmem:s18+$0x30] =	vst v0  }
.Ltmp0:
0x1e: {  	[tilespmem:s18+$0x20] =	vst v0;
	(pc) =	sbr.rel @p0 .LBB2_2-.Ltmp0, $4  }
0x1f: {  	[tilespmem:s18+$0x10] =	vst v0  }
0x20: {  	[tilespmem:s18+$0x0] =	vst v0  }
0x21: {  	[tilespmem:s18+$0xFFFFFFF0] =	vst v0  }
0x22: {  	[tilespmem:s18+$0xFFFFFFE0] =	vst v0  }
0x23: {  	[tilespmem:s18+$0xFFFFFFD0] =	vst v0  }
.LBB2_4:
0x24: {  	v1 =	vld [tilespmem:s16+$0xFFFFFFE0];
	_ =	sdelay $0x4  }
0x25: {  	(xrf1) =	vunique.msk.u32 $0xffff, v1;
	_ =	sdelay $0xd  }
0x26: {  	_, v2, vm0 =	vpop (xrf1);
	_ =	sdelay $0x3  }
0x27: {  	v2 =	vcvt.s32.f32 v2;
	_ =	sdelay $0x1  }
0x28: {  	[tilespmem:v1+s9+$0x0] =	vst.idx.add.f32.msk vm0, v2  }
0x29: {  	v1 =	vld [tilespmem:s16+$0xFFFFFFF0];
	_ =	sdelay $0x4  }
0x2a: {  	(xrf1) =	vunique.msk.u32 $0xffff, v1;
	_ =	sdelay $0xd  }
0x2b: {  	_, v2, vm0 =	vpop (xrf1);
	_ =	sdelay $0x3  }
0x2c: {  	v2 =	vcvt.s32.f32 v2;
	_ =	sdelay $0x1  }
0x2d: {  	[tilespmem:v1+s9+$0x0] =	vst.idx.add.f32.msk vm0, v2  }
0x2e: {  	v1 =	vld [tilespmem:s16+$0x0];
	_ =	sdelay $0x4  }
0x2f: {  	(xrf1) =	vunique.msk.u32 $0xffff, v1;
	_ =	sdelay $0xd  }
0x30: {  	_, v2, vm0 =	vpop (xrf1);
	_ =	sdelay $0x3  }
0x31: {  	v2 =	vcvt.s32.f32 v2;
	_ =	sdelay $0x1  }
0x32: {  	[tilespmem:v1+s9+$0x0] =	vst.idx.add.f32.msk vm0, v2  }
0x33: {  	v1 =	vld [tilespmem:s16+$0x10];
	_ =	sdelay $0x4  }
0x34: {  	(xrf1) =	vunique.msk.u32 $0xffff, v1;
	_ =	sdelay $0xd  }
0x35: {  	s17 =	sadd.s32 $0x4, s17;
	_, v2, vm0 =	vpop (xrf1)  }
0x36: {  	p0 =	slt.u32 s17, $0x26C  }
.Ltmp1:
0x37: {  	_ = 	snop;
	(pc) =	sbr.rel @p0 .LBB2_4-.Ltmp1, $3  }
0x38: {  	_ = 	snop  }
0x39: {  	v2 =	vcvt.s32.f32 v2;
	_ =	sdelay $0x1  }
0x3a: {  	s16 =	sadd.s32 $0x40, s16;
	[tilespmem:v1+s9+$0x0] =	vst.idx.add.f32.msk vm0, v2  }
0x3b: {  	v1 =	vld [tilespmem:$0x2700];
	_ =	sdelay $0x4  }
0x3c: {  	(xrf1) =	vunique.msk.u32 $0xffff, v1;
	_ =	sdelay $0xd  }
0x3d: {  	_, v2, vm0 =	vpop (xrf1);
	_ =	sdelay $0x3  }
0x3e: {  	v2 =	vcvt.s32.f32 v2;
	_ =	sdelay $0x1  }
0x3f: {  	s16 =	simm.s32 $0x80;
	s17 =	simm.s32 $0x1;
	[tilespmem:v1+s9+$0x0] =	vst.idx.add.f32.msk vm0, v2  }
0x40: {  	[spmem:s4] =	stream.strided.scatter [tilespmem:s9], [sflag:$0x1], $0x2800, s10, s16, $0x38;
	[tilespmem:$0x7C80] =	vst v63  }
0x41: {  	_ =	swait.ge [sflag:s17], $0x2800  }
0x42: {  	[sflag:s17] =	ssyncset.done $0x0  }
0x43: {  	[sflag:s17] =	ssyncadd.s32 $0xFFFFD800  }
0x44: {  	[bflag:$0x0] =	sbarrier.arrive $0xFFFF  }
0x45: {  	[tilespmem:s11], [sflag:$0x1] =	stream.strided.gather [spmem:s5], $0x280, s10, s16, $0x38;
	[tilespmem:$0x7C80] =	vst v63  }
0x46: {  	_ =	swait.ge [sflag:s17], $0x280  }
0x47: {  	[sflag:s17] =	ssyncset.done $0x0  }
0x48: {  	[sflag:s17] =	ssyncadd.s32 $0xFFFFFD80  }
.LBB2_6:
0x49: {  	s18 =	sshrl.u32 s17, $0x3  }
0x4a: {  	s18 =	smul.u32 $0x50000, s18;
	_ =	sdelay $0x1  }
0x4b: {  	s18 =	sshra.s32 s18, $0x2  }
0x4c: {  	s19 =	sand.u32 $0x380, s16;
	s18 =	sadd.s32 s18, s5  }
0x4d: {  	s18 =	sadd.s32 s19, s18  }
0x4e: {  	[tilespmem:s13], [sflag:$0x1] =	stream.strided.gather [spmem:s18], $0x280, s10, s12, $0x38;
	[tilespmem:$0x7C80] =	vst v63  }
0x4f: {  	_ =	swait.ge [sflag:s8], $0x280  }
0x50: {  	[sflag:s8] =	ssyncset.done $0x0  }
0x51: {  	[sflag:s8] =	ssyncadd.s32 $0xFFFFFD80  }
0x52: {  	v1 =	vld [tilespmem:$0x4F80]  }
0x53: {  	v2 =	vld [tilespmem:$0x5200]  }
0x54: {  	v3 =	vld [tilespmem:$0x4F90]  }
0x55: {  	v4 =	vld [tilespmem:$0x5210]  }
0x56: {  	v5 =	vld [tilespmem:$0x4FA0]  }
0x57: {  	v6 =	vld [tilespmem:$0x5220]  }
0x58: {  	v7 =	vld [tilespmem:$0x4FB0]  }
0x59: {  	v8 =	vld [tilespmem:$0x5230]  }
0x5a: {  	v9 =	vld [tilespmem:$0x4FC0]  }
0x5b: {  	v10 =	vld [tilespmem:$0x5240]  }
0x5c: {  	v11 =	vld [tilespmem:$0x4FD0]  }
0x5d: {  	v12 =	vld [tilespmem:$0x5250]  }
0x5e: {  	v13 =	vld [tilespmem:$0x4FE0]  }
0x5f: {  	v14 =	vld [tilespmem:$0x5260]  }
0x60: {  	v15 =	vld [tilespmem:$0x4FF0]  }
0x61: {  	v16 =	vld [tilespmem:$0x5270]  }
0x62: {  	v17 =	vld [tilespmem:$0x5000]  }
0x63: {  	v18 =	vld [tilespmem:$0x5280]  }
0x64: {  	v19 =	vld [tilespmem:$0x5010]  }
0x65: {  	v20 =	vld [tilespmem:$0x5290]  }
0x66: {  	v21 =	vld [tilespmem:$0x5020]  }
0x67: {  	v22 =	vld [tilespmem:$0x52A0]  }
0x68: {  	v23 =	vld [tilespmem:$0x5030]  }
0x69: {  	v24 =	vld [tilespmem:$0x52B0]  }
0x6a: {  	v25 =	vld [tilespmem:$0x5040]  }
0x6b: {  	v26 =	vld [tilespmem:$0x52C0]  }
0x6c: {  	v27 =	vld [tilespmem:$0x5050]  }
0x6d: {  	v28 =	vld [tilespmem:$0x52D0]  }
0x6e: {  	v29 =	vld [tilespmem:$0x5060]  }
0x6f: {  	v30 =	vld [tilespmem:$0x52E0]  }
0x70: {  	v31 =	vld [tilespmem:$0x5070]  }
0x71: {  	v32 =	vld [tilespmem:$0x52F0]  }
0x72: {  	v33 =	vld [tilespmem:$0x5080]  }
0x73: {  	v34 =	vld [tilespmem:$0x5300]  }
0x74: {  	v35 =	vld [tilespmem:$0x5090]  }
0x75: {  	v36 =	vld [tilespmem:$0x5310]  }
0x76: {  	v37 =	vld [tilespmem:$0x50A0]  }
0x77: {  	v38 =	vld [tilespmem:$0x5320]  }
0x78: {  	v39 =	vld [tilespmem:$0x50B0]  }
0x79: {  	v40 =	vld [tilespmem:$0x5330]  }
0x7a: {  	v41 =	vld [tilespmem:$0x50C0]  }
0x7b: {  	v42 =	vld [tilespmem:$0x5340]  }
0x7c: {  	v43 =	vld [tilespmem:$0x50D0]  }
0x7d: {  	v44 =	vld [tilespmem:$0x5350]  }
0x7e: {  	v45 =	vld [tilespmem:$0x50E0]  }
0x7f: {  	v53 =	vld [tilespmem:$0x5370];
	v1 =	vadd.f32 v2, v1  }
0x80: {  	v54 =	vld [tilespmem:$0x5100];
	v3 =	vadd.f32 v4, v3  }
0x81: {  	v55 =	vld [tilespmem:$0x5380];
	[tilespmem:$0x4F80] =	vst v1;
	v1 =	vadd.f32 v6, v5  }
0x82: {  	v56 =	vld [tilespmem:$0x5110];
	[tilespmem:$0x4F90] =	vst v3;
	v3 =	vadd.f32 v8, v7  }
0x83: {  	v57 =	vld [tilespmem:$0x5390];
	[tilespmem:$0x4FA0] =	vst v1;
	v1 =	vadd.f32 v10, v9  }
0x84: {  	v58 =	vld [tilespmem:$0x5120];
	[tilespmem:$0x4FB0] =	vst v3;
	v3 =	vadd.f32 v12, v11  }
0x85: {  	v59 =	vld [tilespmem:$0x53A0];
	[tilespmem:$0x4FC0] =	vst v1;
	v1 =	vadd.f32 v14, v13  }
0x86: {  	v60 =	vld [tilespmem:$0x5130];
	[tilespmem:$0x4FD0] =	vst v3;
	v3 =	vadd.f32 v16, v15  }
0x87: {  	v61 =	vld [tilespmem:$0x53B0];
	[tilespmem:$0x4FE0] =	vst v1;
	v1 =	vadd.f32 v18, v17  }
0x88: {  	v62 =	vld [tilespmem:$0x5140];
	[tilespmem:$0x4FF0] =	vst v3;
	v3 =	vadd.f32 v20, v19  }
0x89: {  	v63 =	vld [tilespmem:$0x53C0];
	[tilespmem:$0x5000] =	vst v1;
	v1 =	vadd.f32 v22, v21  }
0x8a: {  	v46 =	vld [tilespmem:$0x5160];
	[tilespmem:$0x5010] =	vst v3;
	v3 =	vadd.f32 v24, v23  }
0x8b: {  	v47 =	vld [tilespmem:$0x53E0];
	[tilespmem:$0x5020] =	vst v1;
	v1 =	vadd.f32 v26, v25  }
0x8c: {  	v48 =	vld [tilespmem:$0x5170];
	[tilespmem:$0x5030] =	vst v3;
	v3 =	vadd.f32 v28, v27  }
0x8d: {  	v49 =	vld [tilespmem:$0x53F0];
	[tilespmem:$0x5040] =	vst v1;
	v1 =	vadd.f32 v30, v29  }
0x8e: {  	v50 =	vld [tilespmem:$0x5180];
	[tilespmem:$0x5050] =	vst v3;
	v3 =	vadd.f32 v32, v31  }
0x8f: {  	v51 =	vld [tilespmem:$0x5400];
	[tilespmem:$0x5060] =	vst v1;
	v1 =	vadd.f32 v34, v33  }
0x90: {  	v2 =	vld [tilespmem:$0x5360];
	[tilespmem:$0x5070] =	vst v3;
	v3 =	vadd.f32 v36, v35  }
0x91: {  	v4 =	vld [tilespmem:$0x50F0];
	[tilespmem:$0x5080] =	vst v1;
	v1 =	vadd.f32 v38, v37  }
0x92: {  	v52 =	vld [tilespmem:$0x5190];
	[tilespmem:$0x5090] =	vst v3;
	v3 =	vadd.f32 v40, v39  }
0x93: {  	v28 =	vld [tilespmem:$0x5150];
	[tilespmem:$0x50A0] =	vst v1;
	v1 =	vadd.f32 v42, v41  }
0x94: {  	v30 =	vld [tilespmem:$0x53D0];
	[tilespmem:$0x50B0] =	vst v3;
	v3 =	vadd.f32 v44, v43  }
0x95: {  	[tilespmem:$0x50C0] =	vst v1;
	v1 =	vadd.f32 v2, v45;
	v2 =	vld [tilespmem:$0x5410]  }
0x96: {  	[tilespmem:$0x50D0] =	vst v3;
	v3 =	vadd.f32 v53, v4;
	v53 =	vld [tilespmem:$0x51A0]  }
0x97: {  	[tilespmem:$0x50E0] =	vst v1;
	v1 =	vadd.f32 v55, v54;
	v54 =	vld [tilespmem:$0x5420]  }
0x98: {  	[tilespmem:$0x50F0] =	vst v3;
	v3 =	vadd.f32 v57, v56;
	v55 =	vld [tilespmem:$0x51B0]  }
0x99: {  	v56 =	vld [tilespmem:$0x5430];
	[tilespmem:$0x5100] =	vst v1;
	v1 =	vadd.f32 v59, v58  }
0x9a: {  	v57 =	vld [tilespmem:$0x51C0];
	[tilespmem:$0x5110] =	vst v3;
	v3 =	vadd.f32 v61, v60  }
0x9b: {  	v58 =	vld [tilespmem:$0x5440];
	[tilespmem:$0x5120] =	vst v1;
	v1 =	vadd.f32 v63, v62  }
0x9c: {  	v59 =	vld [tilespmem:$0x51D0];
	[tilespmem:$0x5130] =	vst v3;
	v3 =	vadd.f32 v30, v28  }
0x9d: {  	v60 =	vld [tilespmem:$0x5450];
	[tilespmem:$0x5140] =	vst v1;
	v1 =	vadd.f32 v47, v46  }
0x9e: {  	v61 =	vld [tilespmem:$0x51E0];
	[tilespmem:$0x5150] =	vst v3;
	v3 =	vadd.f32 v49, v48  }
0x9f: {  	v2 =	vadd.f32 v2, v52;
	v63 =	vld [tilespmem:$0x5470];
	[tilespmem:$0x5160] =	vst v1  }
0xa0: {  	v1 =	vadd.f32 v51, v50;
	[tilespmem:$0x5170] =	vst v3;
	v3 =	vld [tilespmem:$0x51F0]  }
0xa1: {  	v62 =	vld [tilespmem:$0x5460];
	[tilespmem:$0x5190] =	vst v2;
	v2 =	vadd.f32 v56, v55  }
0xa2: {  	[tilespmem:$0x5180] =	vst v1;
	v1 =	vadd.f32 v54, v53  }
0xa3: {  	p0 =	sne.s32 s17, $0xF;
	[tilespmem:$0x51B0] =	vst v2;
	v2 =	vadd.f32 v60, v59  }
.Ltmp2:
0xa4: {  	[tilespmem:$0x51A0] =	vst v1;
	v1 =	vadd.f32 v58, v57;
	(pc) =	sbr.rel @p0 .LBB2_6-.Ltmp2, $4  }
0xa5: {  	[tilespmem:$0x51D0] =	vst v2;
	v2 =	vadd.f32 v63, v3  }
0xa6: {  	[tilespmem:$0x51C0] =	vst v1;
	v1 =	vadd.f32 v62, v61  }
0xa7: {  	[tilespmem:$0x51F0] =	vst v2  }
0xa8: {  	s16 =	sadd.s32 $0x80, s16;
	s17 =	sadd.s32 $0x1, s17;
	[tilespmem:$0x51E0] =	vst v1  }
0xa9: {  	s15 =	sadd.s32 $0x1, s15  }
0xaa: {  	p0 =	sne.s32 s15, s7  }
.Ltmp3:
0xab: {  	_ = 	snop;
	(pc) =	sbr.rel @p0 .LBB2_1-.Ltmp3, $4  }
0xac: {  	[hbm4b:s6+s12] =	stream.strided.scatter [tilespmem:s11], [sflag:$0x1], $0x280, s14, s12, $0x38;
	[tilespmem:$0x7C80] =	vst v63  }
0xad: {  	_ =	swait.ge [sflag:s8], $0x280  }
0xae: {  	[sflag:s8] =	ssyncset.done $0x0  }
0xaf: {  	[sflag:s8] =	ssyncadd.s32 $0xFFFFFD80  }
0xb0: {  	_ =	sfence.sel $0x180000  }
0xb1: {  	[bflag:$0x0] =	sbarrier.arrive $0xFFFF  }
0xb2: {  	p0 =	sne.s32 s0, $0x0;
	_ =	strace $0x90000047  }
0xb3: {  	s0 =	sadd.s32 @!p0 $0x100000, s1;
	[bflag:$0x2] =	sbarrier.arrive $0xFFFF  }
0xb4: {  	[sflag:s0] =	ssyncadd.tile.s32 @!p0 $0x1;
	_ =	shalt  }
.Lfunc_end2:
_tile_overlayer_lowered:
.L_overlay_start_2:
0xb5: {  	(tag) =	ssettag $0x2  }
0xb6: {  	s0 =	rddreg [dreg:$0x0];
	s2 =	stileid.u32  }
0xb7: {  	s1 =	rddreg [dreg:$0x1];
	p0 =	sne.s32 s2, $0x0  }
0xb8: {  	s3 =	rddreg [dreg:$0x2];
	[bflag:$0x3] =	sbarrier.arrive $0xFFFF;
	s2 =	simm.s32 @!p0 $0x1C01  }
0xb9: {  	[timem:s3], [sflag:s2] =	dma.local @!p0 [hbm:s0], s1  }
0xba: {  	s0 =	simm.s32 @!p0 $0x1  }
0xbb: {  	_ =	swait.ge @!p0 [sflag:s0], s1  }
0xbc: {  	s1 =	ssub.s32 @!p0 $0x0, s1;
	[sflag:s0] =	ssyncset.done @!p0 $0x0  }
0xbd: {  	[sflag:s0] =	ssyncadd.s32 @!p0 s1  }
0xbe: {  	[bflag:$0x3] =	sbarrier.arrive $0xFFFF  }
0xbf: {  	_ =	shalt  }

</sc_bundles>
